<compile_context>
chip_gen: v7x
topology: tpu7x:2x2x1
jax: 0.10.2.dev20260603
libtpu: 0.0.44.dev20260713+nightly
codegen_flags: <defaults>
</compile_context>

<pallas_src>
import jax
import jax.numpy as jnp
from jax import lax
from jax.experimental import pallas as pl
from jax.experimental.pallas import tpu as pltpu
from jax.experimental.pallas import tpu_sc as plsc

B, P, D = 4, 8192, 768
N = B * P
LANES = 16
NC, NS = 2, 16
NW = NC * NS
RPW = N // NW
C = 16
NCHUNK = RPW // C
GROUPS = D // LANES
NBUF = 4


def _pe_add_kernel(x_hbm, idx_hbm, pe_hbm, out_hbm, idx_v, *scratch):
    xbufs = scratch[0:NBUF]
    pebufs = scratch[NBUF:2 * NBUF]
    sem_x = scratch[2 * NBUF:3 * NBUF]
    sem_pe = scratch[3 * NBUF:4 * NBUF]
    sem_out = scratch[4 * NBUF:5 * NBUF]

    wid = lax.axis_index("s") * NC + lax.axis_index("c")
    base = wid * RPW
    pltpu.sync_copy(idx_hbm.at[pl.ds(base, RPW)], idx_v)

    def start_in(i, b):
        row0 = base + i * C
        pltpu.make_async_copy(
            x_hbm.at[pl.ds(row0, C)], xbufs[b], sem_x[b]).start()
        pltpu.make_async_copy(
            pe_hbm.at[idx_v.at[pl.ds(i * C, C)]], pebufs[b], sem_pe[b]).start()

    def wait_in(i, b):
        row0 = base + i * C
        pltpu.make_async_copy(
            x_hbm.at[pl.ds(row0, C)], xbufs[b], sem_x[b]).wait()
        pltpu.make_async_copy(
            pe_hbm.at[idx_v.at[pl.ds(i * C, C)]], pebufs[b], sem_pe[b]).wait()

    def start_out(i, b):
        row0 = base + i * C
        pltpu.make_async_copy(
            xbufs[b], out_hbm.at[pl.ds(row0, C)], sem_out[b]).start()

    def wait_out(i, b):
        row0 = base + i * C
        pltpu.make_async_copy(
            xbufs[b], out_hbm.at[pl.ds(row0, C)], sem_out[b]).wait()

    start_in(0, 0)
    start_in(1, 1)

    def outer(i0, _):
        for b in range(NBUF):
            i = i0 + b
            wait_in(i, b)

            nb = (b + 2) % NBUF

            @pl.when(i >= 2)
            def _():
                wait_out(i - 2, nb)

            @pl.when(i + 2 < NCHUNK)
            def _():
                start_in(i + 2, nb)

            def row_body(r, _):
                for k in range(GROUPS):
                    plsc.addupdate(xbufs[b].at[r, pl.ds(k * LANES, LANES)],
                                   pebufs[b][r, pl.ds(k * LANES, LANES)])
                return 0

            lax.fori_loop(0, C, row_body, 0)
            start_out(i, b)
        return 0

    lax.fori_loop(0, NCHUNK // NBUF, lambda s, c: outer(s * NBUF, c), 0)

    for i in range(NCHUNK - 2, NCHUNK):
        wait_out(i, i % NBUF)


@jax.jit
def kernel(x, indices, pe):
    x2 = x.reshape(N, D)
    idx = indices.reshape(N)
    tab = pe.reshape(P, D)
    mesh = plsc.VectorSubcoreMesh(core_axis_name="c", subcore_axis_name="s")
    out = pl.kernel(
        _pe_add_kernel,
        out_type=jax.ShapeDtypeStruct((N, D), jnp.float32),
        mesh=mesh,
        scratch_types=(
            [pltpu.VMEM((RPW,), jnp.int32)]
            + [pltpu.VMEM((C, D), jnp.float32) for _ in range(NBUF)]
            + [pltpu.VMEM((C, D), jnp.float32) for _ in range(NBUF)]
            + [pltpu.SemaphoreType.DMA for _ in range(3 * NBUF)]
        ),
    )(x2, idx, tab)
    return out.reshape(B, P, D)

# --- scband reference (transcript-rebuilt; emitter-appended) ---
"""Pipeline reference for scband-pe-18038862643871 (READ-ONLY COPY).

The authoritative reference and input builder live on the scoring server;
editing this copy changes nothing except your own understanding.
"""

import jax, jax.numpy as jnp
import numpy as np

B, P, D = 4, 8192, 768
MAX_LEN = 8192
INIT_STD = 0.02


def setup_inputs(seed: int = 0) -> dict:
    key = jax.random.key(seed)
    k1, k2, k3 = jax.random.split(key, 3)
    x = jax.random.normal(k1, (B, P, D), dtype=jnp.float32)
    indices = jax.random.randint(k2, (B, P), 0, MAX_LEN, dtype=jnp.int32)
    # learnable positional-encoding table, trunc-normal init approximated by
    # clipped normal with std=INIT_STD, shape (1, max_len, dim) as in the module
    pe = jnp.clip(jax.random.normal(k3, (1, MAX_LEN, D), dtype=jnp.float32) * INIT_STD,
                  -2.0 * INIT_STD, 2.0 * INIT_STD)
    return {"x": x, "indices": indices, "pe": pe}


def reference(x, indices, pe):
    # torch.gather(pe.expand(B,-1,-1), 1, indices.unsqueeze(-1).expand(-1,-1,D))
    # with a broadcasted (size-1 batch) table is equivalent to a row gather
    # from pe[0] with per-(b,p) position indices.
    pos_encoding = jnp.take(pe[0], indices, axis=0)  # (B, P, D)
    return x + pos_encoding

if __name__ == "__main__":
    import jax
    _d = setup_inputs()
    print(jax.jit(kernel)(*tuple(_d.values())))

</pallas_src>

<mosaic_0001>
#map = affine_map<(d0, d1) -> (0, 0)>
#map1 = affine_map<(d0, d1) -> (0)>
module attributes {stable_mosaic.version = 14 : i64} {
  func.func @_pe_add_kernel(%arg0: i32, %arg1: i32, %arg2: memref<32768x768xf32, #tpu.memory_space<hbm>>, %arg3: memref<32768xi32, #tpu.memory_space<hbm>>, %arg4: memref<8192x768xf32, #tpu.memory_space<hbm>>, %arg5: memref<32768x768xf32, #tpu.memory_space<hbm>>, %arg6: memref<1024xi32, #tpu.memory_space<vmem>>, %arg7: memref<16x768xf32, #tpu.memory_space<vmem>>, %arg8: memref<16x768xf32, #tpu.memory_space<vmem>>, %arg9: memref<16x768xf32, #tpu.memory_space<vmem>>, %arg10: memref<16x768xf32, #tpu.memory_space<vmem>>, %arg11: memref<16x768xf32, #tpu.memory_space<vmem>>, %arg12: memref<16x768xf32, #tpu.memory_space<vmem>>, %arg13: memref<16x768xf32, #tpu.memory_space<vmem>>, %arg14: memref<16x768xf32, #tpu.memory_space<vmem>>, %arg15: memref<!tpu.dma_semaphore, #tpu.memory_space<semaphore_mem>>, %arg16: memref<!tpu.dma_semaphore, #tpu.memory_space<semaphore_mem>>, %arg17: memref<!tpu.dma_semaphore, #tpu.memory_space<semaphore_mem>>, %arg18: memref<!tpu.dma_semaphore, #tpu.memory_space<semaphore_mem>>, %arg19: memref<!tpu.dma_semaphore, #tpu.memory_space<semaphore_mem>>, %arg20: memref<!tpu.dma_semaphore, #tpu.memory_space<semaphore_mem>>, %arg21: memref<!tpu.dma_semaphore, #tpu.memory_space<semaphore_mem>>, %arg22: memref<!tpu.dma_semaphore, #tpu.memory_space<semaphore_mem>>, %arg23: memref<!tpu.dma_semaphore, #tpu.memory_space<semaphore_mem>>, %arg24: memref<!tpu.dma_semaphore, #tpu.memory_space<semaphore_mem>>, %arg25: memref<!tpu.dma_semaphore, #tpu.memory_space<semaphore_mem>>, %arg26: memref<!tpu.dma_semaphore, #tpu.memory_space<semaphore_mem>>) attributes {dimension_semantics = [#tpu.dimension_semantics<core_parallel>, #tpu.dimension_semantics<subcore_parallel>], iteration_bounds = array<i64: 2, 16>, scalar_prefetch = 0 : i64, scratch_operands = 21 : i64, tpu.core_type = #tpu.core_type<sc_vector_subcore>, window_params = [{transform_indices = #map}, {transform_indices = #map1}, {transform_indices = #map}, {transform_indices = #map}]} {
    %mul3A = arith.constant 2 : i32
    %mul3A_0 = arith.muli %arg1, %mul3A : i32
    %add3A = arith.addi %mul3A_0, %arg0 : i32
    %mul3A_1 = arith.constant 1024 : i32
    %mul3A_2 = arith.muli %add3A, %mul3A_1 : i32
    "tpu.region"() ({
      %run_scoped3A = tpu.sem_alloc : memref<!tpu.dma_semaphore, #tpu.memory_space<semaphore_mem>>
      %dma_start3A_41 = tpu.memref_slice %arg3[%mul3A_2] : memref<32768xi32, #tpu.memory_space<hbm>> -> memref<1024xi32, #tpu.memory_space<hbm>>
      %dma_start3A_42 = tpu.memref_slice %arg3[%mul3A_2] : memref<32768xi32, #tpu.memory_space<hbm>> -> memref<1024xi32, #tpu.memory_space<hbm>>
      tpu.enqueue_dma source(%dma_start3A_42 : memref<1024xi32, #tpu.memory_space<hbm>>) target(%arg6 : memref<1024xi32, #tpu.memory_space<vmem>>) target_semaphore(%run_scoped3A : memref<!tpu.dma_semaphore, #tpu.memory_space<semaphore_mem>>)
      %dma_wait3A_43 = tpu.memref_slice %arg3[%mul3A_2] : memref<32768xi32, #tpu.memory_space<hbm>> -> memref<1024xi32, #tpu.memory_space<hbm>>
      %dma_wait3A_44 = tpu.memref_slice %arg3[%mul3A_2] : memref<32768xi32, #tpu.memory_space<hbm>> -> memref<1024xi32, #tpu.memory_space<hbm>>
      tpu.wait_dma2 semaphore(%run_scoped3A : memref<!tpu.dma_semaphore, #tpu.memory_space<semaphore_mem>>) src(%dma_wait3A_44 : memref<1024xi32, #tpu.memory_space<hbm>>) dst(%arg6 : memref<1024xi32, #tpu.memory_space<vmem>>)
      tpu.yield
    }) : () -> ()
    %add3A_3 = arith.constant 0 : i32
    %add3A_4 = arith.addi %mul3A_2, %add3A_3 : i32
    %dma_start3A = arith.constant 0 : i32
    %dma_start3A_5 = tpu.memref_slice %arg2[%add3A_4, %dma_start3A] : memref<32768x768xf32, #tpu.memory_space<hbm>> -> memref<16x768xf32, #tpu.memory_space<hbm>>
    %dma_start3A_6 = arith.constant 0 : i32
    %dma_start3A_7 = tpu.memref_slice %arg2[%add3A_4, %dma_start3A_6] : memref<32768x768xf32, #tpu.memory_space<hbm>> -> memref<16x768xf32, #tpu.memory_space<hbm>>
    tpu.enqueue_dma source(%dma_start3A_7 : memref<16x768xf32, #tpu.memory_space<hbm>>) target(%arg7 : memref<16x768xf32, #tpu.memory_space<vmem>>) target_semaphore(%arg15 : memref<!tpu.dma_semaphore, #tpu.memory_space<semaphore_mem>>)
    %dma_start3A_8 = arith.constant 0 : i32
    %dma_start3A_9 = tpu.memref_slice %arg6[%dma_start3A_8] : memref<1024xi32, #tpu.memory_space<vmem>> -> memref<16xi32, #tpu.memory_space<vmem>>
    %dma_start3A_10 = arith.constant 0 : i32
    %dma_start3A_11 = arith.constant 0 : i32
    %dma_start3A_12 = tpu.memref_slice %arg4[%dma_start3A_10, %dma_start3A_11] : memref<8192x768xf32, #tpu.memory_space<hbm>> -> memref<8192x768xf32, #tpu.memory_space<hbm>>
    tpu.enqueue_indirect_dma source(%dma_start3A_12 : memref<8192x768xf32, #tpu.memory_space<hbm>>) target(%arg11 : memref<16x768xf32, #tpu.memory_space<vmem>>) offsets(%dma_start3A_9 : memref<16xi32, #tpu.memory_space<vmem>>) semaphore(%arg19 : memref<!tpu.dma_semaphore, #tpu.memory_space<semaphore_mem>>)
    %add3A_13 = arith.constant 16 : i32
    %add3A_14 = arith.addi %mul3A_2, %add3A_13 : i32
    %dma_start3A_15 = arith.constant 0 : i32
    %dma_start3A_16 = tpu.memref_slice %arg2[%add3A_14, %dma_start3A_15] : memref<32768x768xf32, #tpu.memory_space<hbm>> -> memref<16x768xf32, #tpu.memory_space<hbm>>
    %dma_start3A_17 = arith.constant 0 : i32
    %dma_start3A_18 = tpu.memref_slice %arg2[%add3A_14, %dma_start3A_17] : memref<32768x768xf32, #tpu.memory_space<hbm>> -> memref<16x768xf32, #tpu.memory_space<hbm>>
    tpu.enqueue_dma source(%dma_start3A_18 : memref<16x768xf32, #tpu.memory_space<hbm>>) target(%arg8 : memref<16x768xf32, #tpu.memory_space<vmem>>) target_semaphore(%arg16 : memref<!tpu.dma_semaphore, #tpu.memory_space<semaphore_mem>>)
    %dma_start3A_19 = arith.constant 16 : i32
    %dma_start3A_20 = tpu.memref_slice %arg6[%dma_start3A_19] : memref<1024xi32, #tpu.memory_space<vmem>> -> memref<16xi32, #tpu.memory_space<vmem>>
    %dma_start3A_21 = arith.constant 0 : i32
    %dma_start3A_22 = arith.constant 0 : i32
    %dma_start3A_23 = tpu.memref_slice %arg4[%dma_start3A_21, %dma_start3A_22] : memref<8192x768xf32, #tpu.memory_space<hbm>> -> memref<8192x768xf32, #tpu.memory_space<hbm>>
    tpu.enqueue_indirect_dma source(%dma_start3A_23 : memref<8192x768xf32, #tpu.memory_space<hbm>>) target(%arg12 : memref<16x768xf32, #tpu.memory_space<vmem>>) offsets(%dma_start3A_20 : memref<16xi32, #tpu.memory_space<vmem>>) semaphore(%arg20 : memref<!tpu.dma_semaphore, #tpu.memory_space<semaphore_mem>>)
    %scan3A = arith.constant 0 : i32
    %scan3A_24 = arith.constant 0 : i32
    %scan3A_25 = arith.constant 16 : i32
    %scan3A_26 = arith.addi %scan3A_24, %scan3A_25 : i32
    %scan3A_27 = arith.constant 1 : i32
    %scan3A_28 = scf.for %scan3A_41 = %scan3A_24 to %scan3A_26 step %scan3A_27 iter_args(%scan3A_42 = %scan3A) -> (i32)  : i32 {
      %mul3A_43 = arith.constant 4 : i32
      %mul3A_44 = arith.muli %scan3A_41, %mul3A_43 : i32
      %add3A_45 = arith.constant 0 : i32
      %add3A_46 = arith.addi %mul3A_44, %add3A_45 : i32
      %mul3A_47 = arith.constant 16 : i32
      %mul3A_48 = arith.muli %add3A_46, %mul3A_47 : i32
      %add3A_49 = arith.addi %mul3A_2, %mul3A_48 : i32
      %dma_wait3A_50 = arith.constant 0 : i32
      %dma_wait3A_51 = tpu.memref_slice %arg2[%add3A_49, %dma_wait3A_50] : memref<32768x768xf32, #tpu.memory_space<hbm>> -> memref<16x768xf32, #tpu.memory_space<hbm>>
      %dma_wait3A_52 = arith.constant 0 : i32
      %dma_wait3A_53 = tpu.memref_slice %arg2[%add3A_49, %dma_wait3A_52] : memref<32768x768xf32, #tpu.memory_space<hbm>> -> memref<16x768xf32, #tpu.memory_space<hbm>>
      tpu.wait_dma2 semaphore(%arg15 : memref<!tpu.dma_semaphore, #tpu.memory_space<semaphore_mem>>) src(%dma_wait3A_53 : memref<16x768xf32, #tpu.memory_space<hbm>>) dst(%arg7 : memref<16x768xf32, #tpu.memory_space<vmem>>)
      %mul3A_54 = arith.constant 16 : i32
      %mul3A_55 = arith.muli %add3A_46, %mul3A_54 : i32
      %dma_wait3A_56 = tpu.memref_slice %arg6[%mul3A_55] : memref<1024xi32, #tpu.memory_space<vmem>> -> memref<16xi32, #tpu.memory_space<vmem>>
      %dma_wait3A_57 = arith.constant 0 : i32
      %dma_wait3A_58 = arith.constant 0 : i32
      %dma_wait3A_59 = tpu.memref_slice %arg4[%dma_wait3A_57, %dma_wait3A_58] : memref<8192x768xf32, #tpu.memory_space<hbm>> -> memref<8192x768xf32, #tpu.memory_space<hbm>>
      tpu.wait_indirect_dma semaphore(%arg19 : memref<!tpu.dma_semaphore, #tpu.memory_space<semaphore_mem>>) src(%dma_wait3A_59 : memref<8192x768xf32, #tpu.memory_space<hbm>>) dst(%arg11 : memref<16x768xf32, #tpu.memory_space<vmem>>)
      %ge3A = arith.constant 2 : i32
      %ge3A_60 = arith.cmpi sge, %add3A_46, %ge3A : i32
      %convert_element_type3A = arith.extui %ge3A_60 : i1 to i32
      %cond3A = arith.constant 0 : i32
      %cond3A_61 = arith.cmpi ne, %convert_element_type3A, %cond3A : i32
      scf.if %cond3A_61 {
        %sub3A = arith.constant 2 : i32
        %sub3A_206 = arith.subi %add3A_46, %sub3A : i32
        %mul3A_207 = arith.constant 16 : i32
        %mul3A_208 = arith.muli %sub3A_206, %mul3A_207 : i32
        %add3A_209 = arith.addi %mul3A_2, %mul3A_208 : i32
        %dma_wait3A_210 = arith.constant 0 : i32
        %dma_wait3A_211 = tpu.memref_slice %arg5[%add3A_209, %dma_wait3A_210] : memref<32768x768xf32, #tpu.memory_space<hbm>> -> memref<16x768xf32, #tpu.memory_space<hbm>>
        %dma_wait3A_212 = arith.constant 0 : i32
        %dma_wait3A_213 = tpu.memref_slice %arg5[%add3A_209, %dma_wait3A_212] : memref<32768x768xf32, #tpu.memory_space<hbm>> -> memref<16x768xf32, #tpu.memory_space<hbm>>
        tpu.wait_dma2 semaphore(%arg25 : memref<!tpu.dma_semaphore, #tpu.memory_space<semaphore_mem>>) src(%arg9 : memref<16x768xf32, #tpu.memory_space<vmem>>) dst(%dma_wait3A_213 : memref<16x768xf32, #tpu.memory_space<hbm>>)
      } else {
      }
      %add3A_62 = arith.constant 2 : i32
      %add3A_63 = arith.addi %add3A_46, %add3A_62 : i32
      %lt3A = arith.constant 64 : i32
      %lt3A_64 = arith.cmpi slt, %add3A_63, %lt3A : i32
      %convert_element_type3A_65 = arith.extui %lt3A_64 : i1 to i32
      %cond3A_66 = arith.constant 0 : i32
      %cond3A_67 = arith.cmpi ne, %convert_element_type3A_65, %cond3A_66 : i32
      scf.if %cond3A_67 {
        %add3A_206 = arith.constant 2 : i32
        %add3A_207 = arith.addi %add3A_46, %add3A_206 : i32
        %mul3A_208 = arith.constant 16 : i32
        %mul3A_209 = arith.muli %add3A_207, %mul3A_208 : i32
        %add3A_210 = arith.addi %mul3A_2, %mul3A_209 : i32
        %dma_start3A_211 = arith.constant 0 : i32
        %dma_start3A_212 = tpu.memref_slice %arg2[%add3A_210, %dma_start3A_211] : memref<32768x768xf32, #tpu.memory_space<hbm>> -> memref<16x768xf32, #tpu.memory_space<hbm>>
        %dma_start3A_213 = arith.constant 0 : i32
        %dma_start3A_214 = tpu.memref_slice %arg2[%add3A_210, %dma_start3A_213] : memref<32768x768xf32, #tpu.memory_space<hbm>> -> memref<16x768xf32, #tpu.memory_space<hbm>>
        tpu.enqueue_dma source(%dma_start3A_214 : memref<16x768xf32, #tpu.memory_space<hbm>>) target(%arg9 : memref<16x768xf32, #tpu.memory_space<vmem>>) target_semaphore(%arg17 : memref<!tpu.dma_semaphore, #tpu.memory_space<semaphore_mem>>)
        %mul3A_215 = arith.constant 16 : i32
        %mul3A_216 = arith.muli %add3A_207, %mul3A_215 : i32
        %dma_start3A_217 = tpu.memref_slice %arg6[%mul3A_216] : memref<1024xi32, #tpu.memory_space<vmem>> -> memref<16xi32, #tpu.memory_space<vmem>>
        %dma_start3A_218 = arith.constant 0 : i32
        %dma_start3A_219 = arith.constant 0 : i32
        %dma_start3A_220 = tpu.memref_slice %arg4[%dma_start3A_218, %dma_start3A_219] : memref<8192x768xf32, #tpu.memory_space<hbm>> -> memref<8192x768xf32, #tpu.memory_space<hbm>>
        tpu.enqueue_indirect_dma source(%dma_start3A_220 : memref<8192x768xf32, #tpu.memory_space<hbm>>) target(%arg13 : memref<16x768xf32, #tpu.memory_space<vmem>>) offsets(%dma_start3A_217 : memref<16xi32, #tpu.memory_space<vmem>>) semaphore(%arg21 : memref<!tpu.dma_semaphore, #tpu.memory_space<semaphore_mem>>)
      } else {
      }
      %scan3A_68 = arith.constant 0 : i32
      %scan3A_69 = arith.constant 0 : i32
      %scan3A_70 = arith.constant 16 : i32
      %scan3A_71 = arith.addi %scan3A_69, %scan3A_70 : i32
      %scan3A_72 = arith.constant 1 : i32
      %scan3A_73 = scf.for %scan3A_206 = %scan3A_69 to %scan3A_71 step %scan3A_72 iter_args(%scan3A_207 = %scan3A_68) -> (i32)  : i32 {
        %get3A = arith.index_cast %scan3A_206 : i32 to index
        %get3A_208 = arith.constant 0 : index
        %get3A_209 = tpu.vector_load %arg11[%get3A, %get3A_208] {strides = array<i32>} : memref<16x768xf32, #tpu.memory_space<vmem>>, vector<1x16xf32>,
        %get3A_210 = vector.shape_cast %get3A_209 : vector<1x16xf32> to vector<16xf32>
        %swap3A = arith.index_cast %scan3A_206 : i32 to index
        %swap3A_211 = arith.constant 0 : index
        %swap3A_212 = tpu.vector_load %arg7[%swap3A, %swap3A_211] {strides = array<i32>} : memref<16x768xf32, #tpu.memory_space<vmem>>, vector<1x16xf32>,
        %swap3A_213 = vector.shape_cast %swap3A_212 : vector<1x16xf32> to vector<16xf32>
        %swap3A_214 = vector.shape_cast %get3A_210 : vector<16xf32> to vector<1x16xf32>
        tpu.vector_store %arg7[%swap3A, %swap3A_211], %swap3A_214 {add = true, strides = array<i32>} : memref<16x768xf32, #tpu.memory_space<vmem>>, vector<1x16xf32>,
        %get3A_215 = arith.index_cast %scan3A_206 : i32 to index
        %get3A_216 = arith.constant 16 : index
        %get3A_217 = tpu.vector_load %arg11[%get3A_215, %get3A_216] {strides = array<i32>} : memref<16x768xf32, #tpu.memory_space<vmem>>, vector<1x16xf32>,
        %get3A_218 = vector.shape_cast %get3A_217 : vector<1x16xf32> to vector<16xf32>
        %swap3A_219 = arith.index_cast %scan3A_206 : i32 to index
        %swap3A_220 = arith.constant 16 : index
        %swap3A_221 = tpu.vector_load %arg7[%swap3A_219, %swap3A_220] {strides = array<i32>} : memref<16x768xf32, #tpu.memory_space<vmem>>, vector<1x16xf32>,
        %swap3A_222 = vector.shape_cast %swap3A_221 : vector<1x16xf32> to vector<16xf32>
        %swap3A_223 = vector.shape_cast %get3A_218 : vector<16xf32> to vector<1x16xf32>
        tpu.vector_store %arg7[%swap3A_219, %swap3A_220], %swap3A_223 {add = true, strides = array<i32>} : memref<16x768xf32, #tpu.memory_space<vmem>>, vector<1x16xf32>,
        %get3A_224 = arith.index_cast %scan3A_206 : i32 to index
        %get3A_225 = arith.constant 32 : index
        %get3A_226 = tpu.vector_load %arg11[%get3A_224, %get3A_225] {strides = array<i32>} : memref<16x768xf32, #tpu.memory_space<vmem>>, vector<1x16xf32>,
        %get3A_227 = vector.shape_cast %get3A_226 : vector<1x16xf32> to vector<16xf32>
        %swap3A_228 = arith.index_cast %scan3A_206 : i32 to index
        %swap3A_229 = arith.constant 32 : index
        %swap3A_230 = tpu.vector_load %arg7[%swap3A_228, %swap3A_229] {strides = array<i32>} : memref<16x768xf32, #tpu.memory_space<vmem>>, vector<1x16xf32>,
        %swap3A_231 = vector.shape_cast %swap3A_230 : vector<1x16xf32> to vector<16xf32>
        %swap3A_232 = vector.shape_cast %get3A_227 : vector<16xf32> to vector<1x16xf32>
        tpu.vector_store %arg7[%swap3A_228, %swap3A_229], %swap3A_232 {add = true, strides = array<i32>} : memref<16x768xf32, #tpu.memory_space<vmem>>, vector<1x16xf32>,
        %get3A_233 = arith.index_cast %scan3A_206 : i32 to index
        %get3A_234 = arith.constant 48 : index
        %get3A_235 = tpu.vector_load %arg11[%get3A_233, %get3A_234] {strides = array<i32>} : memref<16x768xf32, #tpu.memory_space<vmem>>, vector<1x16xf32>,
        %get3A_236 = vector.shape_cast %get3A_235 : vector<1x16xf32> to vector<16xf32>
        %swap3A_237 = arith.index_cast %scan3A_206 : i32 to index
        %swap3A_238 = arith.constant 48 : index
        %swap3A_239 = tpu.vector_load %arg7[%swap3A_237, %swap3A_238] {strides = array<i32>} : memref<16x768xf32, #tpu.memory_space<vmem>>, vector<1x16xf32>,
        %swap3A_240 = vector.shape_cast %swap3A_239 : vector<1x16xf32> to vector<16xf32>
        %swap3A_241 = vector.shape_cast %get3A_236 : vector<16xf32> to vector<1x16xf32>
        tpu.vector_store %arg7[%swap3A_237, %swap3A_238], %swap3A_241 {add = true, strides = array<i32>} : memref<16x768xf32, #tpu.memory_space<vmem>>, vector<1x16xf32>,
        %get3A_242 = arith.index_cast %scan3A_206 : i32 to index
        %get3A_243 = arith.constant 64 : index
        %get3A_244 = tpu.vector_load %arg11[%get3A_242, %get3A_243] {strides = array<i32>} : memref<16x768xf32, #tpu.memory_space<vmem>>, vector<1x16xf32>,
        %get3A_245 = vector.shape_cast %get3A_244 : vector<1x16xf32> to vector<16xf32>
        %swap3A_246 = arith.index_cast %scan3A_206 : i32 to index
        %swap3A_247 = arith.constant 64 : index
        %swap3A_248 = tpu.vector_load %arg7[%swap3A_246, %swap3A_247] {strides = array<i32>} : memref<16x768xf32, #tpu.memory_space<vmem>>, vector<1x16xf32>,
        %swap3A_249 = vector.shape_cast %swap3A_248 : vector<1x16xf32> to vector<16xf32>
        %swap3A_250 = vector.shape_cast %get3A_245 : vector<16xf32> to vector<1x16xf32>
        tpu.vector_store %arg7[%swap3A_246, %swap3A_247], %swap3A_250 {add = true, strides = array<i32>} : memref<16x768xf32, #tpu.memory_space<vmem>>, vector<1x16xf32>,
        %get3A_251 = arith.index_cast %scan3A_206 : i32 to index
        %get3A_252 = arith.constant 80 : index
        %get3A_253 = tpu.vector_load %arg11[%get3A_251, %get3A_252] {strides = array<i32>} : memref<16x768xf32, #tpu.memory_space<vmem>>, vector<1x16xf32>,
        %get3A_254 = vector.shape_cast %get3A_253 : vector<1x16xf32> to vector<16xf32>
        %swap3A_255 = arith.index_cast %scan3A_206 : i32 to index
        %swap3A_256 = arith.constant 80 : index
        %swap3A_257 = tpu.vector_load %arg7[%swap3A_255, %swap3A_256] {strides = array<i32>} : memref<16x768xf32, #tpu.memory_space<vmem>>, vector<1x16xf32>,
        %swap3A_258 = vector.shape_cast %swap3A_257 : vector<1x16xf32> to vector<16xf32>
        %swap3A_259 = vector.shape_cast %get3A_254 : vector<16xf32> to vector<1x16xf32>
        tpu.vector_store %arg7[%swap3A_255, %swap3A_256], %swap3A_259 {add = true, strides = array<i32>} : memref<16x768xf32, #tpu.memory_space<vmem>>, vector<1x16xf32>,
        %get3A_260 = arith.index_cast %scan3A_206 : i32 to index
        %get3A_261 = arith.constant 96 : index
        %get3A_262 = tpu.vector_load %arg11[%get3A_260, %get3A_261] {strides = array<i32>} : memref<16x768xf32, #tpu.memory_space<vmem>>, vector<1x16xf32>,
        %get3A_263 = vector.shape_cast %get3A_262 : vector<1x16xf32> to vector<16xf32>
        %swap3A_264 = arith.index_cast %scan3A_206 : i32 to index
        %swap3A_265 = arith.constant 96 : index
        %swap3A_266 = tpu.vector_load %arg7[%swap3A_264, %swap3A_265] {strides = array<i32>} : memref<16x768xf32, #tpu.memory_space<vmem>>, vector<1x16xf32>,
        %swap3A_267 = vector.shape_cast %swap3A_266 : vector<1x16xf32> to vector<16xf32>
        %swap3A_268 = vector.shape_cast %get3A_263 : vector<16xf32> to vector<1x16xf32>
        tpu.vector_store %arg7[%swap3A_264, %swap3A_265], %swap3A_268 {add = true, strides = array<i32>} : memref<16x768xf32, #tpu.memory_space<vmem>>, vector<1x16xf32>,
        %get3A_269 = arith.index_cast %scan3A_206 : i32 to index
        %get3A_270 = arith.constant 112 : index
        %get3A_271 = tpu.vector_load %arg11[%get3A_269, %get3A_270] {strides = array<i32>} : memref<16x768xf32, #tpu.memory_space<vmem>>, vector<1x16xf32>,
        %get3A_272 = vector.shape_cast %get3A_271 : vector<1x16xf32> to vector<16xf32>
        %swap3A_273 = arith.index_cast %scan3A_206 : i32 to index
        %swap3A_274 = arith.constant 112 : index
        %swap3A_275 = tpu.vector_load %arg7[%swap3A_273, %swap3A_274] {strides = array<i32>} : memref<16x768xf32, #tpu.memory_space<vmem>>, vector<1x16xf32>,
        %swap3A_276 = vector.shape_cast %swap3A_275 : vector<1x16xf32> to vector<16xf32>
        %swap3A_277 = vector.shape_cast %get3A_272 : vector<16xf32> to vector<1x16xf32>
        tpu.vector_store %arg7[%swap3A_273, %swap3A_274], %swap3A_277 {add = true, strides = array<i32>} : memref<16x768xf32, #tpu.memory_space<vmem>>, vector<1x16xf32>,
        %get3A_278 = arith.index_cast %scan3A_206 : i32 to index
        %get3A_279 = arith.constant 128 : index
        %get3A_280 = tpu.vector_load %arg11[%get3A_278, %get3A_279] {strides = array<i32>} : memref<16x768xf32, #tpu.memory_space<vmem>>, vector<1x16xf32>,
        %get3A_281 = vector.shape_cast %get3A_280 : vector<1x16xf32> to vector<16xf32>
        %swap3A_282 = arith.index_cast %scan3A_206 : i32 to index
        %swap3A_283 = arith.constant 128 : index
        %swap3A_284 = tpu.vector_load %arg7[%swap3A_282, %swap3A_283] {strides = array<i32>} : memref<16x768xf32, #tpu.memory_space<vmem>>, vector<1x16xf32>,
        %swap3A_285 = vector.shape_cast %swap3A_284 : vector<1x16xf32> to vector<16xf32>
        %swap3A_286 = vector.shape_cast %get3A_281 : vector<16xf32> to vector<1x16xf32>
        tpu.vector_store %arg7[%swap3A_282, %swap3A_283], %swap3A_286 {add = true, strides = array<i32>} : memref<16x768xf32, #tpu.memory_space<vmem>>, vector<1x16xf32>,
        %get3A_287 = arith.index_cast %scan3A_206 : i32 to index
        %get3A_288 = arith.constant 144 : index
        %get3A_289 = tpu.vector_load %arg11[%get3A_287, %get3A_288] {strides = array<i32>} : memref<16x768xf32, #tpu.memory_space<vmem>>, vector<1x16xf32>,
        %get3A_290 = vector.shape_cast %get3A_289 : vector<1x16xf32> to vector<16xf32>
        %swap3A_291 = arith.index_cast %scan3A_206 : i32 to index
        %swap3A_292 = arith.constant 144 : index
        %swap3A_293 = tpu.vector_load %arg7[%swap3A_291, %swap3A_292] {strides = array<i32>} : memref<16x768xf32, #tpu.memory_space<vmem>>, vector<1x16xf32>,
        %swap3A_294 = vector.shape_cast %swap3A_293 : vector<1x16xf32> to vector<16xf32>
        %swap3A_295 = vector.shape_cast %get3A_290 : vector<16xf32> to vector<1x16xf32>
        tpu.vector_store %arg7[%swap3A_291, %swap3A_292], %swap3A_295 {add = true, strides = array<i32>} : memref<16x768xf32, #tpu.memory_space<vmem>>, vector<1x16xf32>,
        %get3A_296 = arith.index_cast %scan3A_206 : i32 to index
        %get3A_297 = arith.constant 160 : index
        %get3A_298 = tpu.vector_load %arg11[%get3A_296, %get3A_297] {strides = array<i32>} : memref<16x768xf32, #tpu.memory_space<vmem>>, vector<1x16xf32>,
        %get3A_299 = vector.shape_cast %get3A_298 : vector<1x16xf32> to vector<16xf32>
        %swap3A_300 = arith.index_cast %scan3A_206 : i32 to index
        %swap3A_301 = arith.constant 160 : index
        %swap3A_302 = tpu.vector_load %arg7[%swap3A_300, %swap3A_301] {strides = array<i32>} : memref<16x768xf32, #tpu.memory_space<vmem>>, vector<1x16xf32>,
        %swap3A_303 = vector.shape_cast %swap3A_302 : vector<1x16xf32> to vector<16xf32>
        %swap3A_304 = vector.shape_cast %get3A_299 : vector<16xf32> to vector<1x16xf32>
        tpu.vector_store %arg7[%swap3A_300, %swap3A_301], %swap3A_304 {add = true, strides = array<i32>} : memref<16x768xf32, #tpu.memory_space<vmem>>, vector<1x16xf32>,
        %get3A_305 = arith.index_cast %scan3A_206 : i32 to index
        %get3A_306 = arith.constant 176 : index
        %get3A_307 = tpu.vector_load %arg11[%get3A_305, %get3A_306] {strides = array<i32>} : memref<16x768xf32, #tpu.memory_space<vmem>>, vector<1x16xf32>,
        %get3A_308 = vector.shape_cast %get3A_307 : vector<1x16xf32> to vector<16xf32>
        %swap3A_309 = arith.index_cast %scan3A_206 : i32 to index
        %swap3A_310 = arith.constant 176 : index
        %swap3A_311 = tpu.vector_load %arg7[%swap3A_309, %swap3A_310] {strides = array<i32>} : memref<16x768xf32, #tpu.memory_space<vmem>>, vector<1x16xf32>,
        %swap3A_312 = vector.shape_cast %swap3A_311 : vector<1x16xf32> to vector<16xf32>
        %swap3A_313 = vector.shape_cast %get3A_308 : vector<16xf32> to vector<1x16xf32>
        tpu.vector_store %arg7[%swap3A_309, %swap3A_310], %swap3A_313 {add = true, strides = array<i32>} : memref<16x768xf32, #tpu.memory_space<vmem>>, vector<1x16xf32>,
        %get3A_314 = arith.index_cast %scan3A_206 : i32 to index
        %get3A_315 = arith.constant 192 : index
        %get3A_316 = tpu.vector_load %arg11[%get3A_314, %get3A_315] {strides = array<i32>} : memref<16x768xf32, #tpu.memory_space<vmem>>, vector<1x16xf32>,
        %get3A_317 = vector.shape_cast %get3A_316 : vector<1x16xf32> to vector<16xf32>
        %swap3A_318 = arith.index_cast %scan3A_206 : i32 to index
        %swap3A_319 = arith.constant 192 : index
        %swap3A_320 = tpu.vector_load %arg7[%swap3A_318, %swap3A_319] {strides = array<i32>} : memref<16x768xf32, #tpu.memory_space<vmem>>, vector<1x16xf32>,
        %swap3A_321 = vector.shape_cast %swap3A_320 : vector<1x16xf32> to vector<16xf32>
        %swap3A_322 = vector.shape_cast %get3A_317 : vector<16xf32> to vector<1x16xf32>
        tpu.vector_store %arg7[%swap3A_318, %swap3A_319], %swap3A_322 {add = true, strides = array<i32>} : memref<16x768xf32, #tpu.memory_space<vmem>>, vector<1x16xf32>,
        %get3A_323 = arith.index_cast %scan3A_206 : i32 to index
        %get3A_324 = arith.constant 208 : index
        %get3A_325 = tpu.vector_load %arg11[%get3A_323, %get3A_324] {strides = array<i32>} : memref<16x768xf32, #tpu.memory_space<vmem>>, vector<1x16xf32>,
        %get3A_326 = vector.shape_cast %get3A_325 : vector<1x16xf32> to vector<16xf32>
        %swap3A_327 = arith.index_cast %scan3A_206 : i32 to index
        %swap3A_328 = arith.constant 208 : index
        %swap3A_329 = tpu.vector_load %arg7[%swap3A_327, %swap3A_328] {strides = array<i32>} : memref<16x768xf32, #tpu.memory_space<vmem>>, vector<1x16xf32>,
        %swap3A_330 = vector.shape_cast %swap3A_329 : vector<1x16xf32> to vector<16xf32>
        %swap3A_331 = vector.shape_cast %get3A_326 : vector<16xf32> to vector<1x16xf32>
        tpu.vector_store %arg7[%swap3A_327, %swap3A_328], %swap3A_331 {add = true, strides = array<i32>} : memref<16x768xf32, #tpu.memory_space<vmem>>, vector<1x16xf32>,
        %get3A_332 = arith.index_cast %scan3A_206 : i32 to index
        %get3A_333 = arith.constant 224 : index
        %get3A_334 = tpu.vector_load %arg11[%get3A_332, %get3A_333] {strides = array<i32>} : memref<16x768xf32, #tpu.memory_space<vmem>>, vector<1x16xf32>,
        %get3A_335 = vector.shape_cast %get3A_334 : vector<1x16xf32> to vector<16xf32>
        %swap3A_336 = arith.index_cast %scan3A_206 : i32 to index
        %swap3A_337 = arith.constant 224 : index
        %swap3A_338 = tpu.vector_load %arg7[%swap3A_336, %swap3A_337] {strides = array<i32>} : memref<16x768xf32, #tpu.memory_space<vmem>>, vector<1x16xf32>,
        %swap3A_339 = vector.shape_cast %swap3A_338 : vector<1x16xf32> to vector<16xf32>
        %swap3A_340 = vector.shape_cast %get3A_335 : vector<16xf32> to vector<1x16xf32>
        tpu.vector_store %arg7[%swap3A_336, %swap3A_337], %swap3A_340 {add = true, strides = array<i32>} : memref<16x768xf32, #tpu.memory_space<vmem>>, vector<1x16xf32>,
        %get3A_341 = arith.index_cast %scan3A_206 : i32 to index
        %get3A_342 = arith.constant 240 : index
        %get3A_343 = tpu.vector_load %arg11[%get3A_341, %get3A_342] {strides = array<i32>} : memref<16x768xf32, #tpu.memory_space<vmem>>, vector<1x16xf32>,
        %get3A_344 = vector.shape_cast %get3A_343 : vector<1x16xf32> to vector<16xf32>
        %swap3A_345 = arith.index_cast %scan3A_206 : i32 to index
        %swap3A_346 = arith.constant 240 : index
        %swap3A_347 = tpu.vector_load %arg7[%swap3A_345, %swap3A_346] {strides = array<i32>} : memref<16x768xf32, #tpu.memory_space<vmem>>, vector<1x16xf32>,
        %swap3A_348 = vector.shape_cast %swap3A_347 : vector<1x16xf32> to vector<16xf32>
        %swap3A_349 = vector.shape_cast %get3A_344 : vector<16xf32> to vector<1x16xf32>
        tpu.vector_store %arg7[%swap3A_345, %swap3A_346], %swap3A_349 {add = true, strides = array<i32>} : memref<16x768xf32, #tpu.memory_space<vmem>>, vector<1x16xf32>,
        %get3A_350 = arith.index_cast %scan3A_206 : i32 to index
        %get3A_351 = arith.constant 256 : index
        %get3A_352 = tpu.vector_load %arg11[%get3A_350, %get3A_351] {strides = array<i32>} : memref<16x768xf32, #tpu.memory_space<vmem>>, vector<1x16xf32>,
        %get3A_353 = vector.shape_cast %get3A_352 : vector<1x16xf32> to vector<16xf32>
        %swap3A_354 = arith.index_cast %scan3A_206 : i32 to index
        %swap3A_355 = arith.constant 256 : index
        %swap3A_356 = tpu.vector_load %arg7[%swap3A_354, %swap3A_355] {strides = array<i32>} : memref<16x768xf32, #tpu.memory_space<vmem>>, vector<1x16xf32>,
        %swap3A_357 = vector.shape_cast %swap3A_356 : vector<1x16xf32> to vector<16xf32>
        %swap3A_358 = vector.shape_cast %get3A_353 : vector<16xf32> to vector<1x16xf32>
        tpu.vector_store %arg7[%swap3A_354, %swap3A_355], %swap3A_358 {add = true, strides = array<i32>} : memref<16x768xf32, #tpu.memory_space<vmem>>, vector<1x16xf32>,
        %get3A_359 = arith.index_cast %scan3A_206 : i32 to index
        %get3A_360 = arith.constant 272 : index
        %get3A_361 = tpu.vector_load %arg11[%get3A_359, %get3A_360] {strides = array<i32>} : memref<16x768xf32, #tpu.memory_space<vmem>>, vector<1x16xf32>,
        %get3A_362 = vector.shape_cast %get3A_361 : vector<1x16xf32> to vector<16xf32>
        %swap3A_363 = arith.index_cast %scan3A_206 : i32 to index
        %swap3A_364 = arith.constant 272 : index
        %swap3A_365 = tpu.vector_load %arg7[%swap3A_363, %swap3A_364] {strides = array<i32>} : memref<16x768xf32, #tpu.memory_space<vmem>>, vector<1x16xf32>,
        %swap3A_366 = vector.shape_cast %swap3A_365 : vector<1x16xf32> to vector<16xf32>
        %swap3A_367 = vector.shape_cast %get3A_362 : vector<16xf32> to vector<1x16xf32>
        tpu.vector_store %arg7[%swap3A_363, %swap3A_364], %swap3A_367 {add = true, strides = array<i32>} : memref<16x768xf32, #tpu.memory_space<vmem>>, vector<1x16xf32>,
        %get3A_368 = arith.index_cast %scan3A_206 : i32 to index
        %get3A_369 = arith.constant 288 : index
        %get3A_370 = tpu.vector_load %arg11[%get3A_368, %get3A_369] {strides = array<i32>} : memref<16x768xf32, #tpu.memory_space<vmem>>, vector<1x16xf32>,
        %get3A_371 = vector.shape_cast %get3A_370 : vector<1x16xf32> to vector<16xf32>
        %swap3A_372 = arith.index_cast %scan3A_206 : i32 to index
        %swap3A_373 = arith.constant 288 : index
        %swap3A_374 = tpu.vector_load %arg7[%swap3A_372, %swap3A_373] {strides = array<i32>} : memref<16x768xf32, #tpu.memory_space<vmem>>, vector<1x16xf32>,
        %swap3A_375 = vector.shape_cast %swap3A_374 : vector<1x16xf32> to vector<16xf32>
        %swap3A_376 = vector.shape_cast %get3A_371 : vector<16xf32> to vector<1x16xf32>
        tpu.vector_store %arg7[%swap3A_372, %swap3A_373], %swap3A_376 {add = true, strides = array<i32>} : memref<16x768xf32, #tpu.memory_space<vmem>>, vector<1x16xf32>,
        %get3A_377 = arith.index_cast %scan3A_206 : i32 to index
        %get3A_378 = arith.constant 304 : index
        %get3A_379 = tpu.vector_load %arg11[%get3A_377, %get3A_378] {strides = array<i32>} : memref<16x768xf32, #tpu.memory_space<vmem>>, vector<1x16xf32>,
        %get3A_380 = vector.shape_cast %get3A_379 : vector<1x16xf32> to vector<16xf32>
        %swap3A_381 = arith.index_cast %scan3A_206 : i32 to index
        %swap3A_382 = arith.constant 304 : index
        %swap3A_383 = tpu.vector_load %arg7[%swap3A_381, %swap3A_382] {strides = array<i32>} : memref<16x768xf32, #tpu.memory_space<vmem>>, vector<1x16xf32>,
        %swap3A_384 = vector.shape_cast %swap3A_383 : vector<1x16xf32> to vector<16xf32>
        %swap3A_385 = vector.shape_cast %get3A_380 : vector<16xf32> to vector<1x16xf32>
        tpu.vector_store %arg7[%swap3A_381, %swap3A_382], %swap3A_385 {add = true, strides = array<i32>} : memref<16x768xf32, #tpu.memory_space<vmem>>, vector<1x16xf32>,
        %get3A_386 = arith.index_cast %scan3A_206 : i32 to index
        %get3A_387 = arith.constant 320 : index
        %get3A_388 = tpu.vector_load %arg11[%get3A_386, %get3A_387] {strides = array<i32>} : memref<16x768xf32, #tpu.memory_space<vmem>>, vector<1x16xf32>,
        %get3A_389 = vector.shape_cast %get3A_388 : vector<1x16xf32> to vector<16xf32>
        %swap3A_390 = arith.index_cast %scan3A_206 : i32 to index
        %swap3A_391 = arith.constant 320 : index
        %swap3A_392 = tpu.vector_load %arg7[%swap3A_390, %swap3A_391] {strides = array<i32>} : memref<16x768xf32, #tpu.memory_space<vmem>>, vector<1x16xf32>,
        %swap3A_393 = vector.shape_cast %swap3A_392 : vector<1x16xf32> to vector<16xf32>
        %swap3A_394 = vector.shape_cast %get3A_389 : vector<16xf32> to vector<1x16xf32>
        tpu.vector_store %arg7[%swap3A_390, %swap3A_391], %swap3A_394 {add = true, strides = array<i32>} : memref<16x768xf32, #tpu.memory_space<vmem>>, vector<1x16xf32>,
        %get3A_395 = arith.index_cast %scan3A_206 : i32 to index
        %get3A_396 = arith.constant 336 : index
        %get3A_397 = tpu.vector_load %arg11[%get3A_395, %get3A_396] {strides = array<i32>} : memref<16x768xf32, #tpu.memory_space<vmem>>, vector<1x16xf32>,
        %get3A_398 = vector.shape_cast %get3A_397 : vector<1x16xf32> to vector<16xf32>
        %swap3A_399 = arith.index_cast %scan3A_206 : i32 to index
        %swap3A_400 = arith.constant 336 : index
        %swap3A_401 = tpu.vector_load %arg7[%swap3A_399, %swap3A_400] {strides = array<i32>} : memref<16x768xf32, #tpu.memory_space<vmem>>, vector<1x16xf32>,
        %swap3A_402 = vector.shape_cast %swap3A_401 : vector<1x16xf32> to vector<16xf32>
        %swap3A_403 = vector.shape_cast %get3A_398 : vector<16xf32> to vector<1x16xf32>
        tpu.vector_store %arg7[%swap3A_399, %swap3A_400], %swap3A_403 {add = true, strides = array<i32>} : memref<16x768xf32, #tpu.memory_space<vmem>>, vector<1x16xf32>,
        %get3A_404 = arith.index_cast %scan3A_206 : i32 to index
        %get3A_405 = arith.constant 352 : index
        %get3A_406 = tpu.vector_load %arg11[%get3A_404, %get3A_405] {strides = array<i32>} : memref<16x768xf32, #tpu.memory_space<vmem>>, vector<1x16xf32>,
        %get3A_407 = vector.shape_cast %get3A_406 : vector<1x16xf32> to vector<16xf32>
        %swap3A_408 = arith.index_cast %scan3A_206 : i32 to index
        %swap3A_409 = arith.constant 352 : index
        %swap3A_410 = tpu.vector_load %arg7[%swap3A_408, %swap3A_409] {strides = array<i32>} : memref<16x768xf32, #tpu.memory_space<vmem>>, vector<1x16xf32>,
        %swap3A_411 = vector.shape_cast %swap3A_410 : vector<1x16xf32> to vector<16xf32>
        %swap3A_412 = vector.shape_cast %get3A_407 : vector<16xf32> to vector<1x16xf32>
        tpu.vector_store %arg7[%swap3A_408, %swap3A_409], %swap3A_412 {add = true, strides = array<i32>} : memref<16x768xf32, #tpu.memory_space<vmem>>, vector<1x16xf32>,
        %get3A_413 = arith.index_cast %scan3A_206 : i32 to index
        %get3A_414 = arith.constant 368 : index
        %get3A_415 = tpu.vector_load %arg11[%get3A_413, %get3A_414] {strides = array<i32>} : memref<16x768xf32, #tpu.memory_space<vmem>>, vector<1x16xf32>,
        %get3A_416 = vector.shape_cast %get3A_415 : vector<1x16xf32> to vector<16xf32>
        %swap3A_417 = arith.index_cast %scan3A_206 : i32 to index
        %swap3A_418 = arith.constant 368 : index
        %swap3A_419 = tpu.vector_load %arg7[%swap3A_417, %swap3A_418] {strides = array<i32>} : memref<16x768xf32, #tpu.memory_space<vmem>>, vector<1x16xf32>,
        %swap3A_420 = vector.shape_cast %swap3A_419 : vector<1x16xf32> to vector<16xf32>
        %swap3A_421 = vector.shape_cast %get3A_416 : vector<16xf32> to vector<1x16xf32>
        tpu.vector_store %arg7[%swap3A_417, %swap3A_418], %swap3A_421 {add = true, strides = array<i32>} : memref<16x768xf32, #tpu.memory_space<vmem>>, vector<1x16xf32>,
        %get3A_422 = arith.index_cast %scan3A_206 : i32 to index
        %get3A_423 = arith.constant 384 : index
        %get3A_424 = tpu.vector_load %arg11[%get3A_422, %get3A_423] {strides = array<i32>} : memref<16x768xf32, #tpu.memory_space<vmem>>, vector<1x16xf32>,
        %get3A_425 = vector.shape_cast %get3A_424 : vector<1x16xf32> to vector<16xf32>
        %swap3A_426 = arith.index_cast %scan3A_206 : i32 to index
        %swap3A_427 = arith.constant 384 : index
        %swap3A_428 = tpu.vector_load %arg7[%swap3A_426, %swap3A_427] {strides = array<i32>} : memref<16x768xf32, #tpu.memory_space<vmem>>, vector<1x16xf32>,
        %swap3A_429 = vector.shape_cast %swap3A_428 : vector<1x16xf32> to vector<16xf32>
        %swap3A_430 = vector.shape_cast %get3A_425 : vector<16xf32> to vector<1x16xf32>
        tpu.vector_store %arg7[%swap3A_426, %swap3A_427], %swap3A_430 {add = true, strides = array<i32>} : memref<16x768xf32, #tpu.memory_space<vmem>>, vector<1x16xf32>,
        %get3A_431 = arith.index_cast %scan3A_206 : i32 to index
        %get3A_432 = arith.constant 400 : index
        %get3A_433 = tpu.vector_load %arg11[%get3A_431, %get3A_432] {strides = array<i32>} : memref<16x768xf32, #tpu.memory_space<vmem>>, vector<1x16xf32>,
        %get3A_434 = vector.shape_cast %get3A_433 : vector<1x16xf32> to vector<16xf32>
        %swap3A_435 = arith.index_cast %scan3A_206 : i32 to index
        %swap3A_436 = arith.constant 400 : index
        %swap3A_437 = tpu.vector_load %arg7[%swap3A_435, %swap3A_436] {strides = array<i32>} : memref<16x768xf32, #tpu.memory_space<vmem>>, vector<1x16xf32>,
        %swap3A_438 = vector.shape_cast %swap3A_437 : vector<1x16xf32> to vector<16xf32>
        %swap3A_439 = vector.shape_cast %get3A_434 : vector<16xf32> to vector<1x16xf32>
        tpu.vector_store %arg7[%swap3A_435, %swap3A_436], %swap3A_439 {add = true, strides = array<i32>} : memref<16x768xf32, #tpu.memory_space<vmem>>, vector<1x16xf32>,
        %get3A_440 = arith.index_cast %scan3A_206 : i32 to index
        %get3A_441 = arith.constant 416 : index
        %get3A_442 = tpu.vector_load %arg11[%get3A_440, %get3A_441] {strides = array<i32>} : memref<16x768xf32, #tpu.memory_space<vmem>>, vector<1x16xf32>,
        %get3A_443 = vector.shape_cast %get3A_442 : vector<1x16xf32> to vector<16xf32>
        %swap3A_444 = arith.index_cast %scan3A_206 : i32 to index
        %swap3A_445 = arith.constant 416 : index
        %swap3A_446 = tpu.vector_load %arg7[%swap3A_444, %swap3A_445] {strides = array<i32>} : memref<16x768xf32, #tpu.memory_space<vmem>>, vector<1x16xf32>,
        %swap3A_447 = vector.shape_cast %swap3A_446 : vector<1x16xf32> to vector<16xf32>
        %swap3A_448 = vector.shape_cast %get3A_443 : vector<16xf32> to vector<1x16xf32>
        tpu.vector_store %arg7[%swap3A_444, %swap3A_445], %swap3A_448 {add = true, strides = array<i32>} : memref<16x768xf32, #tpu.memory_space<vmem>>, vector<1x16xf32>,
        %get3A_449 = arith.index_cast %scan3A_206 : i32 to index
        %get3A_450 = arith.constant 432 : index
        %get3A_451 = tpu.vector_load %arg11[%get3A_449, %get3A_450] {strides = array<i32>} : memref<16x768xf32, #tpu.memory_space<vmem>>, vector<1x16xf32>,
        %get3A_452 = vector.shape_cast %get3A_451 : vector<1x16xf32> to vector<16xf32>
        %swap3A_453 = arith.index_cast %scan3A_206 : i32 to index
        %swap3A_454 = arith.constant 432 : index
        %swap3A_455 = tpu.vector_load %arg7[%swap3A_453, %swap3A_454] {strides = array<i32>} : memref<16x768xf32, #tpu.memory_space<vmem>>, vector<1x16xf32>,
        %swap3A_456 = vector.shape_cast %swap3A_455 : vector<1x16xf32> to vector<16xf32>
        %swap3A_457 = vector.shape_cast %get3A_452 : vector<16xf32> to vector<1x16xf32>
        tpu.vector_store %arg7[%swap3A_453, %swap3A_454], %swap3A_457 {add = true, strides = array<i32>} : memref<16x768xf32, #tpu.memory_space<vmem>>, vector<1x16xf32>,
        %get3A_458 = arith.index_cast %scan3A_206 : i32 to index
        %get3A_459 = arith.constant 448 : index
        %get3A_460 = tpu.vector_load %arg11[%get3A_458, %get3A_459] {strides = array<i32>} : memref<16x768xf32, #tpu.memory_space<vmem>>, vector<1x16xf32>,
        %get3A_461 = vector.shape_cast %get3A_460 : vector<1x16xf32> to vector<16xf32>
        %swap3A_462 = arith.index_cast %scan3A_206 : i32 to index
        %swap3A_463 = arith.constant 448 : index
        %swap3A_464 = tpu.vector_load %arg7[%swap3A_462, %swap3A_463] {strides = array<i32>} : memref<16x768xf32, #tpu.memory_space<vmem>>, vector<1x16xf32>,
        %swap3A_465 = vector.shape_cast %swap3A_464 : vector<1x16xf32> to vector<16xf32>
        %swap3A_466 = vector.shape_cast %get3A_461 : vector<16xf32> to vector<1x16xf32>
        tpu.vector_store %arg7[%swap3A_462, %swap3A_463], %swap3A_466 {add = true, strides = array<i32>} : memref<16x768xf32, #tpu.memory_space<vmem>>, vector<1x16xf32>,
        %get3A_467 = arith.index_cast %scan3A_206 : i32 to index
        %get3A_468 = arith.constant 464 : index
        %get3A_469 = tpu.vector_load %arg11[%get3A_467, %get3A_468] {strides = array<i32>} : memref<16x768xf32, #tpu.memory_space<vmem>>, vector<1x16xf32>,
        %get3A_470 = vector.shape_cast %get3A_469 : vector<1x16xf32> to vector<16xf32>
        %swap3A_471 = arith.index_cast %scan3A_206 : i32 to index
        %swap3A_472 = arith.constant 464 : index
        %swap3A_473 = tpu.vector_load %arg7[%swap3A_471, %swap3A_472] {strides = array<i32>} : memref<16x768xf32, #tpu.memory_space<vmem>>, vector<1x16xf32>,
        %swap3A_474 = vector.shape_cast %swap3A_473 : vector<1x16xf32> to vector<16xf32>
        %swap3A_475 = vector.shape_cast %get3A_470 : vector<16xf32> to vector<1x16xf32>
        tpu.vector_store %arg7[%swap3A_471, %swap3A_472], %swap3A_475 {add = true, strides = array<i32>} : memref<16x768xf32, #tpu.memory_space<vmem>>, vector<1x16xf32>,
        %get3A_476 = arith.index_cast %scan3A_206 : i32 to index
        %get3A_477 = arith.constant 480 : index
        %get3A_478 = tpu.vector_load %arg11[%get3A_476, %get3A_477] {strides = array<i32>} : memref<16x768xf32, #tpu.memory_space<vmem>>, vector<1x16xf32>,
        %get3A_479 = vector.shape_cast %get3A_478 : vector<1x16xf32> to vector<16xf32>
        %swap3A_480 = arith.index_cast %scan3A_206 : i32 to index
        %swap3A_481 = arith.constant 480 : index
        %swap3A_482 = tpu.vector_load %arg7[%swap3A_480, %swap3A_481] {strides = array<i32>} : memref<16x768xf32, #tpu.memory_space<vmem>>, vector<1x16xf32>,
        %swap3A_483 = vector.shape_cast %swap3A_482 : vector<1x16xf32> to vector<16xf32>
        %swap3A_484 = vector.shape_cast %get3A_479 : vector<16xf32> to vector<1x16xf32>
        tpu.vector_store %arg7[%swap3A_480, %swap3A_481], %swap3A_484 {add = true, strides = array<i32>} : memref<16x768xf32, #tpu.memory_space<vmem>>, vector<1x16xf32>,
        %get3A_485 = arith.index_cast %scan3A_206 : i32 to index
        %get3A_486 = arith.constant 496 : index
        %get3A_487 = tpu.vector_load %arg11[%get3A_485, %get3A_486] {strides = array<i32>} : memref<16x768xf32, #tpu.memory_space<vmem>>, vector<1x16xf32>,
        %get3A_488 = vector.shape_cast %get3A_487 : vector<1x16xf32> to vector<16xf32>
        %swap3A_489 = arith.index_cast %scan3A_206 : i32 to index
        %swap3A_490 = arith.constant 496 : index
        %swap3A_491 = tpu.vector_load %arg7[%swap3A_489, %swap3A_490] {strides = array<i32>} : memref<16x768xf32, #tpu.memory_space<vmem>>, vector<1x16xf32>,
        %swap3A_492 = vector.shape_cast %swap3A_491 : vector<1x16xf32> to vector<16xf32>
        %swap3A_493 = vector.shape_cast %get3A_488 : vector<16xf32> to vector<1x16xf32>
        tpu.vector_store %arg7[%swap3A_489, %swap3A_490], %swap3A_493 {add = true, strides = array<i32>} : memref<16x768xf32, #tpu.memory_space<vmem>>, vector<1x16xf32>,
        %get3A_494 = arith.index_cast %scan3A_206 : i32 to index
        %get3A_495 = arith.constant 512 : index
        %get3A_496 = tpu.vector_load %arg11[%get3A_494, %get3A_495] {strides = array<i32>} : memref<16x768xf32, #tpu.memory_space<vmem>>, vector<1x16xf32>,
        %get3A_497 = vector.shape_cast %get3A_496 : vector<1x16xf32> to vector<16xf32>
        %swap3A_498 = arith.index_cast %scan3A_206 : i32 to index
        %swap3A_499 = arith.constant 512 : index
        %swap3A_500 = tpu.vector_load %arg7[%swap3A_498, %swap3A_499] {strides = array<i32>} : memref<16x768xf32, #tpu.memory_space<vmem>>, vector<1x16xf32>,
        %swap3A_501 = vector.shape_cast %swap3A_500 : vector<1x16xf32> to vector<16xf32>
        %swap3A_502 = vector.shape_cast %get3A_497 : vector<16xf32> to vector<1x16xf32>
        tpu.vector_store %arg7[%swap3A_498, %swap3A_499], %swap3A_502 {add = true, strides = array<i32>} : memref<16x768xf32, #tpu.memory_space<vmem>>, vector<1x16xf32>,
        %get3A_503 = arith.index_cast %scan3A_206 : i32 to index
        %get3A_504 = arith.constant 528 : index
        %get3A_505 = tpu.vector_load %arg11[%get3A_503, %get3A_504] {strides = array<i32>} : memref<16x768xf32, #tpu.memory_space<vmem>>, vector<1x16xf32>,
        %get3A_506 = vector.shape_cast %get3A_505 : vector<1x16xf32> to vector<16xf32>
        %swap3A_507 = arith.index_cast %scan3A_206 : i32 to index
        %swap3A_508 = arith.constant 528 : index
        %swap3A_509 = tpu.vector_load %arg7[%swap3A_507, %swap3A_508] {strides = array<i32>} : memref<16x768xf32, #tpu.memory_space<vmem>>, vector<1x16xf32>,
        %swap3A_510 = vector.shape_cast %swap3A_509 : vector<1x16xf32> to vector<16xf32>
        %swap3A_511 = vector.shape_cast %get3A_506 : vector<16xf32> to vector<1x16xf32>
        tpu.vector_store %arg7[%swap3A_507, %swap3A_508], %swap3A_511 {add = true, strides = array<i32>} : memref<16x768xf32, #tpu.memory_space<vmem>>, vector<1x16xf32>,
        %get3A_512 = arith.index_cast %scan3A_206 : i32 to index
        %get3A_513 = arith.constant 544 : index
        %get3A_514 = tpu.vector_load %arg11[%get3A_512, %get3A_513] {strides = array<i32>} : memref<16x768xf32, #tpu.memory_space<vmem>>, vector<1x16xf32>,
        %get3A_515 = vector.shape_cast %get3A_514 : vector<1x16xf32> to vector<16xf32>
        %swap3A_516 = arith.index_cast %scan3A_206 : i32 to index
        %swap3A_517 = arith.constant 544 : index
        %swap3A_518 = tpu.vector_load %arg7[%swap3A_516, %swap3A_517] {strides = array<i32>} : memref<16x768xf32, #tpu.memory_space<vmem>>, vector<1x16xf32>,
        %swap3A_519 = vector.shape_cast %swap3A_518 : vector<1x16xf32> to vector<16xf32>
        %swap3A_520 = vector.shape_cast %get3A_515 : vector<16xf32> to vector<1x16xf32>
        tpu.vector_store %arg7[%swap3A_516, %swap3A_517], %swap3A_520 {add = true, strides = array<i32>} : memref<16x768xf32, #tpu.memory_space<vmem>>, vector<1x16xf32>,
        %get3A_521 = arith.index_cast %scan3A_206 : i32 to index
        %get3A_522 = arith.constant 560 : index
        %get3A_523 = tpu.vector_load %arg11[%get3A_521, %get3A_522] {strides = array<i32>} : memref<16x768xf32, #tpu.memory_space<vmem>>, vector<1x16xf32>,
        %get3A_524 = vector.shape_cast %get3A_523 : vector<1x16xf32> to vector<16xf32>
        %swap3A_525 = arith.index_cast %scan3A_206 : i32 to index
        %swap3A_526 = arith.constant 560 : index
        %swap3A_527 = tpu.vector_load %arg7[%swap3A_525, %swap3A_526] {strides = array<i32>} : memref<16x768xf32, #tpu.memory_space<vmem>>, vector<1x16xf32>,
        %swap3A_528 = vector.shape_cast %swap3A_527 : vector<1x16xf32> to vector<16xf32>
        %swap3A_529 = vector.shape_cast %get3A_524 : vector<16xf32> to vector<1x16xf32>
        tpu.vector_store %arg7[%swap3A_525, %swap3A_526], %swap3A_529 {add = true, strides = array<i32>} : memref<16x768xf32, #tpu.memory_space<vmem>>, vector<1x16xf32>,
        %get3A_530 = arith.index_cast %scan3A_206 : i32 to index
        %get3A_531 = arith.constant 576 : index
        %get3A_532 = tpu.vector_load %arg11[%get3A_530, %get3A_531] {strides = array<i32>} : memref<16x768xf32, #tpu.memory_space<vmem>>, vector<1x16xf32>,
        %get3A_533 = vector.shape_cast %get3A_532 : vector<1x16xf32> to vector<16xf32>
        %swap3A_534 = arith.index_cast %scan3A_206 : i32 to index
        %swap3A_535 = arith.constant 576 : index
        %swap3A_536 = tpu.vector_load %arg7[%swap3A_534, %swap3A_535] {strides = array<i32>} : memref<16x768xf32, #tpu.memory_space<vmem>>, vector<1x16xf32>,
        %swap3A_537 = vector.shape_cast %swap3A_536 : vector<1x16xf32> to vector<16xf32>
        %swap3A_538 = vector.shape_cast %get3A_533 : vector<16xf32> to vector<1x16xf32>
        tpu.vector_store %arg7[%swap3A_534, %swap3A_535], %swap3A_538 {add = true, strides = array<i32>} : memref<16x768xf32, #tpu.memory_space<vmem>>, vector<1x16xf32>,
        %get3A_539 = arith.index_cast %scan3A_206 : i32 to index
        %get3A_540 = arith.constant 592 : index
        %get3A_541 = tpu.vector_load %arg11[%get3A_539, %get3A_540] {strides = array<i32>} : memref<16x768xf32, #tpu.memory_space<vmem>>, vector<1x16xf32>,
        %get3A_542 = vector.shape_cast %get3A_541 : vector<1x16xf32> to vector<16xf32>
        %swap3A_543 = arith.index_cast %scan3A_206 : i32 to index
        %swap3A_544 = arith.constant 592 : index
        %swap3A_545 = tpu.vector_load %arg7[%swap3A_543, %swap3A_544] {strides = array<i32>} : memref<16x768xf32, #tpu.memory_space<vmem>>, vector<1x16xf32>,
        %swap3A_546 = vector.shape_cast %swap3A_545 : vector<1x16xf32> to vector<16xf32>
        %swap3A_547 = vector.shape_cast %get3A_542 : vector<16xf32> to vector<1x16xf32>
        tpu.vector_store %arg7[%swap3A_543, %swap3A_544], %swap3A_547 {add = true, strides = array<i32>} : memref<16x768xf32, #tpu.memory_space<vmem>>, vector<1x16xf32>,
        %get3A_548 = arith.index_cast %scan3A_206 : i32 to index
        %get3A_549 = arith.constant 608 : index
        %get3A_550 = tpu.vector_load %arg11[%get3A_548, %get3A_549] {strides = array<i32>} : memref<16x768xf32, #tpu.memory_space<vmem>>, vector<1x16xf32>,
        %get3A_551 = vector.shape_cast %get3A_550 : vector<1x16xf32> to vector<16xf32>
        %swap3A_552 = arith.index_cast %scan3A_206 : i32 to index
        %swap3A_553 = arith.constant 608 : index
        %swap3A_554 = tpu.vector_load %arg7[%swap3A_552, %swap3A_553] {strides = array<i32>} : memref<16x768xf32, #tpu.memory_space<vmem>>, vector<1x16xf32>,
        %swap3A_555 = vector.shape_cast %swap3A_554 : vector<1x16xf32> to vector<16xf32>
        %swap3A_556 = vector.shape_cast %get3A_551 : vector<16xf32> to vector<1x16xf32>
        tpu.vector_store %arg7[%swap3A_552, %swap3A_553], %swap3A_556 {add = true, strides = array<i32>} : memref<16x768xf32, #tpu.memory_space<vmem>>, vector<1x16xf32>,
        %get3A_557 = arith.index_cast %scan3A_206 : i32 to index
        %get3A_558 = arith.constant 624 : index
        %get3A_559 = tpu.vector_load %arg11[%get3A_557, %get3A_558] {strides = array<i32>} : memref<16x768xf32, #tpu.memory_space<vmem>>, vector<1x16xf32>,
        %get3A_560 = vector.shape_cast %get3A_559 : vector<1x16xf32> to vector<16xf32>
        %swap3A_561 = arith.index_cast %scan3A_206 : i32 to index
        %swap3A_562 = arith.constant 624 : index
        %swap3A_563 = tpu.vector_load %arg7[%swap3A_561, %swap3A_562] {strides = array<i32>} : memref<16x768xf32, #tpu.memory_space<vmem>>, vector<1x16xf32>,
        %swap3A_564 = vector.shape_cast %swap3A_563 : vector<1x16xf32> to vector<16xf32>
        %swap3A_565 = vector.shape_cast %get3A_560 : vector<16xf32> to vector<1x16xf32>
        tpu.vector_store %arg7[%swap3A_561, %swap3A_562], %swap3A_565 {add = true, strides = array<i32>} : memref<16x768xf32, #tpu.memory_space<vmem>>, vector<1x16xf32>,
        %get3A_566 = arith.index_cast %scan3A_206 : i32 to index
        %get3A_567 = arith.constant 640 : index
        %get3A_568 = tpu.vector_load %arg11[%get3A_566, %get3A_567] {strides = array<i32>} : memref<16x768xf32, #tpu.memory_space<vmem>>, vector<1x16xf32>,
        %get3A_569 = vector.shape_cast %get3A_568 : vector<1x16xf32> to vector<16xf32>
        %swap3A_570 = arith.index_cast %scan3A_206 : i32 to index
        %swap3A_571 = arith.constant 640 : index
        %swap3A_572 = tpu.vector_load %arg7[%swap3A_570, %swap3A_571] {strides = array<i32>} : memref<16x768xf32, #tpu.memory_space<vmem>>, vector<1x16xf32>,
        %swap3A_573 = vector.shape_cast %swap3A_572 : vector<1x16xf32> to vector<16xf32>
        %swap3A_574 = vector.shape_cast %get3A_569 : vector<16xf32> to vector<1x16xf32>
        tpu.vector_store %arg7[%swap3A_570, %swap3A_571], %swap3A_574 {add = true, strides = array<i32>} : memref<16x768xf32, #tpu.memory_space<vmem>>, vector<1x16xf32>,
        %get3A_575 = arith.index_cast %scan3A_206 : i32 to index
        %get3A_576 = arith.constant 656 : index
        %get3A_577 = tpu.vector_load %arg11[%get3A_575, %get3A_576] {strides = array<i32>} : memref<16x768xf32, #tpu.memory_space<vmem>>, vector<1x16xf32>,
        %get3A_578 = vector.shape_cast %get3A_577 : vector<1x16xf32> to vector<16xf32>
        %swap3A_579 = arith.index_cast %scan3A_206 : i32 to index
        %swap3A_580 = arith.constant 656 : index
        %swap3A_581 = tpu.vector_load %arg7[%swap3A_579, %swap3A_580] {strides = array<i32>} : memref<16x768xf32, #tpu.memory_space<vmem>>, vector<1x16xf32>,
        %swap3A_582 = vector.shape_cast %swap3A_581 : vector<1x16xf32> to vector<16xf32>
        %swap3A_583 = vector.shape_cast %get3A_578 : vector<16xf32> to vector<1x16xf32>
        tpu.vector_store %arg7[%swap3A_579, %swap3A_580], %swap3A_583 {add = true, strides = array<i32>} : memref<16x768xf32, #tpu.memory_space<vmem>>, vector<1x16xf32>,
        %get3A_584 = arith.index_cast %scan3A_206 : i32 to index
        %get3A_585 = arith.constant 672 : index
        %get3A_586 = tpu.vector_load %arg11[%get3A_584, %get3A_585] {strides = array<i32>} : memref<16x768xf32, #tpu.memory_space<vmem>>, vector<1x16xf32>,
        %get3A_587 = vector.shape_cast %get3A_586 : vector<1x16xf32> to vector<16xf32>
        %swap3A_588 = arith.index_cast %scan3A_206 : i32 to index
        %swap3A_589 = arith.constant 672 : index
        %swap3A_590 = tpu.vector_load %arg7[%swap3A_588, %swap3A_589] {strides = array<i32>} : memref<16x768xf32, #tpu.memory_space<vmem>>, vector<1x16xf32>,
        %swap3A_591 = vector.shape_cast %swap3A_590 : vector<1x16xf32> to vector<16xf32>
        %swap3A_592 = vector.shape_cast %get3A_587 : vector<16xf32> to vector<1x16xf32>
        tpu.vector_store %arg7[%swap3A_588, %swap3A_589], %swap3A_592 {add = true, strides = array<i32>} : memref<16x768xf32, #tpu.memory_space<vmem>>, vector<1x16xf32>,
        %get3A_593 = arith.index_cast %scan3A_206 : i32 to index
        %get3A_594 = arith.constant 688 : index
        %get3A_595 = tpu.vector_load %arg11[%get3A_593, %get3A_594] {strides = array<i32>} : memref<16x768xf32, #tpu.memory_space<vmem>>, vector<1x16xf32>,
        %get3A_596 = vector.shape_cast %get3A_595 : vector<1x16xf32> to vector<16xf32>
        %swap3A_597 = arith.index_cast %scan3A_206 : i32 to index
        %swap3A_598 = arith.constant 688 : index
        %swap3A_599 = tpu.vector_load %arg7[%swap3A_597, %swap3A_598] {strides = array<i32>} : memref<16x768xf32, #tpu.memory_space<vmem>>, vector<1x16xf32>,
        %swap3A_600 = vector.shape_cast %swap3A_599 : vector<1x16xf32> to vector<16xf32>
        %swap3A_601 = vector.shape_cast %get3A_596 : vector<16xf32> to vector<1x16xf32>
        tpu.vector_store %arg7[%swap3A_597, %swap3A_598], %swap3A_601 {add = true, strides = array<i32>} : memref<16x768xf32, #tpu.memory_space<vmem>>, vector<1x16xf32>,
        %get3A_602 = arith.index_cast %scan3A_206 : i32 to index
        %get3A_603 = arith.constant 704 : index
        %get3A_604 = tpu.vector_load %arg11[%get3A_602, %get3A_603] {strides = array<i32>} : memref<16x768xf32, #tpu.memory_space<vmem>>, vector<1x16xf32>,
        %get3A_605 = vector.shape_cast %get3A_604 : vector<1x16xf32> to vector<16xf32>
        %swap3A_606 = arith.index_cast %scan3A_206 : i32 to index
        %swap3A_607 = arith.constant 704 : index
        %swap3A_608 = tpu.vector_load %arg7[%swap3A_606, %swap3A_607] {strides = array<i32>} : memref<16x768xf32, #tpu.memory_space<vmem>>, vector<1x16xf32>,
        %swap3A_609 = vector.shape_cast %swap3A_608 : vector<1x16xf32> to vector<16xf32>
        %swap3A_610 = vector.shape_cast %get3A_605 : vector<16xf32> to vector<1x16xf32>
        tpu.vector_store %arg7[%swap3A_606, %swap3A_607], %swap3A_610 {add = true, strides = array<i32>} : memref<16x768xf32, #tpu.memory_space<vmem>>, vector<1x16xf32>,
        %get3A_611 = arith.index_cast %scan3A_206 : i32 to index
        %get3A_612 = arith.constant 720 : index
        %get3A_613 = tpu.vector_load %arg11[%get3A_611, %get3A_612] {strides = array<i32>} : memref<16x768xf32, #tpu.memory_space<vmem>>, vector<1x16xf32>,
        %get3A_614 = vector.shape_cast %get3A_613 : vector<1x16xf32> to vector<16xf32>
        %swap3A_615 = arith.index_cast %scan3A_206 : i32 to index
        %swap3A_616 = arith.constant 720 : index
        %swap3A_617 = tpu.vector_load %arg7[%swap3A_615, %swap3A_616] {strides = array<i32>} : memref<16x768xf32, #tpu.memory_space<vmem>>, vector<1x16xf32>,
        %swap3A_618 = vector.shape_cast %swap3A_617 : vector<1x16xf32> to vector<16xf32>
        %swap3A_619 = vector.shape_cast %get3A_614 : vector<16xf32> to vector<1x16xf32>
        tpu.vector_store %arg7[%swap3A_615, %swap3A_616], %swap3A_619 {add = true, strides = array<i32>} : memref<16x768xf32, #tpu.memory_space<vmem>>, vector<1x16xf32>,
        %get3A_620 = arith.index_cast %scan3A_206 : i32 to index
        %get3A_621 = arith.constant 736 : index
        %get3A_622 = tpu.vector_load %arg11[%get3A_620, %get3A_621] {strides = array<i32>} : memref<16x768xf32, #tpu.memory_space<vmem>>, vector<1x16xf32>,
        %get3A_623 = vector.shape_cast %get3A_622 : vector<1x16xf32> to vector<16xf32>
        %swap3A_624 = arith.index_cast %scan3A_206 : i32 to index
        %swap3A_625 = arith.constant 736 : index
        %swap3A_626 = tpu.vector_load %arg7[%swap3A_624, %swap3A_625] {strides = array<i32>} : memref<16x768xf32, #tpu.memory_space<vmem>>, vector<1x16xf32>,
        %swap3A_627 = vector.shape_cast %swap3A_626 : vector<1x16xf32> to vector<16xf32>
        %swap3A_628 = vector.shape_cast %get3A_623 : vector<16xf32> to vector<1x16xf32>
        tpu.vector_store %arg7[%swap3A_624, %swap3A_625], %swap3A_628 {add = true, strides = array<i32>} : memref<16x768xf32, #tpu.memory_space<vmem>>, vector<1x16xf32>,
        %get3A_629 = arith.index_cast %scan3A_206 : i32 to index
        %get3A_630 = arith.constant 752 : index
        %get3A_631 = tpu.vector_load %arg11[%get3A_629, %get3A_630] {strides = array<i32>} : memref<16x768xf32, #tpu.memory_space<vmem>>, vector<1x16xf32>,
        %get3A_632 = vector.shape_cast %get3A_631 : vector<1x16xf32> to vector<16xf32>
        %swap3A_633 = arith.index_cast %scan3A_206 : i32 to index
        %swap3A_634 = arith.constant 752 : index
        %swap3A_635 = tpu.vector_load %arg7[%swap3A_633, %swap3A_634] {strides = array<i32>} : memref<16x768xf32, #tpu.memory_space<vmem>>, vector<1x16xf32>,
        %swap3A_636 = vector.shape_cast %swap3A_635 : vector<1x16xf32> to vector<16xf32>
        %swap3A_637 = vector.shape_cast %get3A_632 : vector<16xf32> to vector<1x16xf32>
        tpu.vector_store %arg7[%swap3A_633, %swap3A_634], %swap3A_637 {add = true, strides = array<i32>} : memref<16x768xf32, #tpu.memory_space<vmem>>, vector<1x16xf32>,
        %scan3A_638 = arith.constant 0 : i32
        scf.yield %scan3A_638 : i32
      }
      %scan3A_74 = arith.constant 16 : i32
      %mul3A_75 = arith.constant 16 : i32
      %mul3A_76 = arith.muli %add3A_46, %mul3A_75 : i32
      %add3A_77 = arith.addi %mul3A_2, %mul3A_76 : i32
      %dma_start3A_78 = arith.constant 0 : i32
      %dma_start3A_79 = tpu.memref_slice %arg5[%add3A_77, %dma_start3A_78] : memref<32768x768xf32, #tpu.memory_space<hbm>> -> memref<16x768xf32, #tpu.memory_space<hbm>>
      %dma_start3A_80 = arith.constant 0 : i32
      %dma_start3A_81 = tpu.memref_slice %arg5[%add3A_77, %dma_start3A_80] : memref<32768x768xf32, #tpu.memory_space<hbm>> -> memref<16x768xf32, #tpu.memory_space<hbm>>
      tpu.enqueue_dma source(%arg7 : memref<16x768xf32, #tpu.memory_space<vmem>>) target(%dma_start3A_81 : memref<16x768xf32, #tpu.memory_space<hbm>>) target_semaphore(%arg23 : memref<!tpu.dma_semaphore, #tpu.memory_space<semaphore_mem>>)
      %add3A_82 = arith.constant 1 : i32
      %add3A_83 = arith.addi %mul3A_44, %add3A_82 : i32
      %mul3A_84 = arith.constant 16 : i32
      %mul3A_85 = arith.muli %add3A_83, %mul3A_84 : i32
      %add3A_86 = arith.addi %mul3A_2, %mul3A_85 : i32
      %dma_wait3A_87 = arith.constant 0 : i32
      %dma_wait3A_88 = tpu.memref_slice %arg2[%add3A_86, %dma_wait3A_87] : memref<32768x768xf32, #tpu.memory_space<hbm>> -> memref<16x768xf32, #tpu.memory_space<hbm>>
      %dma_wait3A_89 = arith.constant 0 : i32
      %dma_wait3A_90 = tpu.memref_slice %arg2[%add3A_86, %dma_wait3A_89] : memref<32768x768xf32, #tpu.memory_space<hbm>> -> memref<16x768xf32, #tpu.memory_space<hbm>>
      tpu.wait_dma2 semaphore(%arg16 : memref<!tpu.dma_semaphore, #tpu.memory_space<semaphore_mem>>) src(%dma_wait3A_90 : memref<16x768xf32, #tpu.memory_space<hbm>>) dst(%arg8 : memref<16x768xf32, #tpu.memory_space<vmem>>)
      %mul3A_91 = arith.constant 16 : i32
      %mul3A_92 = arith.muli %add3A_83, %mul3A_91 : i32
      %dma_wait3A_93 = tpu.memref_slice %arg6[%mul3A_92] : memref<1024xi32, #tpu.memory_space<vmem>> -> memref<16xi32, #tpu.memory_space<vmem>>
      %dma_wait3A_94 = arith.constant 0 : i32
      %dma_wait3A_95 = arith.constant 0 : i32
      %dma_wait3A_96 = tpu.memref_slice %arg4[%dma_wait3A_94, %dma_wait3A_95] : memref<8192x768xf32, #tpu.memory_space<hbm>> -> memref<8192x768xf32, #tpu.memory_space<hbm>>
      tpu.wait_indirect_dma semaphore(%arg20 : memref<!tpu.dma_semaphore, #tpu.memory_space<semaphore_mem>>) src(%dma_wait3A_96 : memref<8192x768xf32, #tpu.memory_space<hbm>>) dst(%arg12 : memref<16x768xf32, #tpu.memory_space<vmem>>)
      %ge3A_97 = arith.constant 2 : i32
      %ge3A_98 = arith.cmpi sge, %add3A_83, %ge3A_97 : i32
      %convert_element_type3A_99 = arith.extui %ge3A_98 : i1 to i32
      %cond3A_100 = arith.constant 0 : i32
      %cond3A_101 = arith.cmpi ne, %convert_element_type3A_99, %cond3A_100 : i32
      scf.if %cond3A_101 {
        %sub3A = arith.constant 2 : i32
        %sub3A_206 = arith.subi %add3A_83, %sub3A : i32
        %mul3A_207 = arith.constant 16 : i32
        %mul3A_208 = arith.muli %sub3A_206, %mul3A_207 : i32
        %add3A_209 = arith.addi %mul3A_2, %mul3A_208 : i32
        %dma_wait3A_210 = arith.constant 0 : i32
        %dma_wait3A_211 = tpu.memref_slice %arg5[%add3A_209, %dma_wait3A_210] : memref<32768x768xf32, #tpu.memory_space<hbm>> -> memref<16x768xf32, #tpu.memory_space<hbm>>
        %dma_wait3A_212 = arith.constant 0 : i32
        %dma_wait3A_213 = tpu.memref_slice %arg5[%add3A_209, %dma_wait3A_212] : memref<32768x768xf32, #tpu.memory_space<hbm>> -> memref<16x768xf32, #tpu.memory_space<hbm>>
        tpu.wait_dma2 semaphore(%arg26 : memref<!tpu.dma_semaphore, #tpu.memory_space<semaphore_mem>>) src(%arg10 : memref<16x768xf32, #tpu.memory_space<vmem>>) dst(%dma_wait3A_213 : memref<16x768xf32, #tpu.memory_space<hbm>>)
      } else {
      }
      %add3A_102 = arith.constant 2 : i32
      %add3A_103 = arith.addi %add3A_83, %add3A_102 : i32
      %lt3A_104 = arith.constant 64 : i32
      %lt3A_105 = arith.cmpi slt, %add3A_103, %lt3A_104 : i32
      %convert_element_type3A_106 = arith.extui %lt3A_105 : i1 to i32
      %cond3A_107 = arith.constant 0 : i32
      %cond3A_108 = arith.cmpi ne, %convert_element_type3A_106, %cond3A_107 : i32
      scf.if %cond3A_108 {
        %add3A_206 = arith.constant 2 : i32
        %add3A_207 = arith.addi %add3A_83, %add3A_206 : i32
        %mul3A_208 = arith.constant 16 : i32
        %mul3A_209 = arith.muli %add3A_207, %mul3A_208 : i32
        %add3A_210 = arith.addi %mul3A_2, %mul3A_209 : i32
        %dma_start3A_211 = arith.constant 0 : i32
        %dma_start3A_212 = tpu.memref_slice %arg2[%add3A_210, %dma_start3A_211] : memref<32768x768xf32, #tpu.memory_space<hbm>> -> memref<16x768xf32, #tpu.memory_space<hbm>>
        %dma_start3A_213 = arith.constant 0 : i32
        %dma_start3A_214 = tpu.memref_slice %arg2[%add3A_210, %dma_start3A_213] : memref<32768x768xf32, #tpu.memory_space<hbm>> -> memref<16x768xf32, #tpu.memory_space<hbm>>
        tpu.enqueue_dma source(%dma_start3A_214 : memref<16x768xf32, #tpu.memory_space<hbm>>) target(%arg10 : memref<16x768xf32, #tpu.memory_space<vmem>>) target_semaphore(%arg18 : memref<!tpu.dma_semaphore, #tpu.memory_space<semaphore_mem>>)
        %mul3A_215 = arith.constant 16 : i32
        %mul3A_216 = arith.muli %add3A_207, %mul3A_215 : i32
        %dma_start3A_217 = tpu.memref_slice %arg6[%mul3A_216] : memref<1024xi32, #tpu.memory_space<vmem>> -> memref<16xi32, #tpu.memory_space<vmem>>
        %dma_start3A_218 = arith.constant 0 : i32
        %dma_start3A_219 = arith.constant 0 : i32
        %dma_start3A_220 = tpu.memref_slice %arg4[%dma_start3A_218, %dma_start3A_219] : memref<8192x768xf32, #tpu.memory_space<hbm>> -> memref<8192x768xf32, #tpu.memory_space<hbm>>
        tpu.enqueue_indirect_dma source(%dma_start3A_220 : memref<8192x768xf32, #tpu.memory_space<hbm>>) target(%arg14 : memref<16x768xf32, #tpu.memory_space<vmem>>) offsets(%dma_start3A_217 : memref<16xi32, #tpu.memory_space<vmem>>) semaphore(%arg22 : memref<!tpu.dma_semaphore, #tpu.memory_space<semaphore_mem>>)
      } else {
      }
      %scan3A_109 = arith.constant 0 : i32
      %scan3A_110 = arith.constant 0 : i32
      %scan3A_111 = arith.constant 16 : i32
      %scan3A_112 = arith.addi %scan3A_110, %scan3A_111 : i32
      %scan3A_113 = arith.constant 1 : i32
      %scan3A_114 = scf.for %scan3A_206 = %scan3A_110 to %scan3A_112 step %scan3A_113 iter_args(%scan3A_207 = %scan3A_109) -> (i32)  : i32 {
        %get3A = arith.index_cast %scan3A_206 : i32 to index
        %get3A_208 = arith.constant 0 : index
        %get3A_209 = tpu.vector_load %arg12[%get3A, %get3A_208] {strides = array<i32>} : memref<16x768xf32, #tpu.memory_space<vmem>>, vector<1x16xf32>,
        %get3A_210 = vector.shape_cast %get3A_209 : vector<1x16xf32> to vector<16xf32>
        %swap3A = arith.index_cast %scan3A_206 : i32 to index
        %swap3A_211 = arith.constant 0 : index
        %swap3A_212 = tpu.vector_load %arg8[%swap3A, %swap3A_211] {strides = array<i32>} : memref<16x768xf32, #tpu.memory_space<vmem>>, vector<1x16xf32>,
        %swap3A_213 = vector.shape_cast %swap3A_212 : vector<1x16xf32> to vector<16xf32>
        %swap3A_214 = vector.shape_cast %get3A_210 : vector<16xf32> to vector<1x16xf32>
        tpu.vector_store %arg8[%swap3A, %swap3A_211], %swap3A_214 {add = true, strides = array<i32>} : memref<16x768xf32, #tpu.memory_space<vmem>>, vector<1x16xf32>,
        %get3A_215 = arith.index_cast %scan3A_206 : i32 to index
        %get3A_216 = arith.constant 16 : index
        %get3A_217 = tpu.vector_load %arg12[%get3A_215, %get3A_216] {strides = array<i32>} : memref<16x768xf32, #tpu.memory_space<vmem>>, vector<1x16xf32>,
        %get3A_218 = vector.shape_cast %get3A_217 : vector<1x16xf32> to vector<16xf32>
        %swap3A_219 = arith.index_cast %scan3A_206 : i32 to index
        %swap3A_220 = arith.constant 16 : index
        %swap3A_221 = tpu.vector_load %arg8[%swap3A_219, %swap3A_220] {strides = array<i32>} : memref<16x768xf32, #tpu.memory_space<vmem>>, vector<1x16xf32>,
        %swap3A_222 = vector.shape_cast %swap3A_221 : vector<1x16xf32> to vector<16xf32>
        %swap3A_223 = vector.shape_cast %get3A_218 : vector<16xf32> to vector<1x16xf32>
        tpu.vector_store %arg8[%swap3A_219, %swap3A_220], %swap3A_223 {add = true, strides = array<i32>} : memref<16x768xf32, #tpu.memory_space<vmem>>, vector<1x16xf32>,
        %get3A_224 = arith.index_cast %scan3A_206 : i32 to index
        %get3A_225 = arith.constant 32 : index
        %get3A_226 = tpu.vector_load %arg12[%get3A_224, %get3A_225] {strides = array<i32>} : memref<16x768xf32, #tpu.memory_space<vmem>>, vector<1x16xf32>,
        %get3A_227 = vector.shape_cast %get3A_226 : vector<1x16xf32> to vector<16xf32>
        %swap3A_228 = arith.index_cast %scan3A_206 : i32 to index
        %swap3A_229 = arith.constant 32 : index
        %swap3A_230 = tpu.vector_load %arg8[%swap3A_228, %swap3A_229] {strides = array<i32>} : memref<16x768xf32, #tpu.memory_space<vmem>>, vector<1x16xf32>,
        %swap3A_231 = vector.shape_cast %swap3A_230 : vector<1x16xf32> to vector<16xf32>
        %swap3A_232 = vector.shape_cast %get3A_227 : vector<16xf32> to vector<1x16xf32>
        tpu.vector_store %arg8[%swap3A_228, %swap3A_229], %swap3A_232 {add = true, strides = array<i32>} : memref<16x768xf32, #tpu.memory_space<vmem>>, vector<1x16xf32>,
        %get3A_233 = arith.index_cast %scan3A_206 : i32 to index
        %get3A_234 = arith.constant 48 : index
        %get3A_235 = tpu.vector_load %arg12[%get3A_233, %get3A_234] {strides = array<i32>} : memref<16x768xf32, #tpu.memory_space<vmem>>, vector<1x16xf32>,
        %get3A_236 = vector.shape_cast %get3A_235 : vector<1x16xf32> to vector<16xf32>
        %swap3A_237 = arith.index_cast %scan3A_206 : i32 to index
        %swap3A_238 = arith.constant 48 : index
        %swap3A_239 = tpu.vector_load %arg8[%swap3A_237, %swap3A_238] {strides = array<i32>} : memref<16x768xf32, #tpu.memory_space<vmem>>, vector<1x16xf32>,
        %swap3A_240 = vector.shape_cast %swap3A_239 : vector<1x16xf32> to vector<16xf32>
        %swap3A_241 = vector.shape_cast %get3A_236 : vector<16xf32> to vector<1x16xf32>
        tpu.vector_store %arg8[%swap3A_237, %swap3A_238], %swap3A_241 {add = true, strides = array<i32>} : memref<16x768xf32, #tpu.memory_space<vmem>>, vector<1x16xf32>,
        %get3A_242 = arith.index_cast %scan3A_206 : i32 to index
        %get3A_243 = arith.constant 64 : index
        %get3A_244 = tpu.vector_load %arg12[%get3A_242, %get3A_243] {strides = array<i32>} : memref<16x768xf32, #tpu.memory_space<vmem>>, vector<1x16xf32>,
        %get3A_245 = vector.shape_cast %get3A_244 : vector<1x16xf32> to vector<16xf32>
        %swap3A_246 = arith.index_cast %scan3A_206 : i32 to index
        %swap3A_247 = arith.constant 64 : index
        %swap3A_248 = tpu.vector_load %arg8[%swap3A_246, %swap3A_247] {strides = array<i32>} : memref<16x768xf32, #tpu.memory_space<vmem>>, vector<1x16xf32>,
        %swap3A_249 = vector.shape_cast %swap3A_248 : vector<1x16xf32> to vector<16xf32>
        %swap3A_250 = vector.shape_cast %get3A_245 : vector<16xf32> to vector<1x16xf32>
        tpu.vector_store %arg8[%swap3A_246, %swap3A_247], %swap3A_250 {add = true, strides = array<i32>} : memref<16x768xf32, #tpu.memory_space<vmem>>, vector<1x16xf32>,
        %get3A_251 = arith.index_cast %scan3A_206 : i32 to index
        %get3A_252 = arith.constant 80 : index
        %get3A_253 = tpu.vector_load %arg12[%get3A_251, %get3A_252] {strides = array<i32>} : memref<16x768xf32, #tpu.memory_space<vmem>>, vector<1x16xf32>,
        %get3A_254 = vector.shape_cast %get3A_253 : vector<1x16xf32> to vector<16xf32>
        %swap3A_255 = arith.index_cast %scan3A_206 : i32 to index
        %swap3A_256 = arith.constant 80 : index
        %swap3A_257 = tpu.vector_load %arg8[%swap3A_255, %swap3A_256] {strides = array<i32>} : memref<16x768xf32, #tpu.memory_space<vmem>>, vector<1x16xf32>,
        %swap3A_258 = vector.shape_cast %swap3A_257 : vector<1x16xf32> to vector<16xf32>
        %swap3A_259 = vector.shape_cast %get3A_254 : vector<16xf32> to vector<1x16xf32>
        tpu.vector_store %arg8[%swap3A_255, %swap3A_256], %swap3A_259 {add = true, strides = array<i32>} : memref<16x768xf32, #tpu.memory_space<vmem>>, vector<1x16xf32>,
        %get3A_260 = arith.index_cast %scan3A_206 : i32 to index
        %get3A_261 = arith.constant 96 : index
        %get3A_262 = tpu.vector_load %arg12[%get3A_260, %get3A_261] {strides = array<i32>} : memref<16x768xf32, #tpu.memory_space<vmem>>, vector<1x16xf32>,
        %get3A_263 = vector.shape_cast %get3A_262 : vector<1x16xf32> to vector<16xf32>
        %swap3A_264 = arith.index_cast %scan3A_206 : i32 to index
        %swap3A_265 = arith.constant 96 : index
        %swap3A_266 = tpu.vector_load %arg8[%swap3A_264, %swap3A_265] {strides = array<i32>} : memref<16x768xf32, #tpu.memory_space<vmem>>, vector<1x16xf32>,
        %swap3A_267 = vector.shape_cast %swap3A_266 : vector<1x16xf32> to vector<16xf32>
        %swap3A_268 = vector.shape_cast %get3A_263 : vector<16xf32> to vector<1x16xf32>
        tpu.vector_store %arg8[%swap3A_264, %swap3A_265], %swap3A_268 {add = true, strides = array<i32>} : memref<16x768xf32, #tpu.memory_space<vmem>>, vector<1x16xf32>,
        %get3A_269 = arith.index_cast %scan3A_206 : i32 to index
        %get3A_270 = arith.constant 112 : index
        %get3A_271 = tpu.vector_load %arg12[%get3A_269, %get3A_270] {strides = array<i32>} : memref<16x768xf32, #tpu.memory_space<vmem>>, vector<1x16xf32>,
        %get3A_272 = vector.shape_cast %get3A_271 : vector<1x16xf32> to vector<16xf32>
        %swap3A_273 = arith.index_cast %scan3A_206 : i32 to index
        %swap3A_274 = arith.constant 112 : index
        %swap3A_275 = tpu.vector_load %arg8[%swap3A_273, %swap3A_274] {strides = array<i32>} : memref<16x768xf32, #tpu.memory_space<vmem>>, vector<1x16xf32>,
        %swap3A_276 = vector.shape_cast %swap3A_275 : vector<1x16xf32> to vector<16xf32>
        %swap3A_277 = vector.shape_cast %get3A_272 : vector<16xf32> to vector<1x16xf32>
        tpu.vector_store %arg8[%swap3A_273, %swap3A_274], %swap3A_277 {add = true, strides = array<i32>} : memref<16x768xf32, #tpu.memory_space<vmem>>, vector<1x16xf32>,
        %get3A_278 = arith.index_cast %scan3A_206 : i32 to index
        %get3A_279 = arith.constant 128 : index
        %get3A_280 = tpu.vector_load %arg12[%get3A_278, %get3A_279] {strides = array<i32>} : memref<16x768xf32, #tpu.memory_space<vmem>>, vector<1x16xf32>,
        %get3A_281 = vector.shape_cast %get3A_280 : vector<1x16xf32> to vector<16xf32>
        %swap3A_282 = arith.index_cast %scan3A_206 : i32 to index
        %swap3A_283 = arith.constant 128 : index
        %swap3A_284 = tpu.vector_load %arg8[%swap3A_282, %swap3A_283] {strides = array<i32>} : memref<16x768xf32, #tpu.memory_space<vmem>>, vector<1x16xf32>,
        %swap3A_285 = vector.shape_cast %swap3A_284 : vector<1x16xf32> to vector<16xf32>
        %swap3A_286 = vector.shape_cast %get3A_281 : vector<16xf32> to vector<1x16xf32>
        tpu.vector_store %arg8[%swap3A_282, %swap3A_283], %swap3A_286 {add = true, strides = array<i32>} : memref<16x768xf32, #tpu.memory_space<vmem>>, vector<1x16xf32>,
        %get3A_287 = arith.index_cast %scan3A_206 : i32 to index
        %get3A_288 = arith.constant 144 : index
        %get3A_289 = tpu.vector_load %arg12[%get3A_287, %get3A_288] {strides = array<i32>} : memref<16x768xf32, #tpu.memory_space<vmem>>, vector<1x16xf32>,
        %get3A_290 = vector.shape_cast %get3A_289 : vector<1x16xf32> to vector<16xf32>
        %swap3A_291 = arith.index_cast %scan3A_206 : i32 to index
        %swap3A_292 = arith.constant 144 : index
        %swap3A_293 = tpu.vector_load %arg8[%swap3A_291, %swap3A_292] {strides = array<i32>} : memref<16x768xf32, #tpu.memory_space<vmem>>, vector<1x16xf32>,
        %swap3A_294 = vector.shape_cast %swap3A_293 : vector<1x16xf32> to vector<16xf32>
        %swap3A_295 = vector.shape_cast %get3A_290 : vector<16xf32> to vector<1x16xf32>
        tpu.vector_store %arg8[%swap3A_291, %swap3A_292], %swap3A_295 {add = true, strides = array<i32>} : memref<16x768xf32, #tpu.memory_space<vmem>>, vector<1x16xf32>,
        %get3A_296 = arith.index_cast %scan3A_206 : i32 to index
        %get3A_297 = arith.constant 160 : index
        %get3A_298 = tpu.vector_load %arg12[%get3A_296, %get3A_297] {strides = array<i32>} : memref<16x768xf32, #tpu.memory_space<vmem>>, vector<1x16xf32>,
        %get3A_299 = vector.shape_cast %get3A_298 : vector<1x16xf32> to vector<16xf32>
        %swap3A_300 = arith.index_cast %scan3A_206 : i32 to index
        %swap3A_301 = arith.constant 160 : index
        %swap3A_302 = tpu.vector_load %arg8[%swap3A_300, %swap3A_301] {strides = array<i32>} : memref<16x768xf32, #tpu.memory_space<vmem>>, vector<1x16xf32>,
        %swap3A_303 = vector.shape_cast %swap3A_302 : vector<1x16xf32> to vector<16xf32>
        %swap3A_304 = vector.shape_cast %get3A_299 : vector<16xf32> to vector<1x16xf32>
        tpu.vector_store %arg8[%swap3A_300, %swap3A_301], %swap3A_304 {add = true, strides = array<i32>} : memref<16x768xf32, #tpu.memory_space<vmem>>, vector<1x16xf32>,
        %get3A_305 = arith.index_cast %scan3A_206 : i32 to index
        %get3A_306 = arith.constant 176 : index
        %get3A_307 = tpu.vector_load %arg12[%get3A_305, %get3A_306] {strides = array<i32>} : memref<16x768xf32, #tpu.memory_space<vmem>>, vector<1x16xf32>,
        %get3A_308 = vector.shape_cast %get3A_307 : vector<1x16xf32> to vector<16xf32>
        %swap3A_309 = arith.index_cast %scan3A_206 : i32 to index
        %swap3A_310 = arith.constant 176 : index
        %swap3A_311 = tpu.vector_load %arg8[%swap3A_309, %swap3A_310] {strides = array<i32>} : memref<16x768xf32, #tpu.memory_space<vmem>>, vector<1x16xf32>,
        %swap3A_312 = vector.shape_cast %swap3A_311 : vector<1x16xf32> to vector<16xf32>
        %swap3A_313 = vector.shape_cast %get3A_308 : vector<16xf32> to vector<1x16xf32>
        tpu.vector_store %arg8[%swap3A_309, %swap3A_310], %swap3A_313 {add = true, strides = array<i32>} : memref<16x768xf32, #tpu.memory_space<vmem>>, vector<1x16xf32>,
        %get3A_314 = arith.index_cast %scan3A_206 : i32 to index
        %get3A_315 = arith.constant 192 : index
        %get3A_316 = tpu.vector_load %arg12[%get3A_314, %get3A_315] {strides = array<i32>} : memref<16x768xf32, #tpu.memory_space<vmem>>, vector<1x16xf32>,
        %get3A_317 = vector.shape_cast %get3A_316 : vector<1x16xf32> to vector<16xf32>
        %swap3A_318 = arith.index_cast %scan3A_206 : i32 to index
        %swap3A_319 = arith.constant 192 : index
        %swap3A_320 = tpu.vector_load %arg8[%swap3A_318, %swap3A_319] {strides = array<i32>} : memref<16x768xf32, #tpu.memory_space<vmem>>, vector<1x16xf32>,
        %swap3A_321 = vector.shape_cast %swap3A_320 : vector<1x16xf32> to vector<16xf32>
        %swap3A_322 = vector.shape_cast %get3A_317 : vector<16xf32> to vector<1x16xf32>
        tpu.vector_store %arg8[%swap3A_318, %swap3A_319], %swap3A_322 {add = true, strides = array<i32>} : memref<16x768xf32, #tpu.memory_space<vmem>>, vector<1x16xf32>,
        %get3A_323 = arith.index_cast %scan3A_206 : i32 to index
        %get3A_324 = arith.constant 208 : index
        %get3A_325 = tpu.vector_load %arg12[%get3A_323, %get3A_324] {strides = array<i32>} : memref<16x768xf32, #tpu.memory_space<vmem>>, vector<1x16xf32>,
        %get3A_326 = vector.shape_cast %get3A_325 : vector<1x16xf32> to vector<16xf32>
        %swap3A_327 = arith.index_cast %scan3A_206 : i32 to index
        %swap3A_328 = arith.constant 208 : index
        %swap3A_329 = tpu.vector_load %arg8[%swap3A_327, %swap3A_328] {strides = array<i32>} : memref<16x768xf32, #tpu.memory_space<vmem>>, vector<1x16xf32>,
        %swap3A_330 = vector.shape_cast %swap3A_329 : vector<1x16xf32> to vector<16xf32>
        %swap3A_331 = vector.shape_cast %get3A_326 : vector<16xf32> to vector<1x16xf32>
        tpu.vector_store %arg8[%swap3A_327, %swap3A_328], %swap3A_331 {add = true, strides = array<i32>} : memref<16x768xf32, #tpu.memory_space<vmem>>, vector<1x16xf32>,
        %get3A_332 = arith.index_cast %scan3A_206 : i32 to index
        %get3A_333 = arith.constant 224 : index
        %get3A_334 = tpu.vector_load %arg12[%get3A_332, %get3A_333] {strides = array<i32>} : memref<16x768xf32, #tpu.memory_space<vmem>>, vector<1x16xf32>,
        %get3A_335 = vector.shape_cast %get3A_334 : vector<1x16xf32> to vector<16xf32>
        %swap3A_336 = arith.index_cast %scan3A_206 : i32 to index
        %swap3A_337 = arith.constant 224 : index
        %swap3A_338 = tpu.vector_load %arg8[%swap3A_336, %swap3A_337] {strides = array<i32>} : memref<16x768xf32, #tpu.memory_space<vmem>>, vector<1x16xf32>,
        %swap3A_339 = vector.shape_cast %swap3A_338 : vector<1x16xf32> to vector<16xf32>
        %swap3A_340 = vector.shape_cast %get3A_335 : vector<16xf32> to vector<1x16xf32>
        tpu.vector_store %arg8[%swap3A_336, %swap3A_337], %swap3A_340 {add = true, strides = array<i32>} : memref<16x768xf32, #tpu.memory_space<vmem>>, vector<1x16xf32>,
        %get3A_341 = arith.index_cast %scan3A_206 : i32 to index
        %get3A_342 = arith.constant 240 : index
        %get3A_343 = tpu.vector_load %arg12[%get3A_341, %get3A_342] {strides = array<i32>} : memref<16x768xf32, #tpu.memory_space<vmem>>, vector<1x16xf32>,
        %get3A_344 = vector.shape_cast %get3A_343 : vector<1x16xf32> to vector<16xf32>
        %swap3A_345 = arith.index_cast %scan3A_206 : i32 to index
        %swap3A_346 = arith.constant 240 : index
        %swap3A_347 = tpu.vector_load %arg8[%swap3A_345, %swap3A_346] {strides = array<i32>} : memref<16x768xf32, #tpu.memory_space<vmem>>, vector<1x16xf32>,
        %swap3A_348 = vector.shape_cast %swap3A_347 : vector<1x16xf32> to vector<16xf32>
        %swap3A_349 = vector.shape_cast %get3A_344 : vector<16xf32> to vector<1x16xf32>
        tpu.vector_store %arg8[%swap3A_345, %swap3A_346], %swap3A_349 {add = true, strides = array<i32>} : memref<16x768xf32, #tpu.memory_space<vmem>>, vector<1x16xf32>,
        %get3A_350 = arith.index_cast %scan3A_206 : i32 to index
        %get3A_351 = arith.constant 256 : index
        %get3A_352 = tpu.vector_load %arg12[%get3A_350, %get3A_351] {strides = array<i32>} : memref<16x768xf32, #tpu.memory_space<vmem>>, vector<1x16xf32>,
        %get3A_353 = vector.shape_cast %get3A_352 : vector<1x16xf32> to vector<16xf32>
        %swap3A_354 = arith.index_cast %scan3A_206 : i32 to index
        %swap3A_355 = arith.constant 256 : index
        %swap3A_356 = tpu.vector_load %arg8[%swap3A_354, %swap3A_355] {strides = array<i32>} : memref<16x768xf32, #tpu.memory_space<vmem>>, vector<1x16xf32>,
        %swap3A_357 = vector.shape_cast %swap3A_356 : vector<1x16xf32> to vector<16xf32>
        %swap3A_358 = vector.shape_cast %get3A_353 : vector<16xf32> to vector<1x16xf32>
        tpu.vector_store %arg8[%swap3A_354, %swap3A_355], %swap3A_358 {add = true, strides = array<i32>} : memref<16x768xf32, #tpu.memory_space<vmem>>, vector<1x16xf32>,
        %get3A_359 = arith.index_cast %scan3A_206 : i32 to index
        %get3A_360 = arith.constant 272 : index
        %get3A_361 = tpu.vector_load %arg12[%get3A_359, %get3A_360] {strides = array<i32>} : memref<16x768xf32, #tpu.memory_space<vmem>>, vector<1x16xf32>,
        %get3A_362 = vector.shape_cast %get3A_361 : vector<1x16xf32> to vector<16xf32>
        %swap3A_363 = arith.index_cast %scan3A_206 : i32 to index
        %swap3A_364 = arith.constant 272 : index
        %swap3A_365 = tpu.vector_load %arg8[%swap3A_363, %swap3A_364] {strides = array<i32>} : memref<16x768xf32, #tpu.memory_space<vmem>>, vector<1x16xf32>,
        %swap3A_366 = vector.shape_cast %swap3A_365 : vector<1x16xf32> to vector<16xf32>
        %swap3A_367 = vector.shape_cast %get3A_362 : vector<16xf32> to vector<1x16xf32>
        tpu.vector_store %arg8[%swap3A_363, %swap3A_364], %swap3A_367 {add = true, strides = array<i32>} : memref<16x768xf32, #tpu.memory_space<vmem>>, vector<1x16xf32>,
        %get3A_368 = arith.index_cast %scan3A_206 : i32 to index
        %get3A_369 = arith.constant 288 : index
        %get3A_370 = tpu.vector_load %arg12[%get3A_368, %get3A_369] {strides = array<i32>} : memref<16x768xf32, #tpu.memory_space<vmem>>, vector<1x16xf32>,
        %get3A_371 = vector.shape_cast %get3A_370 : vector<1x16xf32> to vector<16xf32>
        %swap3A_372 = arith.index_cast %scan3A_206 : i32 to index
        %swap3A_373 = arith.constant 288 : index
        %swap3A_374 = tpu.vector_load %arg8[%swap3A_372, %swap3A_373] {strides = array<i32>} : memref<16x768xf32, #tpu.memory_space<vmem>>, vector<1x16xf32>,
        %swap3A_375 = vector.shape_cast %swap3A_374 : vector<1x16xf32> to vector<16xf32>
        %swap3A_376 = vector.shape_cast %get3A_371 : vector<16xf32> to vector<1x16xf32>
        tpu.vector_store %arg8[%swap3A_372, %swap3A_373], %swap3A_376 {add = true, strides = array<i32>} : memref<16x768xf32, #tpu.memory_space<vmem>>, vector<1x16xf32>,
        %get3A_377 = arith.index_cast %scan3A_206 : i32 to index
        %get3A_378 = arith.constant 304 : index
        %get3A_379 = tpu.vector_load %arg12[%get3A_377, %get3A_378] {strides = array<i32>} : memref<16x768xf32, #tpu.memory_space<vmem>>, vector<1x16xf32>,
        %get3A_380 = vector.shape_cast %get3A_379 : vector<1x16xf32> to vector<16xf32>
        %swap3A_381 = arith.index_cast %scan3A_206 : i32 to index
        %swap3A_382 = arith.constant 304 : index
        %swap3A_383 = tpu.vector_load %arg8[%swap3A_381, %swap3A_382] {strides = array<i32>} : memref<16x768xf32, #tpu.memory_space<vmem>>, vector<1x16xf32>,
        %swap3A_384 = vector.shape_cast %swap3A_383 : vector<1x16xf32> to vector<16xf32>
        %swap3A_385 = vector.shape_cast %get3A_380 : vector<16xf32> to vector<1x16xf32>
        tpu.vector_store %arg8[%swap3A_381, %swap3A_382], %swap3A_385 {add = true, strides = array<i32>} : memref<16x768xf32, #tpu.memory_space<vmem>>, vector<1x16xf32>,
        %get3A_386 = arith.index_cast %scan3A_206 : i32 to index
        %get3A_387 = arith.constant 320 : index
        %get3A_388 = tpu.vector_load %arg12[%get3A_386, %get3A_387] {strides = array<i32>} : memref<16x768xf32, #tpu.memory_space<vmem>>, vector<1x16xf32>,
        %get3A_389 = vector.shape_cast %get3A_388 : vector<1x16xf32> to vector<16xf32>
        %swap3A_390 = arith.index_cast %scan3A_206 : i32 to index
        %swap3A_391 = arith.constant 320 : index
        %swap3A_392 = tpu.vector_load %arg8[%swap3A_390, %swap3A_391] {strides = array<i32>} : memref<16x768xf32, #tpu.memory_space<vmem>>, vector<1x16xf32>,
        %swap3A_393 = vector.shape_cast %swap3A_392 : vector<1x16xf32> to vector<16xf32>
        %swap3A_394 = vector.shape_cast %get3A_389 : vector<16xf32> to vector<1x16xf32>
        tpu.vector_store %arg8[%swap3A_390, %swap3A_391], %swap3A_394 {add = true, strides = array<i32>} : memref<16x768xf32, #tpu.memory_space<vmem>>, vector<1x16xf32>,
        %get3A_395 = arith.index_cast %scan3A_206 : i32 to index
        %get3A_396 = arith.constant 336 : index
        %get3A_397 = tpu.vector_load %arg12[%get3A_395, %get3A_396] {strides = array<i32>} : memref<16x768xf32, #tpu.memory_space<vmem>>, vector<1x16xf32>,
        %get3A_398 = vector.shape_cast %get3A_397 : vector<1x16xf32> to vector<16xf32>
        %swap3A_399 = arith.index_cast %scan3A_206 : i32 to index
        %swap3A_400 = arith.constant 336 : index
        %swap3A_401 = tpu.vector_load %arg8[%swap3A_399, %swap3A_400] {strides = array<i32>} : memref<16x768xf32, #tpu.memory_space<vmem>>, vector<1x16xf32>,
        %swap3A_402 = vector.shape_cast %swap3A_401 : vector<1x16xf32> to vector<16xf32>
        %swap3A_403 = vector.shape_cast %get3A_398 : vector<16xf32> to vector<1x16xf32>
        tpu.vector_store %arg8[%swap3A_399, %swap3A_400], %swap3A_403 {add = true, strides = array<i32>} : memref<16x768xf32, #tpu.memory_space<vmem>>, vector<1x16xf32>,
        %get3A_404 = arith.index_cast %scan3A_206 : i32 to index
        %get3A_405 = arith.constant 352 : index
        %get3A_406 = tpu.vector_load %arg12[%get3A_404, %get3A_405] {strides = array<i32>} : memref<16x768xf32, #tpu.memory_space<vmem>>, vector<1x16xf32>,
        %get3A_407 = vector.shape_cast %get3A_406 : vector<1x16xf32> to vector<16xf32>
        %swap3A_408 = arith.index_cast %scan3A_206 : i32 to index
        %swap3A_409 = arith.constant 352 : index
        %swap3A_410 = tpu.vector_load %arg8[%swap3A_408, %swap3A_409] {strides = array<i32>} : memref<16x768xf32, #tpu.memory_space<vmem>>, vector<1x16xf32>,
        %swap3A_411 = vector.shape_cast %swap3A_410 : vector<1x16xf32> to vector<16xf32>
        %swap3A_412 = vector.shape_cast %get3A_407 : vector<16xf32> to vector<1x16xf32>
        tpu.vector_store %arg8[%swap3A_408, %swap3A_409], %swap3A_412 {add = true, strides = array<i32>} : memref<16x768xf32, #tpu.memory_space<vmem>>, vector<1x16xf32>,
        %get3A_413 = arith.index_cast %scan3A_206 : i32 to index
        %get3A_414 = arith.constant 368 : index
        %get3A_415 = tpu.vector_load %arg12[%get3A_413, %get3A_414] {strides = array<i32>} : memref<16x768xf32, #tpu.memory_space<vmem>>, vector<1x16xf32>,
        %get3A_416 = vector.shape_cast %get3A_415 : vector<1x16xf32> to vector<16xf32>
        %swap3A_417 = arith.index_cast %scan3A_206 : i32 to index
        %swap3A_418 = arith.constant 368 : index
        %swap3A_419 = tpu.vector_load %arg8[%swap3A_417, %swap3A_418] {strides = array<i32>} : memref<16x768xf32, #tpu.memory_space<vmem>>, vector<1x16xf32>,
        %swap3A_420 = vector.shape_cast %swap3A_419 : vector<1x16xf32> to vector<16xf32>
        %swap3A_421 = vector.shape_cast %get3A_416 : vector<16xf32> to vector<1x16xf32>
        tpu.vector_store %arg8[%swap3A_417, %swap3A_418], %swap3A_421 {add = true, strides = array<i32>} : memref<16x768xf32, #tpu.memory_space<vmem>>, vector<1x16xf32>,
        %get3A_422 = arith.index_cast %scan3A_206 : i32 to index
        %get3A_423 = arith.constant 384 : index
        %get3A_424 = tpu.vector_load %arg12[%get3A_422, %get3A_423] {strides = array<i32>} : memref<16x768xf32, #tpu.memory_space<vmem>>, vector<1x16xf32>,
        %get3A_425 = vector.shape_cast %get3A_424 : vector<1x16xf32> to vector<16xf32>
        %swap3A_426 = arith.index_cast %scan3A_206 : i32 to index
        %swap3A_427 = arith.constant 384 : index
        %swap3A_428 = tpu.vector_load %arg8[%swap3A_426, %swap3A_427] {strides = array<i32>} : memref<16x768xf32, #tpu.memory_space<vmem>>, vector<1x16xf32>,
        %swap3A_429 = vector.shape_cast %swap3A_428 : vector<1x16xf32> to vector<16xf32>
        %swap3A_430 = vector.shape_cast %get3A_425 : vector<16xf32> to vector<1x16xf32>
        tpu.vector_store %arg8[%swap3A_426, %swap3A_427], %swap3A_430 {add = true, strides = array<i32>} : memref<16x768xf32, #tpu.memory_space<vmem>>, vector<1x16xf32>,
        %get3A_431 = arith.index_cast %scan3A_206 : i32 to index
        %get3A_432 = arith.constant 400 : index
        %get3A_433 = tpu.vector_load %arg12[%get3A_431, %get3A_432] {strides = array<i32>} : memref<16x768xf32, #tpu.memory_space<vmem>>, vector<1x16xf32>,
        %get3A_434 = vector.shape_cast %get3A_433 : vector<1x16xf32> to vector<16xf32>
        %swap3A_435 = arith.index_cast %scan3A_206 : i32 to index
        %swap3A_436 = arith.constant 400 : index
        %swap3A_437 = tpu.vector_load %arg8[%swap3A_435, %swap3A_436] {strides = array<i32>} : memref<16x768xf32, #tpu.memory_space<vmem>>, vector<1x16xf32>,
        %swap3A_438 = vector.shape_cast %swap3A_437 : vector<1x16xf32> to vector<16xf32>
        %swap3A_439 = vector.shape_cast %get3A_434 : vector<16xf32> to vector<1x16xf32>
        tpu.vector_store %arg8[%swap3A_435, %swap3A_436], %swap3A_439 {add = true, strides = array<i32>} : memref<16x768xf32, #tpu.memory_space<vmem>>, vector<1x16xf32>,
        %get3A_440 = arith.index_cast %scan3A_206 : i32 to index
        %get3A_441 = arith.constant 416 : index
        %get3A_442 = tpu.vector_load %arg12[%get3A_440, %get3A_441] {strides = array<i32>} : memref<16x768xf32, #tpu.memory_space<vmem>>, vector<1x16xf32>,
        %get3A_443 = vector.shape_cast %get3A_442 : vector<1x16xf32> to vector<16xf32>
        %swap3A_444 = arith.index_cast %scan3A_206 : i32 to index
        %swap3A_445 = arith.constant 416 : index
        %swap3A_446 = tpu.vector_load %arg8[%swap3A_444, %swap3A_445] {strides = array<i32>} : memref<16x768xf32, #tpu.memory_space<vmem>>, vector<1x16xf32>,
        %swap3A_447 = vector.shape_cast %swap3A_446 : vector<1x16xf32> to vector<16xf32>
        %swap3A_448 = vector.shape_cast %get3A_443 : vector<16xf32> to vector<1x16xf32>
        tpu.vector_store %arg8[%swap3A_444, %swap3A_445], %swap3A_448 {add = true, strides = array<i32>} : memref<16x768xf32, #tpu.memory_space<vmem>>, vector<1x16xf32>,
        %get3A_449 = arith.index_cast %scan3A_206 : i32 to index
        %get3A_450 = arith.constant 432 : index
        %get3A_451 = tpu.vector_load %arg12[%get3A_449, %get3A_450] {strides = array<i32>} : memref<16x768xf32, #tpu.memory_space<vmem>>, vector<1x16xf32>,
        %get3A_452 = vector.shape_cast %get3A_451 : vector<1x16xf32> to vector<16xf32>
        %swap3A_453 = arith.index_cast %scan3A_206 : i32 to index
        %swap3A_454 = arith.constant 432 : index
        %swap3A_455 = tpu.vector_load %arg8[%swap3A_453, %swap3A_454] {strides = array<i32>} : memref<16x768xf32, #tpu.memory_space<vmem>>, vector<1x16xf32>,
        %swap3A_456 = vector.shape_cast %swap3A_455 : vector<1x16xf32> to vector<16xf32>
        %swap3A_457 = vector.shape_cast %get3A_452 : vector<16xf32> to vector<1x16xf32>
        tpu.vector_store %arg8[%swap3A_453, %swap3A_454], %swap3A_457 {add = true, strides = array<i32>} : memref<16x768xf32, #tpu.memory_space<vmem>>, vector<1x16xf32>,
        %get3A_458 = arith.index_cast %scan3A_206 : i32 to index
        %get3A_459 = arith.constant 448 : index
        %get3A_460 = tpu.vector_load %arg12[%get3A_458, %get3A_459] {strides = array<i32>} : memref<16x768xf32, #tpu.memory_space<vmem>>, vector<1x16xf32>,
        %get3A_461 = vector.shape_cast %get3A_460 : vector<1x16xf32> to vector<16xf32>
        %swap3A_462 = arith.index_cast %scan3A_206 : i32 to index
        %swap3A_463 = arith.constant 448 : index
        %swap3A_464 = tpu.vector_load %arg8[%swap3A_462, %swap3A_463] {strides = array<i32>} : memref<16x768xf32, #tpu.memory_space<vmem>>, vector<1x16xf32>,
        %swap3A_465 = vector.shape_cast %swap3A_464 : vector<1x16xf32> to vector<16xf32>
        %swap3A_466 = vector.shape_cast %get3A_461 : vector<16xf32> to vector<1x16xf32>
        tpu.vector_store %arg8[%swap3A_462, %swap3A_463], %swap3A_466 {add = true, strides = array<i32>} : memref<16x768xf32, #tpu.memory_space<vmem>>, vector<1x16xf32>,
        %get3A_467 = arith.index_cast %scan3A_206 : i32 to index
        %get3A_468 = arith.constant 464 : index
        %get3A_469 = tpu.vector_load %arg12[%get3A_467, %get3A_468] {strides = array<i32>} : memref<16x768xf32, #tpu.memory_space<vmem>>, vector<1x16xf32>,
        %get3A_470 = vector.shape_cast %get3A_469 : vector<1x16xf32> to vector<16xf32>
        %swap3A_471 = arith.index_cast %scan3A_206 : i32 to index
        %swap3A_472 = arith.constant 464 : index
        %swap3A_473 = tpu.vector_load %arg8[%swap3A_471, %swap3A_472] {strides = array<i32>} : memref<16x768xf32, #tpu.memory_space<vmem>>, vector<1x16xf32>,
        %swap3A_474 = vector.shape_cast %swap3A_473 : vector<1x16xf32> to vector<16xf32>
        %swap3A_475 = vector.shape_cast %get3A_470 : vector<16xf32> to vector<1x16xf32>
        tpu.vector_store %arg8[%swap3A_471, %swap3A_472], %swap3A_475 {add = true, strides = array<i32>} : memref<16x768xf32, #tpu.memory_space<vmem>>, vector<1x16xf32>,
        %get3A_476 = arith.index_cast %scan3A_206 : i32 to index
        %get3A_477 = arith.constant 480 : index
        %get3A_478 = tpu.vector_load %arg12[%get3A_476, %get3A_477] {strides = array<i32>} : memref<16x768xf32, #tpu.memory_space<vmem>>, vector<1x16xf32>,
        %get3A_479 = vector.shape_cast %get3A_478 : vector<1x16xf32> to vector<16xf32>
        %swap3A_480 = arith.index_cast %scan3A_206 : i32 to index
        %swap3A_481 = arith.constant 480 : index
        %swap3A_482 = tpu.vector_load %arg8[%swap3A_480, %swap3A_481] {strides = array<i32>} : memref<16x768xf32, #tpu.memory_space<vmem>>, vector<1x16xf32>,
        %swap3A_483 = vector.shape_cast %swap3A_482 : vector<1x16xf32> to vector<16xf32>
        %swap3A_484 = vector.shape_cast %get3A_479 : vector<16xf32> to vector<1x16xf32>
        tpu.vector_store %arg8[%swap3A_480, %swap3A_481], %swap3A_484 {add = true, strides = array<i32>} : memref<16x768xf32, #tpu.memory_space<vmem>>, vector<1x16xf32>,
        %get3A_485 = arith.index_cast %scan3A_206 : i32 to index
        %get3A_486 = arith.constant 496 : index
        %get3A_487 = tpu.vector_load %arg12[%get3A_485, %get3A_486] {strides = array<i32>} : memref<16x768xf32, #tpu.memory_space<vmem>>, vector<1x16xf32>,
        %get3A_488 = vector.shape_cast %get3A_487 : vector<1x16xf32> to vector<16xf32>
        %swap3A_489 = arith.index_cast %scan3A_206 : i32 to index
        %swap3A_490 = arith.constant 496 : index
        %swap3A_491 = tpu.vector_load %arg8[%swap3A_489, %swap3A_490] {strides = array<i32>} : memref<16x768xf32, #tpu.memory_space<vmem>>, vector<1x16xf32>,
        %swap3A_492 = vector.shape_cast %swap3A_491 : vector<1x16xf32> to vector<16xf32>
        %swap3A_493 = vector.shape_cast %get3A_488 : vector<16xf32> to vector<1x16xf32>
        tpu.vector_store %arg8[%swap3A_489, %swap3A_490], %swap3A_493 {add = true, strides = array<i32>} : memref<16x768xf32, #tpu.memory_space<vmem>>, vector<1x16xf32>,
        %get3A_494 = arith.index_cast %scan3A_206 : i32 to index
        %get3A_495 = arith.constant 512 : index
        %get3A_496 = tpu.vector_load %arg12[%get3A_494, %get3A_495] {strides = array<i32>} : memref<16x768xf32, #tpu.memory_space<vmem>>, vector<1x16xf32>,
        %get3A_497 = vector.shape_cast %get3A_496 : vector<1x16xf32> to vector<16xf32>
        %swap3A_498 = arith.index_cast %scan3A_206 : i32 to index
        %swap3A_499 = arith.constant 512 : index
        %swap3A_500 = tpu.vector_load %arg8[%swap3A_498, %swap3A_499] {strides = array<i32>} : memref<16x768xf32, #tpu.memory_space<vmem>>, vector<1x16xf32>,
        %swap3A_501 = vector.shape_cast %swap3A_500 : vector<1x16xf32> to vector<16xf32>
        %swap3A_502 = vector.shape_cast %get3A_497 : vector<16xf32> to vector<1x16xf32>
        tpu.vector_store %arg8[%swap3A_498, %swap3A_499], %swap3A_502 {add = true, strides = array<i32>} : memref<16x768xf32, #tpu.memory_space<vmem>>, vector<1x16xf32>,
        %get3A_503 = arith.index_cast %scan3A_206 : i32 to index
        %get3A_504 = arith.constant 528 : index
        %get3A_505 = tpu.vector_load %arg12[%get3A_503, %get3A_504] {strides = array<i32>} : memref<16x768xf32, #tpu.memory_space<vmem>>, vector<1x16xf32>,
        %get3A_506 = vector.shape_cast %get3A_505 : vector<1x16xf32> to vector<16xf32>
        %swap3A_507 = arith.index_cast %scan3A_206 : i32 to index
        %swap3A_508 = arith.constant 528 : index
        %swap3A_509 = tpu.vector_load %arg8[%swap3A_507, %swap3A_508] {strides = array<i32>} : memref<16x768xf32, #tpu.memory_space<vmem>>, vector<1x16xf32>,
        %swap3A_510 = vector.shape_cast %swap3A_509 : vector<1x16xf32> to vector<16xf32>
        %swap3A_511 = vector.shape_cast %get3A_506 : vector<16xf32> to vector<1x16xf32>
        tpu.vector_store %arg8[%swap3A_507, %swap3A_508], %swap3A_511 {add = true, strides = array<i32>} : memref<16x768xf32, #tpu.memory_space<vmem>>, vector<1x16xf32>,
        %get3A_512 = arith.index_cast %scan3A_206 : i32 to index
        %get3A_513 = arith.constant 544 : index
        %get3A_514 = tpu.vector_load %arg12[%get3A_512, %get3A_513] {strides = array<i32>} : memref<16x768xf32, #tpu.memory_space<vmem>>, vector<1x16xf32>,
        %get3A_515 = vector.shape_cast %get3A_514 : vector<1x16xf32> to vector<16xf32>
        %swap3A_516 = arith.index_cast %scan3A_206 : i32 to index
        %swap3A_517 = arith.constant 544 : index
        %swap3A_518 = tpu.vector_load %arg8[%swap3A_516, %swap3A_517] {strides = array<i32>} : memref<16x768xf32, #tpu.memory_space<vmem>>, vector<1x16xf32>,
        %swap3A_519 = vector.shape_cast %swap3A_518 : vector<1x16xf32> to vector<16xf32>
        %swap3A_520 = vector.shape_cast %get3A_515 : vector<16xf32> to vector<1x16xf32>
        tpu.vector_store %arg8[%swap3A_516, %swap3A_517], %swap3A_520 {add = true, strides = array<i32>} : memref<16x768xf32, #tpu.memory_space<vmem>>, vector<1x16xf32>,
        %get3A_521 = arith.index_cast %scan3A_206 : i32 to index
        %get3A_522 = arith.constant 560 : index
        %get3A_523 = tpu.vector_load %arg12[%get3A_521, %get3A_522] {strides = array<i32>} : memref<16x768xf32, #tpu.memory_space<vmem>>, vector<1x16xf32>,
        %get3A_524 = vector.shape_cast %get3A_523 : vector<1x16xf32> to vector<16xf32>
        %swap3A_525 = arith.index_cast %scan3A_206 : i32 to index
        %swap3A_526 = arith.constant 560 : index
        %swap3A_527 = tpu.vector_load %arg8[%swap3A_525, %swap3A_526] {strides = array<i32>} : memref<16x768xf32, #tpu.memory_space<vmem>>, vector<1x16xf32>,
        %swap3A_528 = vector.shape_cast %swap3A_527 : vector<1x16xf32> to vector<16xf32>
        %swap3A_529 = vector.shape_cast %get3A_524 : vector<16xf32> to vector<1x16xf32>
        tpu.vector_store %arg8[%swap3A_525, %swap3A_526], %swap3A_529 {add = true, strides = array<i32>} : memref<16x768xf32, #tpu.memory_space<vmem>>, vector<1x16xf32>,
        %get3A_530 = arith.index_cast %scan3A_206 : i32 to index
        %get3A_531 = arith.constant 576 : index
        %get3A_532 = tpu.vector_load %arg12[%get3A_530, %get3A_531] {strides = array<i32>} : memref<16x768xf32, #tpu.memory_space<vmem>>, vector<1x16xf32>,
        %get3A_533 = vector.shape_cast %get3A_532 : vector<1x16xf32> to vector<16xf32>
        %swap3A_534 = arith.index_cast %scan3A_206 : i32 to index
        %swap3A_535 = arith.constant 576 : index
        %swap3A_536 = tpu.vector_load %arg8[%swap3A_534, %swap3A_535] {strides = array<i32>} : memref<16x768xf32, #tpu.memory_space<vmem>>, vector<1x16xf32>,
        %swap3A_537 = vector.shape_cast %swap3A_536 : vector<1x16xf32> to vector<16xf32>
        %swap3A_538 = vector.shape_cast %get3A_533 : vector<16xf32> to vector<1x16xf32>
        tpu.vector_store %arg8[%swap3A_534, %swap3A_535], %swap3A_538 {add = true, strides = array<i32>} : memref<16x768xf32, #tpu.memory_space<vmem>>, vector<1x16xf32>,
        %get3A_539 = arith.index_cast %scan3A_206 : i32 to index
        %get3A_540 = arith.constant 592 : index
        %get3A_541 = tpu.vector_load %arg12[%get3A_539, %get3A_540] {strides = array<i32>} : memref<16x768xf32, #tpu.memory_space<vmem>>, vector<1x16xf32>,
        %get3A_542 = vector.shape_cast %get3A_541 : vector<1x16xf32> to vector<16xf32>
        %swap3A_543 = arith.index_cast %scan3A_206 : i32 to index
        %swap3A_544 = arith.constant 592 : index
        %swap3A_545 = tpu.vector_load %arg8[%swap3A_543, %swap3A_544] {strides = array<i32>} : memref<16x768xf32, #tpu.memory_space<vmem>>, vector<1x16xf32>,
        %swap3A_546 = vector.shape_cast %swap3A_545 : vector<1x16xf32> to vector<16xf32>
        %swap3A_547 = vector.shape_cast %get3A_542 : vector<16xf32> to vector<1x16xf32>
        tpu.vector_store %arg8[%swap3A_543, %swap3A_544], %swap3A_547 {add = true, strides = array<i32>} : memref<16x768xf32, #tpu.memory_space<vmem>>, vector<1x16xf32>,
        %get3A_548 = arith.index_cast %scan3A_206 : i32 to index
        %get3A_549 = arith.constant 608 : index
        %get3A_550 = tpu.vector_load %arg12[%get3A_548, %get3A_549] {strides = array<i32>} : memref<16x768xf32, #tpu.memory_space<vmem>>, vector<1x16xf32>,
        %get3A_551 = vector.shape_cast %get3A_550 : vector<1x16xf32> to vector<16xf32>
        %swap3A_552 = arith.index_cast %scan3A_206 : i32 to index
        %swap3A_553 = arith.constant 608 : index
        %swap3A_554 = tpu.vector_load %arg8[%swap3A_552, %swap3A_553] {strides = array<i32>} : memref<16x768xf32, #tpu.memory_space<vmem>>, vector<1x16xf32>,
        %swap3A_555 = vector.shape_cast %swap3A_554 : vector<1x16xf32> to vector<16xf32>
        %swap3A_556 = vector.shape_cast %get3A_551 : vector<16xf32> to vector<1x16xf32>
        tpu.vector_store %arg8[%swap3A_552, %swap3A_553], %swap3A_556 {add = true, strides = array<i32>} : memref<16x768xf32, #tpu.memory_space<vmem>>, vector<1x16xf32>,
        %get3A_557 = arith.index_cast %scan3A_206 : i32 to index
        %get3A_558 = arith.constant 624 : index
        %get3A_559 = tpu.vector_load %arg12[%get3A_557, %get3A_558] {strides = array<i32>} : memref<16x768xf32, #tpu.memory_space<vmem>>, vector<1x16xf32>,
        %get3A_560 = vector.shape_cast %get3A_559 : vector<1x16xf32> to vector<16xf32>
        %swap3A_561 = arith.index_cast %scan3A_206 : i32 to index
        %swap3A_562 = arith.constant 624 : index
        %swap3A_563 = tpu.vector_load %arg8[%swap3A_561, %swap3A_562] {strides = array<i32>} : memref<16x768xf32, #tpu.memory_space<vmem>>, vector<1x16xf32>,
        %swap3A_564 = vector.shape_cast %swap3A_563 : vector<1x16xf32> to vector<16xf32>
        %swap3A_565 = vector.shape_cast %get3A_560 : vector<16xf32> to vector<1x16xf32>
        tpu.vector_store %arg8[%swap3A_561, %swap3A_562], %swap3A_565 {add = true, strides = array<i32>} : memref<16x768xf32, #tpu.memory_space<vmem>>, vector<1x16xf32>,
        %get3A_566 = arith.index_cast %scan3A_206 : i32 to index
        %get3A_567 = arith.constant 640 : index
        %get3A_568 = tpu.vector_load %arg12[%get3A_566, %get3A_567] {strides = array<i32>} : memref<16x768xf32, #tpu.memory_space<vmem>>, vector<1x16xf32>,
        %get3A_569 = vector.shape_cast %get3A_568 : vector<1x16xf32> to vector<16xf32>
        %swap3A_570 = arith.index_cast %scan3A_206 : i32 to index
        %swap3A_571 = arith.constant 640 : index
        %swap3A_572 = tpu.vector_load %arg8[%swap3A_570, %swap3A_571] {strides = array<i32>} : memref<16x768xf32, #tpu.memory_space<vmem>>, vector<1x16xf32>,
        %swap3A_573 = vector.shape_cast %swap3A_572 : vector<1x16xf32> to vector<16xf32>
        %swap3A_574 = vector.shape_cast %get3A_569 : vector<16xf32> to vector<1x16xf32>
        tpu.vector_store %arg8[%swap3A_570, %swap3A_571], %swap3A_574 {add = true, strides = array<i32>} : memref<16x768xf32, #tpu.memory_space<vmem>>, vector<1x16xf32>,
        %get3A_575 = arith.index_cast %scan3A_206 : i32 to index
        %get3A_576 = arith.constant 656 : index
        %get3A_577 = tpu.vector_load %arg12[%get3A_575, %get3A_576] {strides = array<i32>} : memref<16x768xf32, #tpu.memory_space<vmem>>, vector<1x16xf32>,
        %get3A_578 = vector.shape_cast %get3A_577 : vector<1x16xf32> to vector<16xf32>
        %swap3A_579 = arith.index_cast %scan3A_206 : i32 to index
        %swap3A_580 = arith.constant 656 : index
        %swap3A_581 = tpu.vector_load %arg8[%swap3A_579, %swap3A_580] {strides = array<i32>} : memref<16x768xf32, #tpu.memory_space<vmem>>, vector<1x16xf32>,
        %swap3A_582 = vector.shape_cast %swap3A_581 : vector<1x16xf32> to vector<16xf32>
        %swap3A_583 = vector.shape_cast %get3A_578 : vector<16xf32> to vector<1x16xf32>
        tpu.vector_store %arg8[%swap3A_579, %swap3A_580], %swap3A_583 {add = true, strides = array<i32>} : memref<16x768xf32, #tpu.memory_space<vmem>>, vector<1x16xf32>,
        %get3A_584 = arith.index_cast %scan3A_206 : i32 to index
        %get3A_585 = arith.constant 672 : index
        %get3A_586 = tpu.vector_load %arg12[%get3A_584, %get3A_585] {strides = array<i32>} : memref<16x768xf32, #tpu.memory_space<vmem>>, vector<1x16xf32>,
        %get3A_587 = vector.shape_cast %get3A_586 : vector<1x16xf32> to vector<16xf32>
        %swap3A_588 = arith.index_cast %scan3A_206 : i32 to index
        %swap3A_589 = arith.constant 672 : index
        %swap3A_590 = tpu.vector_load %arg8[%swap3A_588, %swap3A_589] {strides = array<i32>} : memref<16x768xf32, #tpu.memory_space<vmem>>, vector<1x16xf32>,
        %swap3A_591 = vector.shape_cast %swap3A_590 : vector<1x16xf32> to vector<16xf32>
        %swap3A_592 = vector.shape_cast %get3A_587 : vector<16xf32> to vector<1x16xf32>
        tpu.vector_store %arg8[%swap3A_588, %swap3A_589], %swap3A_592 {add = true, strides = array<i32>} : memref<16x768xf32, #tpu.memory_space<vmem>>, vector<1x16xf32>,
        %get3A_593 = arith.index_cast %scan3A_206 : i32 to index
        %get3A_594 = arith.constant 688 : index
        %get3A_595 = tpu.vector_load %arg12[%get3A_593, %get3A_594] {strides = array<i32>} : memref<16x768xf32, #tpu.memory_space<vmem>>, vector<1x16xf32>,
        %get3A_596 = vector.shape_cast %get3A_595 : vector<1x16xf32> to vector<16xf32>
        %swap3A_597 = arith.index_cast %scan3A_206 : i32 to index
        %swap3A_598 = arith.constant 688 : index
        %swap3A_599 = tpu.vector_load %arg8[%swap3A_597, %swap3A_598] {strides = array<i32>} : memref<16x768xf32, #tpu.memory_space<vmem>>, vector<1x16xf32>,
        %swap3A_600 = vector.shape_cast %swap3A_599 : vector<1x16xf32> to vector<16xf32>
        %swap3A_601 = vector.shape_cast %get3A_596 : vector<16xf32> to vector<1x16xf32>
        tpu.vector_store %arg8[%swap3A_597, %swap3A_598], %swap3A_601 {add = true, strides = array<i32>} : memref<16x768xf32, #tpu.memory_space<vmem>>, vector<1x16xf32>,
        %get3A_602 = arith.index_cast %scan3A_206 : i32 to index
        %get3A_603 = arith.constant 704 : index
        %get3A_604 = tpu.vector_load %arg12[%get3A_602, %get3A_603] {strides = array<i32>} : memref<16x768xf32, #tpu.memory_space<vmem>>, vector<1x16xf32>,
        %get3A_605 = vector.shape_cast %get3A_604 : vector<1x16xf32> to vector<16xf32>
        %swap3A_606 = arith.index_cast %scan3A_206 : i32 to index
        %swap3A_607 = arith.constant 704 : index
        %swap3A_608 = tpu.vector_load %arg8[%swap3A_606, %swap3A_607] {strides = array<i32>} : memref<16x768xf32, #tpu.memory_space<vmem>>, vector<1x16xf32>,
        %swap3A_609 = vector.shape_cast %swap3A_608 : vector<1x16xf32> to vector<16xf32>
        %swap3A_610 = vector.shape_cast %get3A_605 : vector<16xf32> to vector<1x16xf32>
        tpu.vector_store %arg8[%swap3A_606, %swap3A_607], %swap3A_610 {add = true, strides = array<i32>} : memref<16x768xf32, #tpu.memory_space<vmem>>, vector<1x16xf32>,
        %get3A_611 = arith.index_cast %scan3A_206 : i32 to index
        %get3A_612 = arith.constant 720 : index
        %get3A_613 = tpu.vector_load %arg12[%get3A_611, %get3A_612] {strides = array<i32>} : memref<16x768xf32, #tpu.memory_space<vmem>>, vector<1x16xf32>,
        %get3A_614 = vector.shape_cast %get3A_613 : vector<1x16xf32> to vector<16xf32>
        %swap3A_615 = arith.index_cast %scan3A_206 : i32 to index
        %swap3A_616 = arith.constant 720 : index
        %swap3A_617 = tpu.vector_load %arg8[%swap3A_615, %swap3A_616] {strides = array<i32>} : memref<16x768xf32, #tpu.memory_space<vmem>>, vector<1x16xf32>,
        %swap3A_618 = vector.shape_cast %swap3A_617 : vector<1x16xf32> to vector<16xf32>
        %swap3A_619 = vector.shape_cast %get3A_614 : vector<16xf32> to vector<1x16xf32>
        tpu.vector_store %arg8[%swap3A_615, %swap3A_616], %swap3A_619 {add = true, strides = array<i32>} : memref<16x768xf32, #tpu.memory_space<vmem>>, vector<1x16xf32>,
        %get3A_620 = arith.index_cast %scan3A_206 : i32 to index
        %get3A_621 = arith.constant 736 : index
        %get3A_622 = tpu.vector_load %arg12[%get3A_620, %get3A_621] {strides = array<i32>} : memref<16x768xf32, #tpu.memory_space<vmem>>, vector<1x16xf32>,
        %get3A_623 = vector.shape_cast %get3A_622 : vector<1x16xf32> to vector<16xf32>
        %swap3A_624 = arith.index_cast %scan3A_206 : i32 to index
        %swap3A_625 = arith.constant 736 : index
        %swap3A_626 = tpu.vector_load %arg8[%swap3A_624, %swap3A_625] {strides = array<i32>} : memref<16x768xf32, #tpu.memory_space<vmem>>, vector<1x16xf32>,
        %swap3A_627 = vector.shape_cast %swap3A_626 : vector<1x16xf32> to vector<16xf32>
        %swap3A_628 = vector.shape_cast %get3A_623 : vector<16xf32> to vector<1x16xf32>
        tpu.vector_store %arg8[%swap3A_624, %swap3A_625], %swap3A_628 {add = true, strides = array<i32>} : memref<16x768xf32, #tpu.memory_space<vmem>>, vector<1x16xf32>,
        %get3A_629 = arith.index_cast %scan3A_206 : i32 to index
        %get3A_630 = arith.constant 752 : index
        %get3A_631 = tpu.vector_load %arg12[%get3A_629, %get3A_630] {strides = array<i32>} : memref<16x768xf32, #tpu.memory_space<vmem>>, vector<1x16xf32>,
        %get3A_632 = vector.shape_cast %get3A_631 : vector<1x16xf32> to vector<16xf32>
        %swap3A_633 = arith.index_cast %scan3A_206 : i32 to index
        %swap3A_634 = arith.constant 752 : index
        %swap3A_635 = tpu.vector_load %arg8[%swap3A_633, %swap3A_634] {strides = array<i32>} : memref<16x768xf32, #tpu.memory_space<vmem>>, vector<1x16xf32>,
        %swap3A_636 = vector.shape_cast %swap3A_635 : vector<1x16xf32> to vector<16xf32>
        %swap3A_637 = vector.shape_cast %get3A_632 : vector<16xf32> to vector<1x16xf32>
        tpu.vector_store %arg8[%swap3A_633, %swap3A_634], %swap3A_637 {add = true, strides = array<i32>} : memref<16x768xf32, #tpu.memory_space<vmem>>, vector<1x16xf32>,
        %scan3A_638 = arith.constant 0 : i32
        scf.yield %scan3A_638 : i32
      }
      %scan3A_115 = arith.constant 16 : i32
      %mul3A_116 = arith.constant 16 : i32
      %mul3A_117 = arith.muli %add3A_83, %mul3A_116 : i32
      %add3A_118 = arith.addi %mul3A_2, %mul3A_117 : i32
      %dma_start3A_119 = arith.constant 0 : i32
      %dma_start3A_120 = tpu.memref_slice %arg5[%add3A_118, %dma_start3A_119] : memref<32768x768xf32, #tpu.memory_space<hbm>> -> memref<16x768xf32, #tpu.memory_space<hbm>>
      %dma_start3A_121 = arith.constant 0 : i32
      %dma_start3A_122 = tpu.memref_slice %arg5[%add3A_118, %dma_start3A_121] : memref<32768x768xf32, #tpu.memory_space<hbm>> -> memref<16x768xf32, #tpu.memory_space<hbm>>
      tpu.enqueue_dma source(%arg8 : memref<16x768xf32, #tpu.memory_space<vmem>>) target(%dma_start3A_122 : memref<16x768xf32, #tpu.memory_space<hbm>>) target_semaphore(%arg24 : memref<!tpu.dma_semaphore, #tpu.memory_space<semaphore_mem>>)
      %add3A_123 = arith.constant 2 : i32
      %add3A_124 = arith.addi %mul3A_44, %add3A_123 : i32
      %mul3A_125 = arith.constant 16 : i32
      %mul3A_126 = arith.muli %add3A_124, %mul3A_125 : i32
      %add3A_127 = arith.addi %mul3A_2, %mul3A_126 : i32
      %dma_wait3A_128 = arith.constant 0 : i32
      %dma_wait3A_129 = tpu.memref_slice %arg2[%add3A_127, %dma_wait3A_128] : memref<32768x768xf32, #tpu.memory_space<hbm>> -> memref<16x768xf32, #tpu.memory_space<hbm>>
      %dma_wait3A_130 = arith.constant 0 : i32
      %dma_wait3A_131 = tpu.memref_slice %arg2[%add3A_127, %dma_wait3A_130] : memref<32768x768xf32, #tpu.memory_space<hbm>> -> memref<16x768xf32, #tpu.memory_space<hbm>>
      tpu.wait_dma2 semaphore(%arg17 : memref<!tpu.dma_semaphore, #tpu.memory_space<semaphore_mem>>) src(%dma_wait3A_131 : memref<16x768xf32, #tpu.memory_space<hbm>>) dst(%arg9 : memref<16x768xf32, #tpu.memory_space<vmem>>)
      %mul3A_132 = arith.constant 16 : i32
      %mul3A_133 = arith.muli %add3A_124, %mul3A_132 : i32
      %dma_wait3A_134 = tpu.memref_slice %arg6[%mul3A_133] : memref<1024xi32, #tpu.memory_space<vmem>> -> memref<16xi32, #tpu.memory_space<vmem>>
      %dma_wait3A_135 = arith.constant 0 : i32
      %dma_wait3A_136 = arith.constant 0 : i32
      %dma_wait3A_137 = tpu.memref_slice %arg4[%dma_wait3A_135, %dma_wait3A_136] : memref<8192x768xf32, #tpu.memory_space<hbm>> -> memref<8192x768xf32, #tpu.memory_space<hbm>>
      tpu.wait_indirect_dma semaphore(%arg21 : memref<!tpu.dma_semaphore, #tpu.memory_space<semaphore_mem>>) src(%dma_wait3A_137 : memref<8192x768xf32, #tpu.memory_space<hbm>>) dst(%arg13 : memref<16x768xf32, #tpu.memory_space<vmem>>)
      %ge3A_138 = arith.constant 2 : i32
      %ge3A_139 = arith.cmpi sge, %add3A_124, %ge3A_138 : i32
      %convert_element_type3A_140 = arith.extui %ge3A_139 : i1 to i32
      %cond3A_141 = arith.constant 0 : i32
      %cond3A_142 = arith.cmpi ne, %convert_element_type3A_140, %cond3A_141 : i32
      scf.if %cond3A_142 {
        %sub3A = arith.constant 2 : i32
        %sub3A_206 = arith.subi %add3A_124, %sub3A : i32
        %mul3A_207 = arith.constant 16 : i32
        %mul3A_208 = arith.muli %sub3A_206, %mul3A_207 : i32
        %add3A_209 = arith.addi %mul3A_2, %mul3A_208 : i32
        %dma_wait3A_210 = arith.constant 0 : i32
        %dma_wait3A_211 = tpu.memref_slice %arg5[%add3A_209, %dma_wait3A_210] : memref<32768x768xf32, #tpu.memory_space<hbm>> -> memref<16x768xf32, #tpu.memory_space<hbm>>
        %dma_wait3A_212 = arith.constant 0 : i32
        %dma_wait3A_213 = tpu.memref_slice %arg5[%add3A_209, %dma_wait3A_212] : memref<32768x768xf32, #tpu.memory_space<hbm>> -> memref<16x768xf32, #tpu.memory_space<hbm>>
        tpu.wait_dma2 semaphore(%arg23 : memref<!tpu.dma_semaphore, #tpu.memory_space<semaphore_mem>>) src(%arg7 : memref<16x768xf32, #tpu.memory_space<vmem>>) dst(%dma_wait3A_213 : memref<16x768xf32, #tpu.memory_space<hbm>>)
      } else {
      }
      %add3A_143 = arith.constant 2 : i32
      %add3A_144 = arith.addi %add3A_124, %add3A_143 : i32
      %lt3A_145 = arith.constant 64 : i32
      %lt3A_146 = arith.cmpi slt, %add3A_144, %lt3A_145 : i32
      %convert_element_type3A_147 = arith.extui %lt3A_146 : i1 to i32
      %cond3A_148 = arith.constant 0 : i32
      %cond3A_149 = arith.cmpi ne, %convert_element_type3A_147, %cond3A_148 : i32
      scf.if %cond3A_149 {
        %add3A_206 = arith.constant 2 : i32
        %add3A_207 = arith.addi %add3A_124, %add3A_206 : i32
        %mul3A_208 = arith.constant 16 : i32
        %mul3A_209 = arith.muli %add3A_207, %mul3A_208 : i32
        %add3A_210 = arith.addi %mul3A_2, %mul3A_209 : i32
        %dma_start3A_211 = arith.constant 0 : i32
        %dma_start3A_212 = tpu.memref_slice %arg2[%add3A_210, %dma_start3A_211] : memref<32768x768xf32, #tpu.memory_space<hbm>> -> memref<16x768xf32, #tpu.memory_space<hbm>>
        %dma_start3A_213 = arith.constant 0 : i32
        %dma_start3A_214 = tpu.memref_slice %arg2[%add3A_210, %dma_start3A_213] : memref<32768x768xf32, #tpu.memory_space<hbm>> -> memref<16x768xf32, #tpu.memory_space<hbm>>
        tpu.enqueue_dma source(%dma_start3A_214 : memref<16x768xf32, #tpu.memory_space<hbm>>) target(%arg7 : memref<16x768xf32, #tpu.memory_space<vmem>>) target_semaphore(%arg15 : memref<!tpu.dma_semaphore, #tpu.memory_space<semaphore_mem>>)
        %mul3A_215 = arith.constant 16 : i32
        %mul3A_216 = arith.muli %add3A_207, %mul3A_215 : i32
        %dma_start3A_217 = tpu.memref_slice %arg6[%mul3A_216] : memref<1024xi32, #tpu.memory_space<vmem>> -> memref<16xi32, #tpu.memory_space<vmem>>
        %dma_start3A_218 = arith.constant 0 : i32
        %dma_start3A_219 = arith.constant 0 : i32
        %dma_start3A_220 = tpu.memref_slice %arg4[%dma_start3A_218, %dma_start3A_219] : memref<8192x768xf32, #tpu.memory_space<hbm>> -> memref<8192x768xf32, #tpu.memory_space<hbm>>
        tpu.enqueue_indirect_dma source(%dma_start3A_220 : memref<8192x768xf32, #tpu.memory_space<hbm>>) target(%arg11 : memref<16x768xf32, #tpu.memory_space<vmem>>) offsets(%dma_start3A_217 : memref<16xi32, #tpu.memory_space<vmem>>) semaphore(%arg19 : memref<!tpu.dma_semaphore, #tpu.memory_space<semaphore_mem>>)
      } else {
      }
      %scan3A_150 = arith.constant 0 : i32
      %scan3A_151 = arith.constant 0 : i32
      %scan3A_152 = arith.constant 16 : i32
      %scan3A_153 = arith.addi %scan3A_151, %scan3A_152 : i32
      %scan3A_154 = arith.constant 1 : i32
      %scan3A_155 = scf.for %scan3A_206 = %scan3A_151 to %scan3A_153 step %scan3A_154 iter_args(%scan3A_207 = %scan3A_150) -> (i32)  : i32 {
        %get3A = arith.index_cast %scan3A_206 : i32 to index
        %get3A_208 = arith.constant 0 : index
        %get3A_209 = tpu.vector_load %arg13[%get3A, %get3A_208] {strides = array<i32>} : memref<16x768xf32, #tpu.memory_space<vmem>>, vector<1x16xf32>,
        %get3A_210 = vector.shape_cast %get3A_209 : vector<1x16xf32> to vector<16xf32>
        %swap3A = arith.index_cast %scan3A_206 : i32 to index
        %swap3A_211 = arith.constant 0 : index
        %swap3A_212 = tpu.vector_load %arg9[%swap3A, %swap3A_211] {strides = array<i32>} : memref<16x768xf32, #tpu.memory_space<vmem>>, vector<1x16xf32>,
        %swap3A_213 = vector.shape_cast %swap3A_212 : vector<1x16xf32> to vector<16xf32>
        %swap3A_214 = vector.shape_cast %get3A_210 : vector<16xf32> to vector<1x16xf32>
        tpu.vector_store %arg9[%swap3A, %swap3A_211], %swap3A_214 {add = true, strides = array<i32>} : memref<16x768xf32, #tpu.memory_space<vmem>>, vector<1x16xf32>,
        %get3A_215 = arith.index_cast %scan3A_206 : i32 to index
        %get3A_216 = arith.constant 16 : index
        %get3A_217 = tpu.vector_load %arg13[%get3A_215, %get3A_216] {strides = array<i32>} : memref<16x768xf32, #tpu.memory_space<vmem>>, vector<1x16xf32>,
        %get3A_218 = vector.shape_cast %get3A_217 : vector<1x16xf32> to vector<16xf32>
        %swap3A_219 = arith.index_cast %scan3A_206 : i32 to index
        %swap3A_220 = arith.constant 16 : index
        %swap3A_221 = tpu.vector_load %arg9[%swap3A_219, %swap3A_220] {strides = array<i32>} : memref<16x768xf32, #tpu.memory_space<vmem>>, vector<1x16xf32>,
        %swap3A_222 = vector.shape_cast %swap3A_221 : vector<1x16xf32> to vector<16xf32>
        %swap3A_223 = vector.shape_cast %get3A_218 : vector<16xf32> to vector<1x16xf32>
        tpu.vector_store %arg9[%swap3A_219, %swap3A_220], %swap3A_223 {add = true, strides = array<i32>} : memref<16x768xf32, #tpu.memory_space<vmem>>, vector<1x16xf32>,
        %get3A_224 = arith.index_cast %scan3A_206 : i32 to index
        %get3A_225 = arith.constant 32 : index
        %get3A_226 = tpu.vector_load %arg13[%get3A_224, %get3A_225] {strides = array<i32>} : memref<16x768xf32, #tpu.memory_space<vmem>>, vector<1x16xf32>,
        %get3A_227 = vector.shape_cast %get3A_226 : vector<1x16xf32> to vector<16xf32>
        %swap3A_228 = arith.index_cast %scan3A_206 : i32 to index
        %swap3A_229 = arith.constant 32 : index
        %swap3A_230 = tpu.vector_load %arg9[%swap3A_228, %swap3A_229] {strides = array<i32>} : memref<16x768xf32, #tpu.memory_space<vmem>>, vector<1x16xf32>,
        %swap3A_231 = vector.shape_cast %swap3A_230 : vector<1x16xf32> to vector<16xf32>
        %swap3A_232 = vector.shape_cast %get3A_227 : vector<16xf32> to vector<1x16xf32>
        tpu.vector_store %arg9[%swap3A_228, %swap3A_229], %swap3A_232 {add = true, strides = array<i32>} : memref<16x768xf32, #tpu.memory_space<vmem>>, vector<1x16xf32>,
        %get3A_233 = arith.index_cast %scan3A_206 : i32 to index
        %get3A_234 = arith.constant 48 : index
        %get3A_235 = tpu.vector_load %arg13[%get3A_233, %get3A_234] {strides = array<i32>} : memref<16x768xf32, #tpu.memory_space<vmem>>, vector<1x16xf32>,
        %get3A_236 = vector.shape_cast %get3A_235 : vector<1x16xf32> to vector<16xf32>
        %swap3A_237 = arith.index_cast %scan3A_206 : i32 to index
        %swap3A_238 = arith.constant 48 : index
        %swap3A_239 = tpu.vector_load %arg9[%swap3A_237, %swap3A_238] {strides = array<i32>} : memref<16x768xf32, #tpu.memory_space<vmem>>, vector<1x16xf32>,
        %swap3A_240 = vector.shape_cast %swap3A_239 : vector<1x16xf32> to vector<16xf32>
        %swap3A_241 = vector.shape_cast %get3A_236 : vector<16xf32> to vector<1x16xf32>
        tpu.vector_store %arg9[%swap3A_237, %swap3A_238], %swap3A_241 {add = true, strides = array<i32>} : memref<16x768xf32, #tpu.memory_space<vmem>>, vector<1x16xf32>,
        %get3A_242 = arith.index_cast %scan3A_206 : i32 to index
        %get3A_243 = arith.constant 64 : index
        %get3A_244 = tpu.vector_load %arg13[%get3A_242, %get3A_243] {strides = array<i32>} : memref<16x768xf32, #tpu.memory_space<vmem>>, vector<1x16xf32>,
        %get3A_245 = vector.shape_cast %get3A_244 : vector<1x16xf32> to vector<16xf32>
        %swap3A_246 = arith.index_cast %scan3A_206 : i32 to index
        %swap3A_247 = arith.constant 64 : index
        %swap3A_248 = tpu.vector_load %arg9[%swap3A_246, %swap3A_247] {strides = array<i32>} : memref<16x768xf32, #tpu.memory_space<vmem>>, vector<1x16xf32>,
        %swap3A_249 = vector.shape_cast %swap3A_248 : vector<1x16xf32> to vector<16xf32>
        %swap3A_250 = vector.shape_cast %get3A_245 : vector<16xf32> to vector<1x16xf32>
        tpu.vector_store %arg9[%swap3A_246, %swap3A_247], %swap3A_250 {add = true, strides = array<i32>} : memref<16x768xf32, #tpu.memory_space<vmem>>, vector<1x16xf32>,
        %get3A_251 = arith.index_cast %scan3A_206 : i32 to index
        %get3A_252 = arith.constant 80 : index
        %get3A_253 = tpu.vector_load %arg13[%get3A_251, %get3A_252] {strides = array<i32>} : memref<16x768xf32, #tpu.memory_space<vmem>>, vector<1x16xf32>,
        %get3A_254 = vector.shape_cast %get3A_253 : vector<1x16xf32> to vector<16xf32>
        %swap3A_255 = arith.index_cast %scan3A_206 : i32 to index
        %swap3A_256 = arith.constant 80 : index
        %swap3A_257 = tpu.vector_load %arg9[%swap3A_255, %swap3A_256] {strides = array<i32>} : memref<16x768xf32, #tpu.memory_space<vmem>>, vector<1x16xf32>,
        %swap3A_258 = vector.shape_cast %swap3A_257 : vector<1x16xf32> to vector<16xf32>
        %swap3A_259 = vector.shape_cast %get3A_254 : vector<16xf32> to vector<1x16xf32>
        tpu.vector_store %arg9[%swap3A_255, %swap3A_256], %swap3A_259 {add = true, strides = array<i32>} : memref<16x768xf32, #tpu.memory_space<vmem>>, vector<1x16xf32>,
        %get3A_260 = arith.index_cast %scan3A_206 : i32 to index
        %get3A_261 = arith.constant 96 : index
        %get3A_262 = tpu.vector_load %arg13[%get3A_260, %get3A_261] {strides = array<i32>} : memref<16x768xf32, #tpu.memory_space<vmem>>, vector<1x16xf32>,
        %get3A_263 = vector.shape_cast %get3A_262 : vector<1x16xf32> to vector<16xf32>
        %swap3A_264 = arith.index_cast %scan3A_206 : i32 to index
        %swap3A_265 = arith.constant 96 : index
        %swap3A_266 = tpu.vector_load %arg9[%swap3A_264, %swap3A_265] {strides = array<i32>} : memref<16x768xf32, #tpu.memory_space<vmem>>, vector<1x16xf32>,
        %swap3A_267 = vector.shape_cast %swap3A_266 : vector<1x16xf32> to vector<16xf32>
        %swap3A_268 = vector.shape_cast %get3A_263 : vector<16xf32> to vector<1x16xf32>
        tpu.vector_store %arg9[%swap3A_264, %swap3A_265], %swap3A_268 {add = true, strides = array<i32>} : memref<16x768xf32, #tpu.memory_space<vmem>>, vector<1x16xf32>,
        %get3A_269 = arith.index_cast %scan3A_206 : i32 to index
        %get3A_270 = arith.constant 112 : index
        %get3A_271 = tpu.vector_load %arg13[%get3A_269, %get3A_270] {strides = array<i32>} : memref<16x768xf32, #tpu.memory_space<vmem>>, vector<1x16xf32>,
        %get3A_272 = vector.shape_cast %get3A_271 : vector<1x16xf32> to vector<16xf32>
        %swap3A_273 = arith.index_cast %scan3A_206 : i32 to index
        %swap3A_274 = arith.constant 112 : index
        %swap3A_275 = tpu.vector_load %arg9[%swap3A_273, %swap3A_274] {strides = array<i32>} : memref<16x768xf32, #tpu.memory_space<vmem>>, vector<1x16xf32>,
        %swap3A_276 = vector.shape_cast %swap3A_275 : vector<1x16xf32> to vector<16xf32>
        %swap3A_277 = vector.shape_cast %get3A_272 : vector<16xf32> to vector<1x16xf32>
        tpu.vector_store %arg9[%swap3A_273, %swap3A_274], %swap3A_277 {add = true, strides = array<i32>} : memref<16x768xf32, #tpu.memory_space<vmem>>, vector<1x16xf32>,
        %get3A_278 = arith.index_cast %scan3A_206 : i32 to index
        %get3A_279 = arith.constant 128 : index
        %get3A_280 = tpu.vector_load %arg13[%get3A_278, %get3A_279] {strides = array<i32>} : memref<16x768xf32, #tpu.memory_space<vmem>>, vector<1x16xf32>,
        %get3A_281 = vector.shape_cast %get3A_280 : vector<1x16xf32> to vector<16xf32>
        %swap3A_282 = arith.index_cast %scan3A_206 : i32 to index
        %swap3A_283 = arith.constant 128 : index
        %swap3A_284 = tpu.vector_load %arg9[%swap3A_282, %swap3A_283] {strides = array<i32>} : memref<16x768xf32, #tpu.memory_space<vmem>>, vector<1x16xf32>,
        %swap3A_285 = vector.shape_cast %swap3A_284 : vector<1x16xf32> to vector<16xf32>
        %swap3A_286 = vector.shape_cast %get3A_281 : vector<16xf32> to vector<1x16xf32>
        tpu.vector_store %arg9[%swap3A_282, %swap3A_283], %swap3A_286 {add = true, strides = array<i32>} : memref<16x768xf32, #tpu.memory_space<vmem>>, vector<1x16xf32>,
        %get3A_287 = arith.index_cast %scan3A_206 : i32 to index
        %get3A_288 = arith.constant 144 : index
        %get3A_289 = tpu.vector_load %arg13[%get3A_287, %get3A_288] {strides = array<i32>} : memref<16x768xf32, #tpu.memory_space<vmem>>, vector<1x16xf32>,
        %get3A_290 = vector.shape_cast %get3A_289 : vector<1x16xf32> to vector<16xf32>
        %swap3A_291 = arith.index_cast %scan3A_206 : i32 to index
        %swap3A_292 = arith.constant 144 : index
        %swap3A_293 = tpu.vector_load %arg9[%swap3A_291, %swap3A_292] {strides = array<i32>} : memref<16x768xf32, #tpu.memory_space<vmem>>, vector<1x16xf32>,
        %swap3A_294 = vector.shape_cast %swap3A_293 : vector<1x16xf32> to vector<16xf32>
        %swap3A_295 = vector.shape_cast %get3A_290 : vector<16xf32> to vector<1x16xf32>
        tpu.vector_store %arg9[%swap3A_291, %swap3A_292], %swap3A_295 {add = true, strides = array<i32>} : memref<16x768xf32, #tpu.memory_space<vmem>>, vector<1x16xf32>,
        %get3A_296 = arith.index_cast %scan3A_206 : i32 to index
        %get3A_297 = arith.constant 160 : index
        %get3A_298 = tpu.vector_load %arg13[%get3A_296, %get3A_297] {strides = array<i32>} : memref<16x768xf32, #tpu.memory_space<vmem>>, vector<1x16xf32>,
        %get3A_299 = vector.shape_cast %get3A_298 : vector<1x16xf32> to vector<16xf32>
        %swap3A_300 = arith.index_cast %scan3A_206 : i32 to index
        %swap3A_301 = arith.constant 160 : index
        %swap3A_302 = tpu.vector_load %arg9[%swap3A_300, %swap3A_301] {strides = array<i32>} : memref<16x768xf32, #tpu.memory_space<vmem>>, vector<1x16xf32>,
        %swap3A_303 = vector.shape_cast %swap3A_302 : vector<1x16xf32> to vector<16xf32>
        %swap3A_304 = vector.shape_cast %get3A_299 : vector<16xf32> to vector<1x16xf32>
        tpu.vector_store %arg9[%swap3A_300, %swap3A_301], %swap3A_304 {add = true, strides = array<i32>} : memref<16x768xf32, #tpu.memory_space<vmem>>, vector<1x16xf32>,
        %get3A_305 = arith.index_cast %scan3A_206 : i32 to index
        %get3A_306 = arith.constant 176 : index
        %get3A_307 = tpu.vector_load %arg13[%get3A_305, %get3A_306] {strides = array<i32>} : memref<16x768xf32, #tpu.memory_space<vmem>>, vector<1x16xf32>,
        %get3A_308 = vector.shape_cast %get3A_307 : vector<1x16xf32> to vector<16xf32>
        %swap3A_309 = arith.index_cast %scan3A_206 : i32 to index
        %swap3A_310 = arith.constant 176 : index
        %swap3A_311 = tpu.vector_load %arg9[%swap3A_309, %swap3A_310] {strides = array<i32>} : memref<16x768xf32, #tpu.memory_space<vmem>>, vector<1x16xf32>,
        %swap3A_312 = vector.shape_cast %swap3A_311 : vector<1x16xf32> to vector<16xf32>
        %swap3A_313 = vector.shape_cast %get3A_308 : vector<16xf32> to vector<1x16xf32>
        tpu.vector_store %arg9[%swap3A_309, %swap3A_310], %swap3A_313 {add = true, strides = array<i32>} : memref<16x768xf32, #tpu.memory_space<vmem>>, vector<1x16xf32>,
        %get3A_314 = arith.index_cast %scan3A_206 : i32 to index
        %get3A_315 = arith.constant 192 : index
        %get3A_316 = tpu.vector_load %arg13[%get3A_314, %get3A_315] {strides = array<i32>} : memref<16x768xf32, #tpu.memory_space<vmem>>, vector<1x16xf32>,
        %get3A_317 = vector.shape_cast %get3A_316 : vector<1x16xf32> to vector<16xf32>
        %swap3A_318 = arith.index_cast %scan3A_206 : i32 to index
        %swap3A_319 = arith.constant 192 : index
        %swap3A_320 = tpu.vector_load %arg9[%swap3A_318, %swap3A_319] {strides = array<i32>} : memref<16x768xf32, #tpu.memory_space<vmem>>, vector<1x16xf32>,
        %swap3A_321 = vector.shape_cast %swap3A_320 : vector<1x16xf32> to vector<16xf32>
        %swap3A_322 = vector.shape_cast %get3A_317 : vector<16xf32> to vector<1x16xf32>
        tpu.vector_store %arg9[%swap3A_318, %swap3A_319], %swap3A_322 {add = true, strides = array<i32>} : memref<16x768xf32, #tpu.memory_space<vmem>>, vector<1x16xf32>,
        %get3A_323 = arith.index_cast %scan3A_206 : i32 to index
        %get3A_324 = arith.constant 208 : index
        %get3A_325 = tpu.vector_load %arg13[%get3A_323, %get3A_324] {strides = array<i32>} : memref<16x768xf32, #tpu.memory_space<vmem>>, vector<1x16xf32>,
        %get3A_326 = vector.shape_cast %get3A_325 : vector<1x16xf32> to vector<16xf32>
        %swap3A_327 = arith.index_cast %scan3A_206 : i32 to index
        %swap3A_328 = arith.constant 208 : index
        %swap3A_329 = tpu.vector_load %arg9[%swap3A_327, %swap3A_328] {strides = array<i32>} : memref<16x768xf32, #tpu.memory_space<vmem>>, vector<1x16xf32>,
        %swap3A_330 = vector.shape_cast %swap3A_329 : vector<1x16xf32> to vector<16xf32>
        %swap3A_331 = vector.shape_cast %get3A_326 : vector<16xf32> to vector<1x16xf32>
        tpu.vector_store %arg9[%swap3A_327, %swap3A_328], %swap3A_331 {add = true, strides = array<i32>} : memref<16x768xf32, #tpu.memory_space<vmem>>, vector<1x16xf32>,
        %get3A_332 = arith.index_cast %scan3A_206 : i32 to index
        %get3A_333 = arith.constant 224 : index
        %get3A_334 = tpu.vector_load %arg13[%get3A_332, %get3A_333] {strides = array<i32>} : memref<16x768xf32, #tpu.memory_space<vmem>>, vector<1x16xf32>,
        %get3A_335 = vector.shape_cast %get3A_334 : vector<1x16xf32> to vector<16xf32>
        %swap3A_336 = arith.index_cast %scan3A_206 : i32 to index
        %swap3A_337 = arith.constant 224 : index
        %swap3A_338 = tpu.vector_load %arg9[%swap3A_336, %swap3A_337] {strides = array<i32>} : memref<16x768xf32, #tpu.memory_space<vmem>>, vector<1x16xf32>,
        %swap3A_339 = vector.shape_cast %swap3A_338 : vector<1x16xf32> to vector<16xf32>
        %swap3A_340 = vector.shape_cast %get3A_335 : vector<16xf32> to vector<1x16xf32>
        tpu.vector_store %arg9[%swap3A_336, %swap3A_337], %swap3A_340 {add = true, strides = array<i32>} : memref<16x768xf32, #tpu.memory_space<vmem>>, vector<1x16xf32>,
        %get3A_341 = arith.index_cast %scan3A_206 : i32 to index
        %get3A_342 = arith.constant 240 : index
        %get3A_343 = tpu.vector_load %arg13[%get3A_341, %get3A_342] {strides = array<i32>} : memref<16x768xf32, #tpu.memory_space<vmem>>, vector<1x16xf32>,
        %get3A_344 = vector.shape_cast %get3A_343 : vector<1x16xf32> to vector<16xf32>
        %swap3A_345 = arith.index_cast %scan3A_206 : i32 to index
        %swap3A_346 = arith.constant 240 : index
        %swap3A_347 = tpu.vector_load %arg9[%swap3A_345, %swap3A_346] {strides = array<i32>} : memref<16x768xf32, #tpu.memory_space<vmem>>, vector<1x16xf32>,
        %swap3A_348 = vector.shape_cast %swap3A_347 : vector<1x16xf32> to vector<16xf32>
        %swap3A_349 = vector.shape_cast %get3A_344 : vector<16xf32> to vector<1x16xf32>
        tpu.vector_store %arg9[%swap3A_345, %swap3A_346], %swap3A_349 {add = true, strides = array<i32>} : memref<16x768xf32, #tpu.memory_space<vmem>>, vector<1x16xf32>,
        %get3A_350 = arith.index_cast %scan3A_206 : i32 to index
        %get3A_351 = arith.constant 256 : index
        %get3A_352 = tpu.vector_load %arg13[%get3A_350, %get3A_351] {strides = array<i32>} : memref<16x768xf32, #tpu.memory_space<vmem>>, vector<1x16xf32>,
        %get3A_353 = vector.shape_cast %get3A_352 : vector<1x16xf32> to vector<16xf32>
        %swap3A_354 = arith.index_cast %scan3A_206 : i32 to index
        %swap3A_355 = arith.constant 256 : index
        %swap3A_356 = tpu.vector_load %arg9[%swap3A_354, %swap3A_355] {strides = array<i32>} : memref<16x768xf32, #tpu.memory_space<vmem>>, vector<1x16xf32>,
        %swap3A_357 = vector.shape_cast %swap3A_356 : vector<1x16xf32> to vector<16xf32>
        %swap3A_358 = vector.shape_cast %get3A_353 : vector<16xf32> to vector<1x16xf32>
        tpu.vector_store %arg9[%swap3A_354, %swap3A_355], %swap3A_358 {add = true, strides = array<i32>} : memref<16x768xf32, #tpu.memory_space<vmem>>, vector<1x16xf32>,
        %get3A_359 = arith.index_cast %scan3A_206 : i32 to index
        %get3A_360 = arith.constant 272 : index
        %get3A_361 = tpu.vector_load %arg13[%get3A_359, %get3A_360] {strides = array<i32>} : memref<16x768xf32, #tpu.memory_space<vmem>>, vector<1x16xf32>,
        %get3A_362 = vector.shape_cast %get3A_361 : vector<1x16xf32> to vector<16xf32>
        %swap3A_363 = arith.index_cast %scan3A_206 : i32 to index
        %swap3A_364 = arith.constant 272 : index
        %swap3A_365 = tpu.vector_load %arg9[%swap3A_363, %swap3A_364] {strides = array<i32>} : memref<16x768xf32, #tpu.memory_space<vmem>>, vector<1x16xf32>,
        %swap3A_366 = vector.shape_cast %swap3A_365 : vector<1x16xf32> to vector<16xf32>
        %swap3A_367 = vector.shape_cast %get3A_362 : vector<16xf32> to vector<1x16xf32>
        tpu.vector_store %arg9[%swap3A_363, %swap3A_364], %swap3A_367 {add = true, strides = array<i32>} : memref<16x768xf32, #tpu.memory_space<vmem>>, vector<1x16xf32>,
        %get3A_368 = arith.index_cast %scan3A_206 : i32 to index
        %get3A_369 = arith.constant 288 : index
        %get3A_370 = tpu.vector_load %arg13[%get3A_368, %get3A_369] {strides = array<i32>} : memref<16x768xf32, #tpu.memory_space<vmem>>, vector<1x16xf32>,
        %get3A_371 = vector.shape_cast %get3A_370 : vector<1x16xf32> to vector<16xf32>
        %swap3A_372 = arith.index_cast %scan3A_206 : i32 to index
        %swap3A_373 = arith.constant 288 : index
        %swap3A_374 = tpu.vector_load %arg9[%swap3A_372, %swap3A_373] {strides = array<i32>} : memref<16x768xf32, #tpu.memory_space<vmem>>, vector<1x16xf32>,
        %swap3A_375 = vector.shape_cast %swap3A_374 : vector<1x16xf32> to vector<16xf32>
        %swap3A_376 = vector.shape_cast %get3A_371 : vector<16xf32> to vector<1x16xf32>
        tpu.vector_store %arg9[%swap3A_372, %swap3A_373], %swap3A_376 {add = true, strides = array<i32>} : memref<16x768xf32, #tpu.memory_space<vmem>>, vector<1x16xf32>,
        %get3A_377 = arith.index_cast %scan3A_206 : i32 to index
        %get3A_378 = arith.constant 304 : index
        %get3A_379 = tpu.vector_load %arg13[%get3A_377, %get3A_378] {strides = array<i32>} : memref<16x768xf32, #tpu.memory_space<vmem>>, vector<1x16xf32>,
        %get3A_380 = vector.shape_cast %get3A_379 : vector<1x16xf32> to vector<16xf32>
        %swap3A_381 = arith.index_cast %scan3A_206 : i32 to index
        %swap3A_382 = arith.constant 304 : index
        %swap3A_383 = tpu.vector_load %arg9[%swap3A_381, %swap3A_382] {strides = array<i32>} : memref<16x768xf32, #tpu.memory_space<vmem>>, vector<1x16xf32>,
        %swap3A_384 = vector.shape_cast %swap3A_383 : vector<1x16xf32> to vector<16xf32>
        %swap3A_385 = vector.shape_cast %get3A_380 : vector<16xf32> to vector<1x16xf32>
        tpu.vector_store %arg9[%swap3A_381, %swap3A_382], %swap3A_385 {add = true, strides = array<i32>} : memref<16x768xf32, #tpu.memory_space<vmem>>, vector<1x16xf32>,
        %get3A_386 = arith.index_cast %scan3A_206 : i32 to index
        %get3A_387 = arith.constant 320 : index
        %get3A_388 = tpu.vector_load %arg13[%get3A_386, %get3A_387] {strides = array<i32>} : memref<16x768xf32, #tpu.memory_space<vmem>>, vector<1x16xf32>,
        %get3A_389 = vector.shape_cast %get3A_388 : vector<1x16xf32> to vector<16xf32>
        %swap3A_390 = arith.index_cast %scan3A_206 : i32 to index
        %swap3A_391 = arith.constant 320 : index
        %swap3A_392 = tpu.vector_load %arg9[%swap3A_390, %swap3A_391] {strides = array<i32>} : memref<16x768xf32, #tpu.memory_space<vmem>>, vector<1x16xf32>,
        %swap3A_393 = vector.shape_cast %swap3A_392 : vector<1x16xf32> to vector<16xf32>
        %swap3A_394 = vector.shape_cast %get3A_389 : vector<16xf32> to vector<1x16xf32>
        tpu.vector_store %arg9[%swap3A_390, %swap3A_391], %swap3A_394 {add = true, strides = array<i32>} : memref<16x768xf32, #tpu.memory_space<vmem>>, vector<1x16xf32>,
        %get3A_395 = arith.index_cast %scan3A_206 : i32 to index
        %get3A_396 = arith.constant 336 : index
        %get3A_397 = tpu.vector_load %arg13[%get3A_395, %get3A_396] {strides = array<i32>} : memref<16x768xf32, #tpu.memory_space<vmem>>, vector<1x16xf32>,
        %get3A_398 = vector.shape_cast %get3A_397 : vector<1x16xf32> to vector<16xf32>
        %swap3A_399 = arith.index_cast %scan3A_206 : i32 to index
        %swap3A_400 = arith.constant 336 : index
        %swap3A_401 = tpu.vector_load %arg9[%swap3A_399, %swap3A_400] {strides = array<i32>} : memref<16x768xf32, #tpu.memory_space<vmem>>, vector<1x16xf32>,
        %swap3A_402 = vector.shape_cast %swap3A_401 : vector<1x16xf32> to vector<16xf32>
        %swap3A_403 = vector.shape_cast %get3A_398 : vector<16xf32> to vector<1x16xf32>
        tpu.vector_store %arg9[%swap3A_399, %swap3A_400], %swap3A_403 {add = true, strides = array<i32>} : memref<16x768xf32, #tpu.memory_space<vmem>>, vector<1x16xf32>,
        %get3A_404 = arith.index_cast %scan3A_206 : i32 to index
        %get3A_405 = arith.constant 352 : index
        %get3A_406 = tpu.vector_load %arg13[%get3A_404, %get3A_405] {strides = array<i32>} : memref<16x768xf32, #tpu.memory_space<vmem>>, vector<1x16xf32>,
        %get3A_407 = vector.shape_cast %get3A_406 : vector<1x16xf32> to vector<16xf32>
        %swap3A_408 = arith.index_cast %scan3A_206 : i32 to index
        %swap3A_409 = arith.constant 352 : index
        %swap3A_410 = tpu.vector_load %arg9[%swap3A_408, %swap3A_409] {strides = array<i32>} : memref<16x768xf32, #tpu.memory_space<vmem>>, vector<1x16xf32>,
        %swap3A_411 = vector.shape_cast %swap3A_410 : vector<1x16xf32> to vector<16xf32>
        %swap3A_412 = vector.shape_cast %get3A_407 : vector<16xf32> to vector<1x16xf32>
        tpu.vector_store %arg9[%swap3A_408, %swap3A_409], %swap3A_412 {add = true, strides = array<i32>} : memref<16x768xf32, #tpu.memory_space<vmem>>, vector<1x16xf32>,
        %get3A_413 = arith.index_cast %scan3A_206 : i32 to index
        %get3A_414 = arith.constant 368 : index
        %get3A_415 = tpu.vector_load %arg13[%get3A_413, %get3A_414] {strides = array<i32>} : memref<16x768xf32, #tpu.memory_space<vmem>>, vector<1x16xf32>,
        %get3A_416 = vector.shape_cast %get3A_415 : vector<1x16xf32> to vector<16xf32>
        %swap3A_417 = arith.index_cast %scan3A_206 : i32 to index
        %swap3A_418 = arith.constant 368 : index
        %swap3A_419 = tpu.vector_load %arg9[%swap3A_417, %swap3A_418] {strides = array<i32>} : memref<16x768xf32, #tpu.memory_space<vmem>>, vector<1x16xf32>,
        %swap3A_420 = vector.shape_cast %swap3A_419 : vector<1x16xf32> to vector<16xf32>
        %swap3A_421 = vector.shape_cast %get3A_416 : vector<16xf32> to vector<1x16xf32>
        tpu.vector_store %arg9[%swap3A_417, %swap3A_418], %swap3A_421 {add = true, strides = array<i32>} : memref<16x768xf32, #tpu.memory_space<vmem>>, vector<1x16xf32>,
        %get3A_422 = arith.index_cast %scan3A_206 : i32 to index
        %get3A_423 = arith.constant 384 : index
        %get3A_424 = tpu.vector_load %arg13[%get3A_422, %get3A_423] {strides = array<i32>} : memref<16x768xf32, #tpu.memory_space<vmem>>, vector<1x16xf32>,
        %get3A_425 = vector.shape_cast %get3A_424 : vector<1x16xf32> to vector<16xf32>
        %swap3A_426 = arith.index_cast %scan3A_206 : i32 to index
        %swap3A_427 = arith.constant 384 : index
        %swap3A_428 = tpu.vector_load %arg9[%swap3A_426, %swap3A_427] {strides = array<i32>} : memref<16x768xf32, #tpu.memory_space<vmem>>, vector<1x16xf32>,
        %swap3A_429 = vector.shape_cast %swap3A_428 : vector<1x16xf32> to vector<16xf32>
        %swap3A_430 = vector.shape_cast %get3A_425 : vector<16xf32> to vector<1x16xf32>
        tpu.vector_store %arg9[%swap3A_426, %swap3A_427], %swap3A_430 {add = true, strides = array<i32>} : memref<16x768xf32, #tpu.memory_space<vmem>>, vector<1x16xf32>,
        %get3A_431 = arith.index_cast %scan3A_206 : i32 to index
        %get3A_432 = arith.constant 400 : index
        %get3A_433 = tpu.vector_load %arg13[%get3A_431, %get3A_432] {strides = array<i32>} : memref<16x768xf32, #tpu.memory_space<vmem>>, vector<1x16xf32>,
        %get3A_434 = vector.shape_cast %get3A_433 : vector<1x16xf32> to vector<16xf32>
        %swap3A_435 = arith.index_cast %scan3A_206 : i32 to index
        %swap3A_436 = arith.constant 400 : index
        %swap3A_437 = tpu.vector_load %arg9[%swap3A_435, %swap3A_436] {strides = array<i32>} : memref<16x768xf32, #tpu.memory_space<vmem>>, vector<1x16xf32>,
        %swap3A_438 = vector.shape_cast %swap3A_437 : vector<1x16xf32> to vector<16xf32>
        %swap3A_439 = vector.shape_cast %get3A_434 : vector<16xf32> to vector<1x16xf32>
        tpu.vector_store %arg9[%swap3A_435, %swap3A_436], %swap3A_439 {add = true, strides = array<i32>} : memref<16x768xf32, #tpu.memory_space<vmem>>, vector<1x16xf32>,
        %get3A_440 = arith.index_cast %scan3A_206 : i32 to index
        %get3A_441 = arith.constant 416 : index
        %get3A_442 = tpu.vector_load %arg13[%get3A_440, %get3A_441] {strides = array<i32>} : memref<16x768xf32, #tpu.memory_space<vmem>>, vector<1x16xf32>,
        %get3A_443 = vector.shape_cast %get3A_442 : vector<1x16xf32> to vector<16xf32>
        %swap3A_444 = arith.index_cast %scan3A_206 : i32 to index
        %swap3A_445 = arith.constant 416 : index
        %swap3A_446 = tpu.vector_load %arg9[%swap3A_444, %swap3A_445] {strides = array<i32>} : memref<16x768xf32, #tpu.memory_space<vmem>>, vector<1x16xf32>,
        %swap3A_447 = vector.shape_cast %swap3A_446 : vector<1x16xf32> to vector<16xf32>
        %swap3A_448 = vector.shape_cast %get3A_443 : vector<16xf32> to vector<1x16xf32>
        tpu.vector_store %arg9[%swap3A_444, %swap3A_445], %swap3A_448 {add = true, strides = array<i32>} : memref<16x768xf32, #tpu.memory_space<vmem>>, vector<1x16xf32>,
        %get3A_449 = arith.index_cast %scan3A_206 : i32 to index
        %get3A_450 = arith.constant 432 : index
        %get3A_451 = tpu.vector_load %arg13[%get3A_449, %get3A_450] {strides = array<i32>} : memref<16x768xf32, #tpu.memory_space<vmem>>, vector<1x16xf32>,
        %get3A_452 = vector.shape_cast %get3A_451 : vector<1x16xf32> to vector<16xf32>
        %swap3A_453 = arith.index_cast %scan3A_206 : i32 to index
        %swap3A_454 = arith.constant 432 : index
        %swap3A_455 = tpu.vector_load %arg9[%swap3A_453, %swap3A_454] {strides = array<i32>} : memref<16x768xf32, #tpu.memory_space<vmem>>, vector<1x16xf32>,
        %swap3A_456 = vector.shape_cast %swap3A_455 : vector<1x16xf32> to vector<16xf32>
        %swap3A_457 = vector.shape_cast %get3A_452 : vector<16xf32> to vector<1x16xf32>
        tpu.vector_store %arg9[%swap3A_453, %swap3A_454], %swap3A_457 {add = true, strides = array<i32>} : memref<16x768xf32, #tpu.memory_space<vmem>>, vector<1x16xf32>,
        %get3A_458 = arith.index_cast %scan3A_206 : i32 to index
        %get3A_459 = arith.constant 448 : index
        %get3A_460 = tpu.vector_load %arg13[%get3A_458, %get3A_459] {strides = array<i32>} : memref<16x768xf32, #tpu.memory_space<vmem>>, vector<1x16xf32>,
        %get3A_461 = vector.shape_cast %get3A_460 : vector<1x16xf32> to vector<16xf32>
        %swap3A_462 = arith.index_cast %scan3A_206 : i32 to index
        %swap3A_463 = arith.constant 448 : index
        %swap3A_464 = tpu.vector_load %arg9[%swap3A_462, %swap3A_463] {strides = array<i32>} : memref<16x768xf32, #tpu.memory_space<vmem>>, vector<1x16xf32>,
        %swap3A_465 = vector.shape_cast %swap3A_464 : vector<1x16xf32> to vector<16xf32>
        %swap3A_466 = vector.shape_cast %get3A_461 : vector<16xf32> to vector<1x16xf32>
        tpu.vector_store %arg9[%swap3A_462, %swap3A_463], %swap3A_466 {add = true, strides = array<i32>} : memref<16x768xf32, #tpu.memory_space<vmem>>, vector<1x16xf32>,
        %get3A_467 = arith.index_cast %scan3A_206 : i32 to index
        %get3A_468 = arith.constant 464 : index
        %get3A_469 = tpu.vector_load %arg13[%get3A_467, %get3A_468] {strides = array<i32>} : memref<16x768xf32, #tpu.memory_space<vmem>>, vector<1x16xf32>,
        %get3A_470 = vector.shape_cast %get3A_469 : vector<1x16xf32> to vector<16xf32>
        %swap3A_471 = arith.index_cast %scan3A_206 : i32 to index
        %swap3A_472 = arith.constant 464 : index
        %swap3A_473 = tpu.vector_load %arg9[%swap3A_471, %swap3A_472] {strides = array<i32>} : memref<16x768xf32, #tpu.memory_space<vmem>>, vector<1x16xf32>,
        %swap3A_474 = vector.shape_cast %swap3A_473 : vector<1x16xf32> to vector<16xf32>
        %swap3A_475 = vector.shape_cast %get3A_470 : vector<16xf32> to vector<1x16xf32>
        tpu.vector_store %arg9[%swap3A_471, %swap3A_472], %swap3A_475 {add = true, strides = array<i32>} : memref<16x768xf32, #tpu.memory_space<vmem>>, vector<1x16xf32>,
        %get3A_476 = arith.index_cast %scan3A_206 : i32 to index
        %get3A_477 = arith.constant 480 : index
        %get3A_478 = tpu.vector_load %arg13[%get3A_476, %get3A_477] {strides = array<i32>} : memref<16x768xf32, #tpu.memory_space<vmem>>, vector<1x16xf32>,
        %get3A_479 = vector.shape_cast %get3A_478 : vector<1x16xf32> to vector<16xf32>
        %swap3A_480 = arith.index_cast %scan3A_206 : i32 to index
        %swap3A_481 = arith.constant 480 : index
        %swap3A_482 = tpu.vector_load %arg9[%swap3A_480, %swap3A_481] {strides = array<i32>} : memref<16x768xf32, #tpu.memory_space<vmem>>, vector<1x16xf32>,
        %swap3A_483 = vector.shape_cast %swap3A_482 : vector<1x16xf32> to vector<16xf32>
        %swap3A_484 = vector.shape_cast %get3A_479 : vector<16xf32> to vector<1x16xf32>
        tpu.vector_store %arg9[%swap3A_480, %swap3A_481], %swap3A_484 {add = true, strides = array<i32>} : memref<16x768xf32, #tpu.memory_space<vmem>>, vector<1x16xf32>,
        %get3A_485 = arith.index_cast %scan3A_206 : i32 to index
        %get3A_486 = arith.constant 496 : index
        %get3A_487 = tpu.vector_load %arg13[%get3A_485, %get3A_486] {strides = array<i32>} : memref<16x768xf32, #tpu.memory_space<vmem>>, vector<1x16xf32>,
        %get3A_488 = vector.shape_cast %get3A_487 : vector<1x16xf32> to vector<16xf32>
        %swap3A_489 = arith.index_cast %scan3A_206 : i32 to index
        %swap3A_490 = arith.constant 496 : index
        %swap3A_491 = tpu.vector_load %arg9[%swap3A_489, %swap3A_490] {strides = array<i32>} : memref<16x768xf32, #tpu.memory_space<vmem>>, vector<1x16xf32>,
        %swap3A_492 = vector.shape_cast %swap3A_491 : vector<1x16xf32> to vector<16xf32>
        %swap3A_493 = vector.shape_cast %get3A_488 : vector<16xf32> to vector<1x16xf32>
        tpu.vector_store %arg9[%swap3A_489, %swap3A_490], %swap3A_493 {add = true, strides = array<i32>} : memref<16x768xf32, #tpu.memory_space<vmem>>, vector<1x16xf32>,
        %get3A_494 = arith.index_cast %scan3A_206 : i32 to index
        %get3A_495 = arith.constant 512 : index
        %get3A_496 = tpu.vector_load %arg13[%get3A_494, %get3A_495] {strides = array<i32>} : memref<16x768xf32, #tpu.memory_space<vmem>>, vector<1x16xf32>,
        %get3A_497 = vector.shape_cast %get3A_496 : vector<1x16xf32> to vector<16xf32>
        %swap3A_498 = arith.index_cast %scan3A_206 : i32 to index
        %swap3A_499 = arith.constant 512 : index
        %swap3A_500 = tpu.vector_load %arg9[%swap3A_498, %swap3A_499] {strides = array<i32>} : memref<16x768xf32, #tpu.memory_space<vmem>>, vector<1x16xf32>,
        %swap3A_501 = vector.shape_cast %swap3A_500 : vector<1x16xf32> to vector<16xf32>
        %swap3A_502 = vector.shape_cast %get3A_497 : vector<16xf32> to vector<1x16xf32>
        tpu.vector_store %arg9[%swap3A_498, %swap3A_499], %swap3A_502 {add = true, strides = array<i32>} : memref<16x768xf32, #tpu.memory_space<vmem>>, vector<1x16xf32>,
        %get3A_503 = arith.index_cast %scan3A_206 : i32 to index
        %get3A_504 = arith.constant 528 : index
        %get3A_505 = tpu.vector_load %arg13[%get3A_503, %get3A_504] {strides = array<i32>} : memref<16x768xf32, #tpu.memory_space<vmem>>, vector<1x16xf32>,
        %get3A_506 = vector.shape_cast %get3A_505 : vector<1x16xf32> to vector<16xf32>
        %swap3A_507 = arith.index_cast %scan3A_206 : i32 to index
        %swap3A_508 = arith.constant 528 : index
        %swap3A_509 = tpu.vector_load %arg9[%swap3A_507, %swap3A_508] {strides = array<i32>} : memref<16x768xf32, #tpu.memory_space<vmem>>, vector<1x16xf32>,
        %swap3A_510 = vector.shape_cast %swap3A_509 : vector<1x16xf32> to vector<16xf32>
        %swap3A_511 = vector.shape_cast %get3A_506 : vector<16xf32> to vector<1x16xf32>
        tpu.vector_store %arg9[%swap3A_507, %swap3A_508], %swap3A_511 {add = true, strides = array<i32>} : memref<16x768xf32, #tpu.memory_space<vmem>>, vector<1x16xf32>,
        %get3A_512 = arith.index_cast %scan3A_206 : i32 to index
        %get3A_513 = arith.constant 544 : index
        %get3A_514 = tpu.vector_load %arg13[%get3A_512, %get3A_513] {strides = array<i32>} : memref<16x768xf32, #tpu.memory_space<vmem>>, vector<1x16xf32>,
        %get3A_515 = vector.shape_cast %get3A_514 : vector<1x16xf32> to vector<16xf32>
        %swap3A_516 = arith.index_cast %scan3A_206 : i32 to index
        %swap3A_517 = arith.constant 544 : index
        %swap3A_518 = tpu.vector_load %arg9[%swap3A_516, %swap3A_517] {strides = array<i32>} : memref<16x768xf32, #tpu.memory_space<vmem>>, vector<1x16xf32>,
        %swap3A_519 = vector.shape_cast %swap3A_518 : vector<1x16xf32> to vector<16xf32>
        %swap3A_520 = vector.shape_cast %get3A_515 : vector<16xf32> to vector<1x16xf32>
        tpu.vector_store %arg9[%swap3A_516, %swap3A_517], %swap3A_520 {add = true, strides = array<i32>} : memref<16x768xf32, #tpu.memory_space<vmem>>, vector<1x16xf32>,
        %get3A_521 = arith.index_cast %scan3A_206 : i32 to index
        %get3A_522 = arith.constant 560 : index
        %get3A_523 = tpu.vector_load %arg13[%get3A_521, %get3A_522] {strides = array<i32>} : memref<16x768xf32, #tpu.memory_space<vmem>>, vector<1x16xf32>,
        %get3A_524 = vector.shape_cast %get3A_523 : vector<1x16xf32> to vector<16xf32>
        %swap3A_525 = arith.index_cast %scan3A_206 : i32 to index
        %swap3A_526 = arith.constant 560 : index
        %swap3A_527 = tpu.vector_load %arg9[%swap3A_525, %swap3A_526] {strides = array<i32>} : memref<16x768xf32, #tpu.memory_space<vmem>>, vector<1x16xf32>,
        %swap3A_528 = vector.shape_cast %swap3A_527 : vector<1x16xf32> to vector<16xf32>
        %swap3A_529 = vector.shape_cast %get3A_524 : vector<16xf32> to vector<1x16xf32>
        tpu.vector_store %arg9[%swap3A_525, %swap3A_526], %swap3A_529 {add = true, strides = array<i32>} : memref<16x768xf32, #tpu.memory_space<vmem>>, vector<1x16xf32>,
        %get3A_530 = arith.index_cast %scan3A_206 : i32 to index
        %get3A_531 = arith.constant 576 : index
        %get3A_532 = tpu.vector_load %arg13[%get3A_530, %get3A_531] {strides = array<i32>} : memref<16x768xf32, #tpu.memory_space<vmem>>, vector<1x16xf32>,
        %get3A_533 = vector.shape_cast %get3A_532 : vector<1x16xf32> to vector<16xf32>
        %swap3A_534 = arith.index_cast %scan3A_206 : i32 to index
        %swap3A_535 = arith.constant 576 : index
        %swap3A_536 = tpu.vector_load %arg9[%swap3A_534, %swap3A_535] {strides = array<i32>} : memref<16x768xf32, #tpu.memory_space<vmem>>, vector<1x16xf32>,
        %swap3A_537 = vector.shape_cast %swap3A_536 : vector<1x16xf32> to vector<16xf32>
        %swap3A_538 = vector.shape_cast %get3A_533 : vector<16xf32> to vector<1x16xf32>
        tpu.vector_store %arg9[%swap3A_534, %swap3A_535], %swap3A_538 {add = true, strides = array<i32>} : memref<16x768xf32, #tpu.memory_space<vmem>>, vector<1x16xf32>,
        %get3A_539 = arith.index_cast %scan3A_206 : i32 to index
        %get3A_540 = arith.constant 592 : index
        %get3A_541 = tpu.vector_load %arg13[%get3A_539, %get3A_540] {strides = array<i32>} : memref<16x768xf32, #tpu.memory_space<vmem>>, vector<1x16xf32>,
        %get3A_542 = vector.shape_cast %get3A_541 : vector<1x16xf32> to vector<16xf32>
        %swap3A_543 = arith.index_cast %scan3A_206 : i32 to index
        %swap3A_544 = arith.constant 592 : index
        %swap3A_545 = tpu.vector_load %arg9[%swap3A_543, %swap3A_544] {strides = array<i32>} : memref<16x768xf32, #tpu.memory_space<vmem>>, vector<1x16xf32>,
        %swap3A_546 = vector.shape_cast %swap3A_545 : vector<1x16xf32> to vector<16xf32>
        %swap3A_547 = vector.shape_cast %get3A_542 : vector<16xf32> to vector<1x16xf32>
        tpu.vector_store %arg9[%swap3A_543, %swap3A_544], %swap3A_547 {add = true, strides = array<i32>} : memref<16x768xf32, #tpu.memory_space<vmem>>, vector<1x16xf32>,
        %get3A_548 = arith.index_cast %scan3A_206 : i32 to index
        %get3A_549 = arith.constant 608 : index
        %get3A_550 = tpu.vector_load %arg13[%get3A_548, %get3A_549] {strides = array<i32>} : memref<16x768xf32, #tpu.memory_space<vmem>>, vector<1x16xf32>,
        %get3A_551 = vector.shape_cast %get3A_550 : vector<1x16xf32> to vector<16xf32>
        %swap3A_552 = arith.index_cast %scan3A_206 : i32 to index
        %swap3A_553 = arith.constant 608 : index
        %swap3A_554 = tpu.vector_load %arg9[%swap3A_552, %swap3A_553] {strides = array<i32>} : memref<16x768xf32, #tpu.memory_space<vmem>>, vector<1x16xf32>,
        %swap3A_555 = vector.shape_cast %swap3A_554 : vector<1x16xf32> to vector<16xf32>
        %swap3A_556 = vector.shape_cast %get3A_551 : vector<16xf32> to vector<1x16xf32>
        tpu.vector_store %arg9[%swap3A_552, %swap3A_553], %swap3A_556 {add = true, strides = array<i32>} : memref<16x768xf32, #tpu.memory_space<vmem>>, vector<1x16xf32>,
        %get3A_557 = arith.index_cast %scan3A_206 : i32 to index
        %get3A_558 = arith.constant 624 : index
        %get3A_559 = tpu.vector_load %arg13[%get3A_557, %get3A_558] {strides = array<i32>} : memref<16x768xf32, #tpu.memory_space<vmem>>, vector<1x16xf32>,
        %get3A_560 = vector.shape_cast %get3A_559 : vector<1x16xf32> to vector<16xf32>
        %swap3A_561 = arith.index_cast %scan3A_206 : i32 to index
        %swap3A_562 = arith.constant 624 : index
        %swap3A_563 = tpu.vector_load %arg9[%swap3A_561, %swap3A_562] {strides = array<i32>} : memref<16x768xf32, #tpu.memory_space<vmem>>, vector<1x16xf32>,
        %swap3A_564 = vector.shape_cast %swap3A_563 : vector<1x16xf32> to vector<16xf32>
        %swap3A_565 = vector.shape_cast %get3A_560 : vector<16xf32> to vector<1x16xf32>
        tpu.vector_store %arg9[%swap3A_561, %swap3A_562], %swap3A_565 {add = true, strides = array<i32>} : memref<16x768xf32, #tpu.memory_space<vmem>>, vector<1x16xf32>,
        %get3A_566 = arith.index_cast %scan3A_206 : i32 to index
        %get3A_567 = arith.constant 640 : index
        %get3A_568 = tpu.vector_load %arg13[%get3A_566, %get3A_567] {strides = array<i32>} : memref<16x768xf32, #tpu.memory_space<vmem>>, vector<1x16xf32>,
        %get3A_569 = vector.shape_cast %get3A_568 : vector<1x16xf32> to vector<16xf32>
        %swap3A_570 = arith.index_cast %scan3A_206 : i32 to index
        %swap3A_571 = arith.constant 640 : index
        %swap3A_572 = tpu.vector_load %arg9[%swap3A_570, %swap3A_571] {strides = array<i32>} : memref<16x768xf32, #tpu.memory_space<vmem>>, vector<1x16xf32>,
        %swap3A_573 = vector.shape_cast %swap3A_572 : vector<1x16xf32> to vector<16xf32>
        %swap3A_574 = vector.shape_cast %get3A_569 : vector<16xf32> to vector<1x16xf32>
        tpu.vector_store %arg9[%swap3A_570, %swap3A_571], %swap3A_574 {add = true, strides = array<i32>} : memref<16x768xf32, #tpu.memory_space<vmem>>, vector<1x16xf32>,
        %get3A_575 = arith.index_cast %scan3A_206 : i32 to index
        %get3A_576 = arith.constant 656 : index
        %get3A_577 = tpu.vector_load %arg13[%get3A_575, %get3A_576] {strides = array<i32>} : memref<16x768xf32, #tpu.memory_space<vmem>>, vector<1x16xf32>,
        %get3A_578 = vector.shape_cast %get3A_577 : vector<1x16xf32> to vector<16xf32>
        %swap3A_579 = arith.index_cast %scan3A_206 : i32 to index
        %swap3A_580 = arith.constant 656 : index
        %swap3A_581 = tpu.vector_load %arg9[%swap3A_579, %swap3A_580] {strides = array<i32>} : memref<16x768xf32, #tpu.memory_space<vmem>>, vector<1x16xf32>,
        %swap3A_582 = vector.shape_cast %swap3A_581 : vector<1x16xf32> to vector<16xf32>
        %swap3A_583 = vector.shape_cast %get3A_578 : vector<16xf32> to vector<1x16xf32>
        tpu.vector_store %arg9[%swap3A_579, %swap3A_580], %swap3A_583 {add = true, strides = array<i32>} : memref<16x768xf32, #tpu.memory_space<vmem>>, vector<1x16xf32>,
        %get3A_584 = arith.index_cast %scan3A_206 : i32 to index
        %get3A_585 = arith.constant 672 : index
        %get3A_586 = tpu.vector_load %arg13[%get3A_584, %get3A_585] {strides = array<i32>} : memref<16x768xf32, #tpu.memory_space<vmem>>, vector<1x16xf32>,
        %get3A_587 = vector.shape_cast %get3A_586 : vector<1x16xf32> to vector<16xf32>
        %swap3A_588 = arith.index_cast %scan3A_206 : i32 to index
        %swap3A_589 = arith.constant 672 : index
        %swap3A_590 = tpu.vector_load %arg9[%swap3A_588, %swap3A_589] {strides = array<i32>} : memref<16x768xf32, #tpu.memory_space<vmem>>, vector<1x16xf32>,
        %swap3A_591 = vector.shape_cast %swap3A_590 : vector<1x16xf32> to vector<16xf32>
        %swap3A_592 = vector.shape_cast %get3A_587 : vector<16xf32> to vector<1x16xf32>
        tpu.vector_store %arg9[%swap3A_588, %swap3A_589], %swap3A_592 {add = true, strides = array<i32>} : memref<16x768xf32, #tpu.memory_space<vmem>>, vector<1x16xf32>,
        %get3A_593 = arith.index_cast %scan3A_206 : i32 to index
        %get3A_594 = arith.constant 688 : index
        %get3A_595 = tpu.vector_load %arg13[%get3A_593, %get3A_594] {strides = array<i32>} : memref<16x768xf32, #tpu.memory_space<vmem>>, vector<1x16xf32>,
        %get3A_596 = vector.shape_cast %get3A_595 : vector<1x16xf32> to vector<16xf32>
        %swap3A_597 = arith.index_cast %scan3A_206 : i32 to index
        %swap3A_598 = arith.constant 688 : index
        %swap3A_599 = tpu.vector_load %arg9[%swap3A_597, %swap3A_598] {strides = array<i32>} : memref<16x768xf32, #tpu.memory_space<vmem>>, vector<1x16xf32>,
        %swap3A_600 = vector.shape_cast %swap3A_599 : vector<1x16xf32> to vector<16xf32>
        %swap3A_601 = vector.shape_cast %get3A_596 : vector<16xf32> to vector<1x16xf32>
        tpu.vector_store %arg9[%swap3A_597, %swap3A_598], %swap3A_601 {add = true, strides = array<i32>} : memref<16x768xf32, #tpu.memory_space<vmem>>, vector<1x16xf32>,
        %get3A_602 = arith.index_cast %scan3A_206 : i32 to index
        %get3A_603 = arith.constant 704 : index
        %get3A_604 = tpu.vector_load %arg13[%get3A_602, %get3A_603] {strides = array<i32>} : memref<16x768xf32, #tpu.memory_space<vmem>>, vector<1x16xf32>,
        %get3A_605 = vector.shape_cast %get3A_604 : vector<1x16xf32> to vector<16xf32>
        %swap3A_606 = arith.index_cast %scan3A_206 : i32 to index
        %swap3A_607 = arith.constant 704 : index
        %swap3A_608 = tpu.vector_load %arg9[%swap3A_606, %swap3A_607] {strides = array<i32>} : memref<16x768xf32, #tpu.memory_space<vmem>>, vector<1x16xf32>,
        %swap3A_609 = vector.shape_cast %swap3A_608 : vector<1x16xf32> to vector<16xf32>
        %swap3A_610 = vector.shape_cast %get3A_605 : vector<16xf32> to vector<1x16xf32>
        tpu.vector_store %arg9[%swap3A_606, %swap3A_607], %swap3A_610 {add = true, strides = array<i32>} : memref<16x768xf32, #tpu.memory_space<vmem>>, vector<1x16xf32>,
        %get3A_611 = arith.index_cast %scan3A_206 : i32 to index
        %get3A_612 = arith.constant 720 : index
        %get3A_613 = tpu.vector_load %arg13[%get3A_611, %get3A_612] {strides = array<i32>} : memref<16x768xf32, #tpu.memory_space<vmem>>, vector<1x16xf32>,
        %get3A_614 = vector.shape_cast %get3A_613 : vector<1x16xf32> to vector<16xf32>
        %swap3A_615 = arith.index_cast %scan3A_206 : i32 to index
        %swap3A_616 = arith.constant 720 : index
        %swap3A_617 = tpu.vector_load %arg9[%swap3A_615, %swap3A_616] {strides = array<i32>} : memref<16x768xf32, #tpu.memory_space<vmem>>, vector<1x16xf32>,
        %swap3A_618 = vector.shape_cast %swap3A_617 : vector<1x16xf32> to vector<16xf32>
        %swap3A_619 = vector.shape_cast %get3A_614 : vector<16xf32> to vector<1x16xf32>
        tpu.vector_store %arg9[%swap3A_615, %swap3A_616], %swap3A_619 {add = true, strides = array<i32>} : memref<16x768xf32, #tpu.memory_space<vmem>>, vector<1x16xf32>,
        %get3A_620 = arith.index_cast %scan3A_206 : i32 to index
        %get3A_621 = arith.constant 736 : index
        %get3A_622 = tpu.vector_load %arg13[%get3A_620, %get3A_621] {strides = array<i32>} : memref<16x768xf32, #tpu.memory_space<vmem>>, vector<1x16xf32>,
        %get3A_623 = vector.shape_cast %get3A_622 : vector<1x16xf32> to vector<16xf32>
        %swap3A_624 = arith.index_cast %scan3A_206 : i32 to index
        %swap3A_625 = arith.constant 736 : index
        %swap3A_626 = tpu.vector_load %arg9[%swap3A_624, %swap3A_625] {strides = array<i32>} : memref<16x768xf32, #tpu.memory_space<vmem>>, vector<1x16xf32>,
        %swap3A_627 = vector.shape_cast %swap3A_626 : vector<1x16xf32> to vector<16xf32>
        %swap3A_628 = vector.shape_cast %get3A_623 : vector<16xf32> to vector<1x16xf32>
        tpu.vector_store %arg9[%swap3A_624, %swap3A_625], %swap3A_628 {add = true, strides = array<i32>} : memref<16x768xf32, #tpu.memory_space<vmem>>, vector<1x16xf32>,
        %get3A_629 = arith.index_cast %scan3A_206 : i32 to index
        %get3A_630 = arith.constant 752 : index
        %get3A_631 = tpu.vector_load %arg13[%get3A_629, %get3A_630] {strides = array<i32>} : memref<16x768xf32, #tpu.memory_space<vmem>>, vector<1x16xf32>,
        %get3A_632 = vector.shape_cast %get3A_631 : vector<1x16xf32> to vector<16xf32>
        %swap3A_633 = arith.index_cast %scan3A_206 : i32 to index
        %swap3A_634 = arith.constant 752 : index
        %swap3A_635 = tpu.vector_load %arg9[%swap3A_633, %swap3A_634] {strides = array<i32>} : memref<16x768xf32, #tpu.memory_space<vmem>>, vector<1x16xf32>,
        %swap3A_636 = vector.shape_cast %swap3A_635 : vector<1x16xf32> to vector<16xf32>
        %swap3A_637 = vector.shape_cast %get3A_632 : vector<16xf32> to vector<1x16xf32>
        tpu.vector_store %arg9[%swap3A_633, %swap3A_634], %swap3A_637 {add = true, strides = array<i32>} : memref<16x768xf32, #tpu.memory_space<vmem>>, vector<1x16xf32>,
        %scan3A_638 = arith.constant 0 : i32
        scf.yield %scan3A_638 : i32
      }
      %scan3A_156 = arith.constant 16 : i32
      %mul3A_157 = arith.constant 16 : i32
      %mul3A_158 = arith.muli %add3A_124, %mul3A_157 : i32
      %add3A_159 = arith.addi %mul3A_2, %mul3A_158 : i32
      %dma_start3A_160 = arith.constant 0 : i32
      %dma_start3A_161 = tpu.memref_slice %arg5[%add3A_159, %dma_start3A_160] : memref<32768x768xf32, #tpu.memory_space<hbm>> -> memref<16x768xf32, #tpu.memory_space<hbm>>
      %dma_start3A_162 = arith.constant 0 : i32
      %dma_start3A_163 = tpu.memref_slice %arg5[%add3A_159, %dma_start3A_162] : memref<32768x768xf32, #tpu.memory_space<hbm>> -> memref<16x768xf32, #tpu.memory_space<hbm>>
      tpu.enqueue_dma source(%arg9 : memref<16x768xf32, #tpu.memory_space<vmem>>) target(%dma_start3A_163 : memref<16x768xf32, #tpu.memory_space<hbm>>) target_semaphore(%arg25 : memref<!tpu.dma_semaphore, #tpu.memory_space<semaphore_mem>>)
      %add3A_164 = arith.constant 3 : i32
      %add3A_165 = arith.addi %mul3A_44, %add3A_164 : i32
      %mul3A_166 = arith.constant 16 : i32
      %mul3A_167 = arith.muli %add3A_165, %mul3A_166 : i32
      %add3A_168 = arith.addi %mul3A_2, %mul3A_167 : i32
      %dma_wait3A_169 = arith.constant 0 : i32
      %dma_wait3A_170 = tpu.memref_slice %arg2[%add3A_168, %dma_wait3A_169] : memref<32768x768xf32, #tpu.memory_space<hbm>> -> memref<16x768xf32, #tpu.memory_space<hbm>>
      %dma_wait3A_171 = arith.constant 0 : i32
      %dma_wait3A_172 = tpu.memref_slice %arg2[%add3A_168, %dma_wait3A_171] : memref<32768x768xf32, #tpu.memory_space<hbm>> -> memref<16x768xf32, #tpu.memory_space<hbm>>
      tpu.wait_dma2 semaphore(%arg18 : memref<!tpu.dma_semaphore, #tpu.memory_space<semaphore_mem>>) src(%dma_wait3A_172 : memref<16x768xf32, #tpu.memory_space<hbm>>) dst(%arg10 : memref<16x768xf32, #tpu.memory_space<vmem>>)
      %mul3A_173 = arith.constant 16 : i32
      %mul3A_174 = arith.muli %add3A_165, %mul3A_173 : i32
      %dma_wait3A_175 = tpu.memref_slice %arg6[%mul3A_174] : memref<1024xi32, #tpu.memory_space<vmem>> -> memref<16xi32, #tpu.memory_space<vmem>>
      %dma_wait3A_176 = arith.constant 0 : i32
      %dma_wait3A_177 = arith.constant 0 : i32
      %dma_wait3A_178 = tpu.memref_slice %arg4[%dma_wait3A_176, %dma_wait3A_177] : memref<8192x768xf32, #tpu.memory_space<hbm>> -> memref<8192x768xf32, #tpu.memory_space<hbm>>
      tpu.wait_indirect_dma semaphore(%arg22 : memref<!tpu.dma_semaphore, #tpu.memory_space<semaphore_mem>>) src(%dma_wait3A_178 : memref<8192x768xf32, #tpu.memory_space<hbm>>) dst(%arg14 : memref<16x768xf32, #tpu.memory_space<vmem>>)
      %ge3A_179 = arith.constant 2 : i32
      %ge3A_180 = arith.cmpi sge, %add3A_165, %ge3A_179 : i32
      %convert_element_type3A_181 = arith.extui %ge3A_180 : i1 to i32
      %cond3A_182 = arith.constant 0 : i32
      %cond3A_183 = arith.cmpi ne, %convert_element_type3A_181, %cond3A_182 : i32
      scf.if %cond3A_183 {
        %sub3A = arith.constant 2 : i32
        %sub3A_206 = arith.subi %add3A_165, %sub3A : i32
        %mul3A_207 = arith.constant 16 : i32
        %mul3A_208 = arith.muli %sub3A_206, %mul3A_207 : i32
        %add3A_209 = arith.addi %mul3A_2, %mul3A_208 : i32
        %dma_wait3A_210 = arith.constant 0 : i32
        %dma_wait3A_211 = tpu.memref_slice %arg5[%add3A_209, %dma_wait3A_210] : memref<32768x768xf32, #tpu.memory_space<hbm>> -> memref<16x768xf32, #tpu.memory_space<hbm>>
        %dma_wait3A_212 = arith.constant 0 : i32
        %dma_wait3A_213 = tpu.memref_slice %arg5[%add3A_209, %dma_wait3A_212] : memref<32768x768xf32, #tpu.memory_space<hbm>> -> memref<16x768xf32, #tpu.memory_space<hbm>>
        tpu.wait_dma2 semaphore(%arg24 : memref<!tpu.dma_semaphore, #tpu.memory_space<semaphore_mem>>) src(%arg8 : memref<16x768xf32, #tpu.memory_space<vmem>>) dst(%dma_wait3A_213 : memref<16x768xf32, #tpu.memory_space<hbm>>)
      } else {
      }
      %add3A_184 = arith.constant 2 : i32
      %add3A_185 = arith.addi %add3A_165, %add3A_184 : i32
      %lt3A_186 = arith.constant 64 : i32
      %lt3A_187 = arith.cmpi slt, %add3A_185, %lt3A_186 : i32
      %convert_element_type3A_188 = arith.extui %lt3A_187 : i1 to i32
      %cond3A_189 = arith.constant 0 : i32
      %cond3A_190 = arith.cmpi ne, %convert_element_type3A_188, %cond3A_189 : i32
      scf.if %cond3A_190 {
        %add3A_206 = arith.constant 2 : i32
        %add3A_207 = arith.addi %add3A_165, %add3A_206 : i32
        %mul3A_208 = arith.constant 16 : i32
        %mul3A_209 = arith.muli %add3A_207, %mul3A_208 : i32
        %add3A_210 = arith.addi %mul3A_2, %mul3A_209 : i32
        %dma_start3A_211 = arith.constant 0 : i32
        %dma_start3A_212 = tpu.memref_slice %arg2[%add3A_210, %dma_start3A_211] : memref<32768x768xf32, #tpu.memory_space<hbm>> -> memref<16x768xf32, #tpu.memory_space<hbm>>
        %dma_start3A_213 = arith.constant 0 : i32
        %dma_start3A_214 = tpu.memref_slice %arg2[%add3A_210, %dma_start3A_213] : memref<32768x768xf32, #tpu.memory_space<hbm>> -> memref<16x768xf32, #tpu.memory_space<hbm>>
        tpu.enqueue_dma source(%dma_start3A_214 : memref<16x768xf32, #tpu.memory_space<hbm>>) target(%arg8 : memref<16x768xf32, #tpu.memory_space<vmem>>) target_semaphore(%arg16 : memref<!tpu.dma_semaphore, #tpu.memory_space<semaphore_mem>>)
        %mul3A_215 = arith.constant 16 : i32
        %mul3A_216 = arith.muli %add3A_207, %mul3A_215 : i32
        %dma_start3A_217 = tpu.memref_slice %arg6[%mul3A_216] : memref<1024xi32, #tpu.memory_space<vmem>> -> memref<16xi32, #tpu.memory_space<vmem>>
        %dma_start3A_218 = arith.constant 0 : i32
        %dma_start3A_219 = arith.constant 0 : i32
        %dma_start3A_220 = tpu.memref_slice %arg4[%dma_start3A_218, %dma_start3A_219] : memref<8192x768xf32, #tpu.memory_space<hbm>> -> memref<8192x768xf32, #tpu.memory_space<hbm>>
        tpu.enqueue_indirect_dma source(%dma_start3A_220 : memref<8192x768xf32, #tpu.memory_space<hbm>>) target(%arg12 : memref<16x768xf32, #tpu.memory_space<vmem>>) offsets(%dma_start3A_217 : memref<16xi32, #tpu.memory_space<vmem>>) semaphore(%arg20 : memref<!tpu.dma_semaphore, #tpu.memory_space<semaphore_mem>>)
      } else {
      }
      %scan3A_191 = arith.constant 0 : i32
      %scan3A_192 = arith.constant 0 : i32
      %scan3A_193 = arith.constant 16 : i32
      %scan3A_194 = arith.addi %scan3A_192, %scan3A_193 : i32
      %scan3A_195 = arith.constant 1 : i32
      %scan3A_196 = scf.for %scan3A_206 = %scan3A_192 to %scan3A_194 step %scan3A_195 iter_args(%scan3A_207 = %scan3A_191) -> (i32)  : i32 {
        %get3A = arith.index_cast %scan3A_206 : i32 to index
        %get3A_208 = arith.constant 0 : index
        %get3A_209 = tpu.vector_load %arg14[%get3A, %get3A_208] {strides = array<i32>} : memref<16x768xf32, #tpu.memory_space<vmem>>, vector<1x16xf32>,
        %get3A_210 = vector.shape_cast %get3A_209 : vector<1x16xf32> to vector<16xf32>
        %swap3A = arith.index_cast %scan3A_206 : i32 to index
        %swap3A_211 = arith.constant 0 : index
        %swap3A_212 = tpu.vector_load %arg10[%swap3A, %swap3A_211] {strides = array<i32>} : memref<16x768xf32, #tpu.memory_space<vmem>>, vector<1x16xf32>,
        %swap3A_213 = vector.shape_cast %swap3A_212 : vector<1x16xf32> to vector<16xf32>
        %swap3A_214 = vector.shape_cast %get3A_210 : vector<16xf32> to vector<1x16xf32>
        tpu.vector_store %arg10[%swap3A, %swap3A_211], %swap3A_214 {add = true, strides = array<i32>} : memref<16x768xf32, #tpu.memory_space<vmem>>, vector<1x16xf32>,
        %get3A_215 = arith.index_cast %scan3A_206 : i32 to index
        %get3A_216 = arith.constant 16 : index
        %get3A_217 = tpu.vector_load %arg14[%get3A_215, %get3A_216] {strides = array<i32>} : memref<16x768xf32, #tpu.memory_space<vmem>>, vector<1x16xf32>,
        %get3A_218 = vector.shape_cast %get3A_217 : vector<1x16xf32> to vector<16xf32>
        %swap3A_219 = arith.index_cast %scan3A_206 : i32 to index
        %swap3A_220 = arith.constant 16 : index
        %swap3A_221 = tpu.vector_load %arg10[%swap3A_219, %swap3A_220] {strides = array<i32>} : memref<16x768xf32, #tpu.memory_space<vmem>>, vector<1x16xf32>,
        %swap3A_222 = vector.shape_cast %swap3A_221 : vector<1x16xf32> to vector<16xf32>
        %swap3A_223 = vector.shape_cast %get3A_218 : vector<16xf32> to vector<1x16xf32>
        tpu.vector_store %arg10[%swap3A_219, %swap3A_220], %swap3A_223 {add = true, strides = array<i32>} : memref<16x768xf32, #tpu.memory_space<vmem>>, vector<1x16xf32>,
        %get3A_224 = arith.index_cast %scan3A_206 : i32 to index
        %get3A_225 = arith.constant 32 : index
        %get3A_226 = tpu.vector_load %arg14[%get3A_224, %get3A_225] {strides = array<i32>} : memref<16x768xf32, #tpu.memory_space<vmem>>, vector<1x16xf32>,
        %get3A_227 = vector.shape_cast %get3A_226 : vector<1x16xf32> to vector<16xf32>
        %swap3A_228 = arith.index_cast %scan3A_206 : i32 to index
        %swap3A_229 = arith.constant 32 : index
        %swap3A_230 = tpu.vector_load %arg10[%swap3A_228, %swap3A_229] {strides = array<i32>} : memref<16x768xf32, #tpu.memory_space<vmem>>, vector<1x16xf32>,
        %swap3A_231 = vector.shape_cast %swap3A_230 : vector<1x16xf32> to vector<16xf32>
        %swap3A_232 = vector.shape_cast %get3A_227 : vector<16xf32> to vector<1x16xf32>
        tpu.vector_store %arg10[%swap3A_228, %swap3A_229], %swap3A_232 {add = true, strides = array<i32>} : memref<16x768xf32, #tpu.memory_space<vmem>>, vector<1x16xf32>,
        %get3A_233 = arith.index_cast %scan3A_206 : i32 to index
        %get3A_234 = arith.constant 48 : index
        %get3A_235 = tpu.vector_load %arg14[%get3A_233, %get3A_234] {strides = array<i32>} : memref<16x768xf32, #tpu.memory_space<vmem>>, vector<1x16xf32>,
        %get3A_236 = vector.shape_cast %get3A_235 : vector<1x16xf32> to vector<16xf32>
        %swap3A_237 = arith.index_cast %scan3A_206 : i32 to index
        %swap3A_238 = arith.constant 48 : index
        %swap3A_239 = tpu.vector_load %arg10[%swap3A_237, %swap3A_238] {strides = array<i32>} : memref<16x768xf32, #tpu.memory_space<vmem>>, vector<1x16xf32>,
        %swap3A_240 = vector.shape_cast %swap3A_239 : vector<1x16xf32> to vector<16xf32>
        %swap3A_241 = vector.shape_cast %get3A_236 : vector<16xf32> to vector<1x16xf32>
        tpu.vector_store %arg10[%swap3A_237, %swap3A_238], %swap3A_241 {add = true, strides = array<i32>} : memref<16x768xf32, #tpu.memory_space<vmem>>, vector<1x16xf32>,
        %get3A_242 = arith.index_cast %scan3A_206 : i32 to index
        %get3A_243 = arith.constant 64 : index
        %get3A_244 = tpu.vector_load %arg14[%get3A_242, %get3A_243] {strides = array<i32>} : memref<16x768xf32, #tpu.memory_space<vmem>>, vector<1x16xf32>,
        %get3A_245 = vector.shape_cast %get3A_244 : vector<1x16xf32> to vector<16xf32>
        %swap3A_246 = arith.index_cast %scan3A_206 : i32 to index
        %swap3A_247 = arith.constant 64 : index
        %swap3A_248 = tpu.vector_load %arg10[%swap3A_246, %swap3A_247] {strides = array<i32>} : memref<16x768xf32, #tpu.memory_space<vmem>>, vector<1x16xf32>,
        %swap3A_249 = vector.shape_cast %swap3A_248 : vector<1x16xf32> to vector<16xf32>
        %swap3A_250 = vector.shape_cast %get3A_245 : vector<16xf32> to vector<1x16xf32>
        tpu.vector_store %arg10[%swap3A_246, %swap3A_247], %swap3A_250 {add = true, strides = array<i32>} : memref<16x768xf32, #tpu.memory_space<vmem>>, vector<1x16xf32>,
        %get3A_251 = arith.index_cast %scan3A_206 : i32 to index
        %get3A_252 = arith.constant 80 : index
        %get3A_253 = tpu.vector_load %arg14[%get3A_251, %get3A_252] {strides = array<i32>} : memref<16x768xf32, #tpu.memory_space<vmem>>, vector<1x16xf32>,
        %get3A_254 = vector.shape_cast %get3A_253 : vector<1x16xf32> to vector<16xf32>
        %swap3A_255 = arith.index_cast %scan3A_206 : i32 to index
        %swap3A_256 = arith.constant 80 : index
        %swap3A_257 = tpu.vector_load %arg10[%swap3A_255, %swap3A_256] {strides = array<i32>} : memref<16x768xf32, #tpu.memory_space<vmem>>, vector<1x16xf32>,
        %swap3A_258 = vector.shape_cast %swap3A_257 : vector<1x16xf32> to vector<16xf32>
        %swap3A_259 = vector.shape_cast %get3A_254 : vector<16xf32> to vector<1x16xf32>
        tpu.vector_store %arg10[%swap3A_255, %swap3A_256], %swap3A_259 {add = true, strides = array<i32>} : memref<16x768xf32, #tpu.memory_space<vmem>>, vector<1x16xf32>,
        %get3A_260 = arith.index_cast %scan3A_206 : i32 to index
        %get3A_261 = arith.constant 96 : index
        %get3A_262 = tpu.vector_load %arg14[%get3A_260, %get3A_261] {strides = array<i32>} : memref<16x768xf32, #tpu.memory_space<vmem>>, vector<1x16xf32>,
        %get3A_263 = vector.shape_cast %get3A_262 : vector<1x16xf32> to vector<16xf32>
        %swap3A_264 = arith.index_cast %scan3A_206 : i32 to index
        %swap3A_265 = arith.constant 96 : index
        %swap3A_266 = tpu.vector_load %arg10[%swap3A_264, %swap3A_265] {strides = array<i32>} : memref<16x768xf32, #tpu.memory_space<vmem>>, vector<1x16xf32>,
        %swap3A_267 = vector.shape_cast %swap3A_266 : vector<1x16xf32> to vector<16xf32>
        %swap3A_268 = vector.shape_cast %get3A_263 : vector<16xf32> to vector<1x16xf32>
        tpu.vector_store %arg10[%swap3A_264, %swap3A_265], %swap3A_268 {add = true, strides = array<i32>} : memref<16x768xf32, #tpu.memory_space<vmem>>, vector<1x16xf32>,
        %get3A_269 = arith.index_cast %scan3A_206 : i32 to index
        %get3A_270 = arith.constant 112 : index
        %get3A_271 = tpu.vector_load %arg14[%get3A_269, %get3A_270] {strides = array<i32>} : memref<16x768xf32, #tpu.memory_space<vmem>>, vector<1x16xf32>,
        %get3A_272 = vector.shape_cast %get3A_271 : vector<1x16xf32> to vector<16xf32>
        %swap3A_273 = arith.index_cast %scan3A_206 : i32 to index
        %swap3A_274 = arith.constant 112 : index
        %swap3A_275 = tpu.vector_load %arg10[%swap3A_273, %swap3A_274] {strides = array<i32>} : memref<16x768xf32, #tpu.memory_space<vmem>>, vector<1x16xf32>,
        %swap3A_276 = vector.shape_cast %swap3A_275 : vector<1x16xf32> to vector<16xf32>
        %swap3A_277 = vector.shape_cast %get3A_272 : vector<16xf32> to vector<1x16xf32>
        tpu.vector_store %arg10[%swap3A_273, %swap3A_274], %swap3A_277 {add = true, strides = array<i32>} : memref<16x768xf32, #tpu.memory_space<vmem>>, vector<1x16xf32>,
        %get3A_278 = arith.index_cast %scan3A_206 : i32 to index
        %get3A_279 = arith.constant 128 : index
        %get3A_280 = tpu.vector_load %arg14[%get3A_278, %get3A_279] {strides = array<i32>} : memref<16x768xf32, #tpu.memory_space<vmem>>, vector<1x16xf32>,
        %get3A_281 = vector.shape_cast %get3A_280 : vector<1x16xf32> to vector<16xf32>
        %swap3A_282 = arith.index_cast %scan3A_206 : i32 to index
        %swap3A_283 = arith.constant 128 : index
        %swap3A_284 = tpu.vector_load %arg10[%swap3A_282, %swap3A_283] {strides = array<i32>} : memref<16x768xf32, #tpu.memory_space<vmem>>, vector<1x16xf32>,
        %swap3A_285 = vector.shape_cast %swap3A_284 : vector<1x16xf32> to vector<16xf32>
        %swap3A_286 = vector.shape_cast %get3A_281 : vector<16xf32> to vector<1x16xf32>
        tpu.vector_store %arg10[%swap3A_282, %swap3A_283], %swap3A_286 {add = true, strides = array<i32>} : memref<16x768xf32, #tpu.memory_space<vmem>>, vector<1x16xf32>,
        %get3A_287 = arith.index_cast %scan3A_206 : i32 to index
        %get3A_288 = arith.constant 144 : index
        %get3A_289 = tpu.vector_load %arg14[%get3A_287, %get3A_288] {strides = array<i32>} : memref<16x768xf32, #tpu.memory_space<vmem>>, vector<1x16xf32>,
        %get3A_290 = vector.shape_cast %get3A_289 : vector<1x16xf32> to vector<16xf32>
        %swap3A_291 = arith.index_cast %scan3A_206 : i32 to index
        %swap3A_292 = arith.constant 144 : index
        %swap3A_293 = tpu.vector_load %arg10[%swap3A_291, %swap3A_292] {strides = array<i32>} : memref<16x768xf32, #tpu.memory_space<vmem>>, vector<1x16xf32>,
        %swap3A_294 = vector.shape_cast %swap3A_293 : vector<1x16xf32> to vector<16xf32>
        %swap3A_295 = vector.shape_cast %get3A_290 : vector<16xf32> to vector<1x16xf32>
        tpu.vector_store %arg10[%swap3A_291, %swap3A_292], %swap3A_295 {add = true, strides = array<i32>} : memref<16x768xf32, #tpu.memory_space<vmem>>, vector<1x16xf32>,
        %get3A_296 = arith.index_cast %scan3A_206 : i32 to index
        %get3A_297 = arith.constant 160 : index
        %get3A_298 = tpu.vector_load %arg14[%get3A_296, %get3A_297] {strides = array<i32>} : memref<16x768xf32, #tpu.memory_space<vmem>>, vector<1x16xf32>,
        %get3A_299 = vector.shape_cast %get3A_298 : vector<1x16xf32> to vector<16xf32>
        %swap3A_300 = arith.index_cast %scan3A_206 : i32 to index
        %swap3A_301 = arith.constant 160 : index
        %swap3A_302 = tpu.vector_load %arg10[%swap3A_300, %swap3A_301] {strides = array<i32>} : memref<16x768xf32, #tpu.memory_space<vmem>>, vector<1x16xf32>,
        %swap3A_303 = vector.shape_cast %swap3A_302 : vector<1x16xf32> to vector<16xf32>
        %swap3A_304 = vector.shape_cast %get3A_299 : vector<16xf32> to vector<1x16xf32>
        tpu.vector_store %arg10[%swap3A_300, %swap3A_301], %swap3A_304 {add = true, strides = array<i32>} : memref<16x768xf32, #tpu.memory_space<vmem>>, vector<1x16xf32>,
        %get3A_305 = arith.index_cast %scan3A_206 : i32 to index
        %get3A_306 = arith.constant 176 : index
        %get3A_307 = tpu.vector_load %arg14[%get3A_305, %get3A_306] {strides = array<i32>} : memref<16x768xf32, #tpu.memory_space<vmem>>, vector<1x16xf32>,
        %get3A_308 = vector.shape_cast %get3A_307 : vector<1x16xf32> to vector<16xf32>
        %swap3A_309 = arith.index_cast %scan3A_206 : i32 to index
        %swap3A_310 = arith.constant 176 : index
        %swap3A_311 = tpu.vector_load %arg10[%swap3A_309, %swap3A_310] {strides = array<i32>} : memref<16x768xf32, #tpu.memory_space<vmem>>, vector<1x16xf32>,
        %swap3A_312 = vector.shape_cast %swap3A_311 : vector<1x16xf32> to vector<16xf32>
        %swap3A_313 = vector.shape_cast %get3A_308 : vector<16xf32> to vector<1x16xf32>
        tpu.vector_store %arg10[%swap3A_309, %swap3A_310], %swap3A_313 {add = true, strides = array<i32>} : memref<16x768xf32, #tpu.memory_space<vmem>>, vector<1x16xf32>,
        %get3A_314 = arith.index_cast %scan3A_206 : i32 to index
        %get3A_315 = arith.constant 192 : index
        %get3A_316 = tpu.vector_load %arg14[%get3A_314, %get3A_315] {strides = array<i32>} : memref<16x768xf32, #tpu.memory_space<vmem>>, vector<1x16xf32>,
        %get3A_317 = vector.shape_cast %get3A_316 : vector<1x16xf32> to vector<16xf32>
        %swap3A_318 = arith.index_cast %scan3A_206 : i32 to index
        %swap3A_319 = arith.constant 192 : index
        %swap3A_320 = tpu.vector_load %arg10[%swap3A_318, %swap3A_319] {strides = array<i32>} : memref<16x768xf32, #tpu.memory_space<vmem>>, vector<1x16xf32>,
        %swap3A_321 = vector.shape_cast %swap3A_320 : vector<1x16xf32> to vector<16xf32>
        %swap3A_322 = vector.shape_cast %get3A_317 : vector<16xf32> to vector<1x16xf32>
        tpu.vector_store %arg10[%swap3A_318, %swap3A_319], %swap3A_322 {add = true, strides = array<i32>} : memref<16x768xf32, #tpu.memory_space<vmem>>, vector<1x16xf32>,
        %get3A_323 = arith.index_cast %scan3A_206 : i32 to index
        %get3A_324 = arith.constant 208 : index
        %get3A_325 = tpu.vector_load %arg14[%get3A_323, %get3A_324] {strides = array<i32>} : memref<16x768xf32, #tpu.memory_space<vmem>>, vector<1x16xf32>,
        %get3A_326 = vector.shape_cast %get3A_325 : vector<1x16xf32> to vector<16xf32>
        %swap3A_327 = arith.index_cast %scan3A_206 : i32 to index
        %swap3A_328 = arith.constant 208 : index
        %swap3A_329 = tpu.vector_load %arg10[%swap3A_327, %swap3A_328] {strides = array<i32>} : memref<16x768xf32, #tpu.memory_space<vmem>>, vector<1x16xf32>,
        %swap3A_330 = vector.shape_cast %swap3A_329 : vector<1x16xf32> to vector<16xf32>
        %swap3A_331 = vector.shape_cast %get3A_326 : vector<16xf32> to vector<1x16xf32>
        tpu.vector_store %arg10[%swap3A_327, %swap3A_328], %swap3A_331 {add = true, strides = array<i32>} : memref<16x768xf32, #tpu.memory_space<vmem>>, vector<1x16xf32>,
        %get3A_332 = arith.index_cast %scan3A_206 : i32 to index
        %get3A_333 = arith.constant 224 : index
        %get3A_334 = tpu.vector_load %arg14[%get3A_332, %get3A_333] {strides = array<i32>} : memref<16x768xf32, #tpu.memory_space<vmem>>, vector<1x16xf32>,
        %get3A_335 = vector.shape_cast %get3A_334 : vector<1x16xf32> to vector<16xf32>
        %swap3A_336 = arith.index_cast %scan3A_206 : i32 to index
        %swap3A_337 = arith.constant 224 : index
        %swap3A_338 = tpu.vector_load %arg10[%swap3A_336, %swap3A_337] {strides = array<i32>} : memref<16x768xf32, #tpu.memory_space<vmem>>, vector<1x16xf32>,
        %swap3A_339 = vector.shape_cast %swap3A_338 : vector<1x16xf32> to vector<16xf32>
        %swap3A_340 = vector.shape_cast %get3A_335 : vector<16xf32> to vector<1x16xf32>
        tpu.vector_store %arg10[%swap3A_336, %swap3A_337], %swap3A_340 {add = true, strides = array<i32>} : memref<16x768xf32, #tpu.memory_space<vmem>>, vector<1x16xf32>,
        %get3A_341 = arith.index_cast %scan3A_206 : i32 to index
        %get3A_342 = arith.constant 240 : index
        %get3A_343 = tpu.vector_load %arg14[%get3A_341, %get3A_342] {strides = array<i32>} : memref<16x768xf32, #tpu.memory_space<vmem>>, vector<1x16xf32>,
        %get3A_344 = vector.shape_cast %get3A_343 : vector<1x16xf32> to vector<16xf32>
        %swap3A_345 = arith.index_cast %scan3A_206 : i32 to index
        %swap3A_346 = arith.constant 240 : index
        %swap3A_347 = tpu.vector_load %arg10[%swap3A_345, %swap3A_346] {strides = array<i32>} : memref<16x768xf32, #tpu.memory_space<vmem>>, vector<1x16xf32>,
        %swap3A_348 = vector.shape_cast %swap3A_347 : vector<1x16xf32> to vector<16xf32>
        %swap3A_349 = vector.shape_cast %get3A_344 : vector<16xf32> to vector<1x16xf32>
        tpu.vector_store %arg10[%swap3A_345, %swap3A_346], %swap3A_349 {add = true, strides = array<i32>} : memref<16x768xf32, #tpu.memory_space<vmem>>, vector<1x16xf32>,
        %get3A_350 = arith.index_cast %scan3A_206 : i32 to index
        %get3A_351 = arith.constant 256 : index
        %get3A_352 = tpu.vector_load %arg14[%get3A_350, %get3A_351] {strides = array<i32>} : memref<16x768xf32, #tpu.memory_space<vmem>>, vector<1x16xf32>,
        %get3A_353 = vector.shape_cast %get3A_352 : vector<1x16xf32> to vector<16xf32>
        %swap3A_354 = arith.index_cast %scan3A_206 : i32 to index
        %swap3A_355 = arith.constant 256 : index
        %swap3A_356 = tpu.vector_load %arg10[%swap3A_354, %swap3A_355] {strides = array<i32>} : memref<16x768xf32, #tpu.memory_space<vmem>>, vector<1x16xf32>,
        %swap3A_357 = vector.shape_cast %swap3A_356 : vector<1x16xf32> to vector<16xf32>
        %swap3A_358 = vector.shape_cast %get3A_353 : vector<16xf32> to vector<1x16xf32>
        tpu.vector_store %arg10[%swap3A_354, %swap3A_355], %swap3A_358 {add = true, strides = array<i32>} : memref<16x768xf32, #tpu.memory_space<vmem>>, vector<1x16xf32>,
        %get3A_359 = arith.index_cast %scan3A_206 : i32 to index
        %get3A_360 = arith.constant 272 : index
        %get3A_361 = tpu.vector_load %arg14[%get3A_359, %get3A_360] {strides = array<i32>} : memref<16x768xf32, #tpu.memory_space<vmem>>, vector<1x16xf32>,
        %get3A_362 = vector.shape_cast %get3A_361 : vector<1x16xf32> to vector<16xf32>
        %swap3A_363 = arith.index_cast %scan3A_206 : i32 to index
        %swap3A_364 = arith.constant 272 : index
        %swap3A_365 = tpu.vector_load %arg10[%swap3A_363, %swap3A_364] {strides = array<i32>} : memref<16x768xf32, #tpu.memory_space<vmem>>, vector<1x16xf32>,
        %swap3A_366 = vector.shape_cast %swap3A_365 : vector<1x16xf32> to vector<16xf32>
        %swap3A_367 = vector.shape_cast %get3A_362 : vector<16xf32> to vector<1x16xf32>
        tpu.vector_store %arg10[%swap3A_363, %swap3A_364], %swap3A_367 {add = true, strides = array<i32>} : memref<16x768xf32, #tpu.memory_space<vmem>>, vector<1x16xf32>,
        %get3A_368 = arith.index_cast %scan3A_206 : i32 to index
        %get3A_369 = arith.constant 288 : index
        %get3A_370 = tpu.vector_load %arg14[%get3A_368, %get3A_369] {strides = array<i32>} : memref<16x768xf32, #tpu.memory_space<vmem>>, vector<1x16xf32>,
        %get3A_371 = vector.shape_cast %get3A_370 : vector<1x16xf32> to vector<16xf32>
        %swap3A_372 = arith.index_cast %scan3A_206 : i32 to index
        %swap3A_373 = arith.constant 288 : index
        %swap3A_374 = tpu.vector_load %arg10[%swap3A_372, %swap3A_373] {strides = array<i32>} : memref<16x768xf32, #tpu.memory_space<vmem>>, vector<1x16xf32>,
        %swap3A_375 = vector.shape_cast %swap3A_374 : vector<1x16xf32> to vector<16xf32>
        %swap3A_376 = vector.shape_cast %get3A_371 : vector<16xf32> to vector<1x16xf32>
        tpu.vector_store %arg10[%swap3A_372, %swap3A_373], %swap3A_376 {add = true, strides = array<i32>} : memref<16x768xf32, #tpu.memory_space<vmem>>, vector<1x16xf32>,
        %get3A_377 = arith.index_cast %scan3A_206 : i32 to index
        %get3A_378 = arith.constant 304 : index
        %get3A_379 = tpu.vector_load %arg14[%get3A_377, %get3A_378] {strides = array<i32>} : memref<16x768xf32, #tpu.memory_space<vmem>>, vector<1x16xf32>,
        %get3A_380 = vector.shape_cast %get3A_379 : vector<1x16xf32> to vector<16xf32>
        %swap3A_381 = arith.index_cast %scan3A_206 : i32 to index
        %swap3A_382 = arith.constant 304 : index
        %swap3A_383 = tpu.vector_load %arg10[%swap3A_381, %swap3A_382] {strides = array<i32>} : memref<16x768xf32, #tpu.memory_space<vmem>>, vector<1x16xf32>,
        %swap3A_384 = vector.shape_cast %swap3A_383 : vector<1x16xf32> to vector<16xf32>
        %swap3A_385 = vector.shape_cast %get3A_380 : vector<16xf32> to vector<1x16xf32>
        tpu.vector_store %arg10[%swap3A_381, %swap3A_382], %swap3A_385 {add = true, strides = array<i32>} : memref<16x768xf32, #tpu.memory_space<vmem>>, vector<1x16xf32>,
        %get3A_386 = arith.index_cast %scan3A_206 : i32 to index
        %get3A_387 = arith.constant 320 : index
        %get3A_388 = tpu.vector_load %arg14[%get3A_386, %get3A_387] {strides = array<i32>} : memref<16x768xf32, #tpu.memory_space<vmem>>, vector<1x16xf32>,
        %get3A_389 = vector.shape_cast %get3A_388 : vector<1x16xf32> to vector<16xf32>
        %swap3A_390 = arith.index_cast %scan3A_206 : i32 to index
        %swap3A_391 = arith.constant 320 : index
        %swap3A_392 = tpu.vector_load %arg10[%swap3A_390, %swap3A_391] {strides = array<i32>} : memref<16x768xf32, #tpu.memory_space<vmem>>, vector<1x16xf32>,
        %swap3A_393 = vector.shape_cast %swap3A_392 : vector<1x16xf32> to vector<16xf32>
        %swap3A_394 = vector.shape_cast %get3A_389 : vector<16xf32> to vector<1x16xf32>
        tpu.vector_store %arg10[%swap3A_390, %swap3A_391], %swap3A_394 {add = true, strides = array<i32>} : memref<16x768xf32, #tpu.memory_space<vmem>>, vector<1x16xf32>,
        %get3A_395 = arith.index_cast %scan3A_206 : i32 to index
        %get3A_396 = arith.constant 336 : index
        %get3A_397 = tpu.vector_load %arg14[%get3A_395, %get3A_396] {strides = array<i32>} : memref<16x768xf32, #tpu.memory_space<vmem>>, vector<1x16xf32>,
        %get3A_398 = vector.shape_cast %get3A_397 : vector<1x16xf32> to vector<16xf32>
        %swap3A_399 = arith.index_cast %scan3A_206 : i32 to index
        %swap3A_400 = arith.constant 336 : index
        %swap3A_401 = tpu.vector_load %arg10[%swap3A_399, %swap3A_400] {strides = array<i32>} : memref<16x768xf32, #tpu.memory_space<vmem>>, vector<1x16xf32>,
        %swap3A_402 = vector.shape_cast %swap3A_401 : vector<1x16xf32> to vector<16xf32>
        %swap3A_403 = vector.shape_cast %get3A_398 : vector<16xf32> to vector<1x16xf32>
        tpu.vector_store %arg10[%swap3A_399, %swap3A_400], %swap3A_403 {add = true, strides = array<i32>} : memref<16x768xf32, #tpu.memory_space<vmem>>, vector<1x16xf32>,
        %get3A_404 = arith.index_cast %scan3A_206 : i32 to index
        %get3A_405 = arith.constant 352 : index
        %get3A_406 = tpu.vector_load %arg14[%get3A_404, %get3A_405] {strides = array<i32>} : memref<16x768xf32, #tpu.memory_space<vmem>>, vector<1x16xf32>,
        %get3A_407 = vector.shape_cast %get3A_406 : vector<1x16xf32> to vector<16xf32>
        %swap3A_408 = arith.index_cast %scan3A_206 : i32 to index
        %swap3A_409 = arith.constant 352 : index
        %swap3A_410 = tpu.vector_load %arg10[%swap3A_408, %swap3A_409] {strides = array<i32>} : memref<16x768xf32, #tpu.memory_space<vmem>>, vector<1x16xf32>,
        %swap3A_411 = vector.shape_cast %swap3A_410 : vector<1x16xf32> to vector<16xf32>
        %swap3A_412 = vector.shape_cast %get3A_407 : vector<16xf32> to vector<1x16xf32>
        tpu.vector_store %arg10[%swap3A_408, %swap3A_409], %swap3A_412 {add = true, strides = array<i32>} : memref<16x768xf32, #tpu.memory_space<vmem>>, vector<1x16xf32>,
        %get3A_413 = arith.index_cast %scan3A_206 : i32 to index
        %get3A_414 = arith.constant 368 : index
        %get3A_415 = tpu.vector_load %arg14[%get3A_413, %get3A_414] {strides = array<i32>} : memref<16x768xf32, #tpu.memory_space<vmem>>, vector<1x16xf32>,
        %get3A_416 = vector.shape_cast %get3A_415 : vector<1x16xf32> to vector<16xf32>
        %swap3A_417 = arith.index_cast %scan3A_206 : i32 to index
        %swap3A_418 = arith.constant 368 : index
        %swap3A_419 = tpu.vector_load %arg10[%swap3A_417, %swap3A_418] {strides = array<i32>} : memref<16x768xf32, #tpu.memory_space<vmem>>, vector<1x16xf32>,
        %swap3A_420 = vector.shape_cast %swap3A_419 : vector<1x16xf32> to vector<16xf32>
        %swap3A_421 = vector.shape_cast %get3A_416 : vector<16xf32> to vector<1x16xf32>
        tpu.vector_store %arg10[%swap3A_417, %swap3A_418], %swap3A_421 {add = true, strides = array<i32>} : memref<16x768xf32, #tpu.memory_space<vmem>>, vector<1x16xf32>,
        %get3A_422 = arith.index_cast %scan3A_206 : i32 to index
        %get3A_423 = arith.constant 384 : index
        %get3A_424 = tpu.vector_load %arg14[%get3A_422, %get3A_423] {strides = array<i32>} : memref<16x768xf32, #tpu.memory_space<vmem>>, vector<1x16xf32>,
        %get3A_425 = vector.shape_cast %get3A_424 : vector<1x16xf32> to vector<16xf32>
        %swap3A_426 = arith.index_cast %scan3A_206 : i32 to index
        %swap3A_427 = arith.constant 384 : index
        %swap3A_428 = tpu.vector_load %arg10[%swap3A_426, %swap3A_427] {strides = array<i32>} : memref<16x768xf32, #tpu.memory_space<vmem>>, vector<1x16xf32>,
        %swap3A_429 = vector.shape_cast %swap3A_428 : vector<1x16xf32> to vector<16xf32>
        %swap3A_430 = vector.shape_cast %get3A_425 : vector<16xf32> to vector<1x16xf32>
        tpu.vector_store %arg10[%swap3A_426, %swap3A_427], %swap3A_430 {add = true, strides = array<i32>} : memref<16x768xf32, #tpu.memory_space<vmem>>, vector<1x16xf32>,
        %get3A_431 = arith.index_cast %scan3A_206 : i32 to index
        %get3A_432 = arith.constant 400 : index
        %get3A_433 = tpu.vector_load %arg14[%get3A_431, %get3A_432] {strides = array<i32>} : memref<16x768xf32, #tpu.memory_space<vmem>>, vector<1x16xf32>,
        %get3A_434 = vector.shape_cast %get3A_433 : vector<1x16xf32> to vector<16xf32>
        %swap3A_435 = arith.index_cast %scan3A_206 : i32 to index
        %swap3A_436 = arith.constant 400 : index
        %swap3A_437 = tpu.vector_load %arg10[%swap3A_435, %swap3A_436] {strides = array<i32>} : memref<16x768xf32, #tpu.memory_space<vmem>>, vector<1x16xf32>,
        %swap3A_438 = vector.shape_cast %swap3A_437 : vector<1x16xf32> to vector<16xf32>
        %swap3A_439 = vector.shape_cast %get3A_434 : vector<16xf32> to vector<1x16xf32>
        tpu.vector_store %arg10[%swap3A_435, %swap3A_436], %swap3A_439 {add = true, strides = array<i32>} : memref<16x768xf32, #tpu.memory_space<vmem>>, vector<1x16xf32>,
        %get3A_440 = arith.index_cast %scan3A_206 : i32 to index
        %get3A_441 = arith.constant 416 : index
        %get3A_442 = tpu.vector_load %arg14[%get3A_440, %get3A_441] {strides = array<i32>} : memref<16x768xf32, #tpu.memory_space<vmem>>, vector<1x16xf32>,
        %get3A_443 = vector.shape_cast %get3A_442 : vector<1x16xf32> to vector<16xf32>
        %swap3A_444 = arith.index_cast %scan3A_206 : i32 to index
        %swap3A_445 = arith.constant 416 : index
        %swap3A_446 = tpu.vector_load %arg10[%swap3A_444, %swap3A_445] {strides = array<i32>} : memref<16x768xf32, #tpu.memory_space<vmem>>, vector<1x16xf32>,
        %swap3A_447 = vector.shape_cast %swap3A_446 : vector<1x16xf32> to vector<16xf32>
        %swap3A_448 = vector.shape_cast %get3A_443 : vector<16xf32> to vector<1x16xf32>
        tpu.vector_store %arg10[%swap3A_444, %swap3A_445], %swap3A_448 {add = true, strides = array<i32>} : memref<16x768xf32, #tpu.memory_space<vmem>>, vector<1x16xf32>,
        %get3A_449 = arith.index_cast %scan3A_206 : i32 to index
        %get3A_450 = arith.constant 432 : index
        %get3A_451 = tpu.vector_load %arg14[%get3A_449, %get3A_450] {strides = array<i32>} : memref<16x768xf32, #tpu.memory_space<vmem>>, vector<1x16xf32>,
        %get3A_452 = vector.shape_cast %get3A_451 : vector<1x16xf32> to vector<16xf32>
        %swap3A_453 = arith.index_cast %scan3A_206 : i32 to index
        %swap3A_454 = arith.constant 432 : index
        %swap3A_455 = tpu.vector_load %arg10[%swap3A_453, %swap3A_454] {strides = array<i32>} : memref<16x768xf32, #tpu.memory_space<vmem>>, vector<1x16xf32>,
        %swap3A_456 = vector.shape_cast %swap3A_455 : vector<1x16xf32> to vector<16xf32>
        %swap3A_457 = vector.shape_cast %get3A_452 : vector<16xf32> to vector<1x16xf32>
        tpu.vector_store %arg10[%swap3A_453, %swap3A_454], %swap3A_457 {add = true, strides = array<i32>} : memref<16x768xf32, #tpu.memory_space<vmem>>, vector<1x16xf32>,
        %get3A_458 = arith.index_cast %scan3A_206 : i32 to index
        %get3A_459 = arith.constant 448 : index
        %get3A_460 = tpu.vector_load %arg14[%get3A_458, %get3A_459] {strides = array<i32>} : memref<16x768xf32, #tpu.memory_space<vmem>>, vector<1x16xf32>,
        %get3A_461 = vector.shape_cast %get3A_460 : vector<1x16xf32> to vector<16xf32>
        %swap3A_462 = arith.index_cast %scan3A_206 : i32 to index
        %swap3A_463 = arith.constant 448 : index
        %swap3A_464 = tpu.vector_load %arg10[%swap3A_462, %swap3A_463] {strides = array<i32>} : memref<16x768xf32, #tpu.memory_space<vmem>>, vector<1x16xf32>,
        %swap3A_465 = vector.shape_cast %swap3A_464 : vector<1x16xf32> to vector<16xf32>
        %swap3A_466 = vector.shape_cast %get3A_461 : vector<16xf32> to vector<1x16xf32>
        tpu.vector_store %arg10[%swap3A_462, %swap3A_463], %swap3A_466 {add = true, strides = array<i32>} : memref<16x768xf32, #tpu.memory_space<vmem>>, vector<1x16xf32>,
        %get3A_467 = arith.index_cast %scan3A_206 : i32 to index
        %get3A_468 = arith.constant 464 : index
        %get3A_469 = tpu.vector_load %arg14[%get3A_467, %get3A_468] {strides = array<i32>} : memref<16x768xf32, #tpu.memory_space<vmem>>, vector<1x16xf32>,
        %get3A_470 = vector.shape_cast %get3A_469 : vector<1x16xf32> to vector<16xf32>
        %swap3A_471 = arith.index_cast %scan3A_206 : i32 to index
        %swap3A_472 = arith.constant 464 : index
        %swap3A_473 = tpu.vector_load %arg10[%swap3A_471, %swap3A_472] {strides = array<i32>} : memref<16x768xf32, #tpu.memory_space<vmem>>, vector<1x16xf32>,
        %swap3A_474 = vector.shape_cast %swap3A_473 : vector<1x16xf32> to vector<16xf32>
        %swap3A_475 = vector.shape_cast %get3A_470 : vector<16xf32> to vector<1x16xf32>
        tpu.vector_store %arg10[%swap3A_471, %swap3A_472], %swap3A_475 {add = true, strides = array<i32>} : memref<16x768xf32, #tpu.memory_space<vmem>>, vector<1x16xf32>,
        %get3A_476 = arith.index_cast %scan3A_206 : i32 to index
        %get3A_477 = arith.constant 480 : index
        %get3A_478 = tpu.vector_load %arg14[%get3A_476, %get3A_477] {strides = array<i32>} : memref<16x768xf32, #tpu.memory_space<vmem>>, vector<1x16xf32>,
        %get3A_479 = vector.shape_cast %get3A_478 : vector<1x16xf32> to vector<16xf32>
        %swap3A_480 = arith.index_cast %scan3A_206 : i32 to index
        %swap3A_481 = arith.constant 480 : index
        %swap3A_482 = tpu.vector_load %arg10[%swap3A_480, %swap3A_481] {strides = array<i32>} : memref<16x768xf32, #tpu.memory_space<vmem>>, vector<1x16xf32>,
        %swap3A_483 = vector.shape_cast %swap3A_482 : vector<1x16xf32> to vector<16xf32>
        %swap3A_484 = vector.shape_cast %get3A_479 : vector<16xf32> to vector<1x16xf32>
        tpu.vector_store %arg10[%swap3A_480, %swap3A_481], %swap3A_484 {add = true, strides = array<i32>} : memref<16x768xf32, #tpu.memory_space<vmem>>, vector<1x16xf32>,
        %get3A_485 = arith.index_cast %scan3A_206 : i32 to index
        %get3A_486 = arith.constant 496 : index
        %get3A_487 = tpu.vector_load %arg14[%get3A_485, %get3A_486] {strides = array<i32>} : memref<16x768xf32, #tpu.memory_space<vmem>>, vector<1x16xf32>,
        %get3A_488 = vector.shape_cast %get3A_487 : vector<1x16xf32> to vector<16xf32>
        %swap3A_489 = arith.index_cast %scan3A_206 : i32 to index
        %swap3A_490 = arith.constant 496 : index
        %swap3A_491 = tpu.vector_load %arg10[%swap3A_489, %swap3A_490] {strides = array<i32>} : memref<16x768xf32, #tpu.memory_space<vmem>>, vector<1x16xf32>,
        %swap3A_492 = vector.shape_cast %swap3A_491 : vector<1x16xf32> to vector<16xf32>
        %swap3A_493 = vector.shape_cast %get3A_488 : vector<16xf32> to vector<1x16xf32>
        tpu.vector_store %arg10[%swap3A_489, %swap3A_490], %swap3A_493 {add = true, strides = array<i32>} : memref<16x768xf32, #tpu.memory_space<vmem>>, vector<1x16xf32>,
        %get3A_494 = arith.index_cast %scan3A_206 : i32 to index
        %get3A_495 = arith.constant 512 : index
        %get3A_496 = tpu.vector_load %arg14[%get3A_494, %get3A_495] {strides = array<i32>} : memref<16x768xf32, #tpu.memory_space<vmem>>, vector<1x16xf32>,
        %get3A_497 = vector.shape_cast %get3A_496 : vector<1x16xf32> to vector<16xf32>
        %swap3A_498 = arith.index_cast %scan3A_206 : i32 to index
        %swap3A_499 = arith.constant 512 : index
        %swap3A_500 = tpu.vector_load %arg10[%swap3A_498, %swap3A_499] {strides = array<i32>} : memref<16x768xf32, #tpu.memory_space<vmem>>, vector<1x16xf32>,
        %swap3A_501 = vector.shape_cast %swap3A_500 : vector<1x16xf32> to vector<16xf32>
        %swap3A_502 = vector.shape_cast %get3A_497 : vector<16xf32> to vector<1x16xf32>
        tpu.vector_store %arg10[%swap3A_498, %swap3A_499], %swap3A_502 {add = true, strides = array<i32>} : memref<16x768xf32, #tpu.memory_space<vmem>>, vector<1x16xf32>,
        %get3A_503 = arith.index_cast %scan3A_206 : i32 to index
        %get3A_504 = arith.constant 528 : index
        %get3A_505 = tpu.vector_load %arg14[%get3A_503, %get3A_504] {strides = array<i32>} : memref<16x768xf32, #tpu.memory_space<vmem>>, vector<1x16xf32>,
        %get3A_506 = vector.shape_cast %get3A_505 : vector<1x16xf32> to vector<16xf32>
        %swap3A_507 = arith.index_cast %scan3A_206 : i32 to index
        %swap3A_508 = arith.constant 528 : index
        %swap3A_509 = tpu.vector_load %arg10[%swap3A_507, %swap3A_508] {strides = array<i32>} : memref<16x768xf32, #tpu.memory_space<vmem>>, vector<1x16xf32>,
        %swap3A_510 = vector.shape_cast %swap3A_509 : vector<1x16xf32> to vector<16xf32>
        %swap3A_511 = vector.shape_cast %get3A_506 : vector<16xf32> to vector<1x16xf32>
        tpu.vector_store %arg10[%swap3A_507, %swap3A_508], %swap3A_511 {add = true, strides = array<i32>} : memref<16x768xf32, #tpu.memory_space<vmem>>, vector<1x16xf32>,
        %get3A_512 = arith.index_cast %scan3A_206 : i32 to index
        %get3A_513 = arith.constant 544 : index
        %get3A_514 = tpu.vector_load %arg14[%get3A_512, %get3A_513] {strides = array<i32>} : memref<16x768xf32, #tpu.memory_space<vmem>>, vector<1x16xf32>,
        %get3A_515 = vector.shape_cast %get3A_514 : vector<1x16xf32> to vector<16xf32>
        %swap3A_516 = arith.index_cast %scan3A_206 : i32 to index
        %swap3A_517 = arith.constant 544 : index
        %swap3A_518 = tpu.vector_load %arg10[%swap3A_516, %swap3A_517] {strides = array<i32>} : memref<16x768xf32, #tpu.memory_space<vmem>>, vector<1x16xf32>,
        %swap3A_519 = vector.shape_cast %swap3A_518 : vector<1x16xf32> to vector<16xf32>
        %swap3A_520 = vector.shape_cast %get3A_515 : vector<16xf32> to vector<1x16xf32>
        tpu.vector_store %arg10[%swap3A_516, %swap3A_517], %swap3A_520 {add = true, strides = array<i32>} : memref<16x768xf32, #tpu.memory_space<vmem>>, vector<1x16xf32>,
        %get3A_521 = arith.index_cast %scan3A_206 : i32 to index
        %get3A_522 = arith.constant 560 : index
        %get3A_523 = tpu.vector_load %arg14[%get3A_521, %get3A_522] {strides = array<i32>} : memref<16x768xf32, #tpu.memory_space<vmem>>, vector<1x16xf32>,
        %get3A_524 = vector.shape_cast %get3A_523 : vector<1x16xf32> to vector<16xf32>
        %swap3A_525 = arith.index_cast %scan3A_206 : i32 to index
        %swap3A_526 = arith.constant 560 : index
        %swap3A_527 = tpu.vector_load %arg10[%swap3A_525, %swap3A_526] {strides = array<i32>} : memref<16x768xf32, #tpu.memory_space<vmem>>, vector<1x16xf32>,
        %swap3A_528 = vector.shape_cast %swap3A_527 : vector<1x16xf32> to vector<16xf32>
        %swap3A_529 = vector.shape_cast %get3A_524 : vector<16xf32> to vector<1x16xf32>
        tpu.vector_store %arg10[%swap3A_525, %swap3A_526], %swap3A_529 {add = true, strides = array<i32>} : memref<16x768xf32, #tpu.memory_space<vmem>>, vector<1x16xf32>,
        %get3A_530 = arith.index_cast %scan3A_206 : i32 to index
        %get3A_531 = arith.constant 576 : index
        %get3A_532 = tpu.vector_load %arg14[%get3A_530, %get3A_531] {strides = array<i32>} : memref<16x768xf32, #tpu.memory_space<vmem>>, vector<1x16xf32>,
        %get3A_533 = vector.shape_cast %get3A_532 : vector<1x16xf32> to vector<16xf32>
        %swap3A_534 = arith.index_cast %scan3A_206 : i32 to index
        %swap3A_535 = arith.constant 576 : index
        %swap3A_536 = tpu.vector_load %arg10[%swap3A_534, %swap3A_535] {strides = array<i32>} : memref<16x768xf32, #tpu.memory_space<vmem>>, vector<1x16xf32>,
        %swap3A_537 = vector.shape_cast %swap3A_536 : vector<1x16xf32> to vector<16xf32>
        %swap3A_538 = vector.shape_cast %get3A_533 : vector<16xf32> to vector<1x16xf32>
        tpu.vector_store %arg10[%swap3A_534, %swap3A_535], %swap3A_538 {add = true, strides = array<i32>} : memref<16x768xf32, #tpu.memory_space<vmem>>, vector<1x16xf32>,
        %get3A_539 = arith.index_cast %scan3A_206 : i32 to index
        %get3A_540 = arith.constant 592 : index
        %get3A_541 = tpu.vector_load %arg14[%get3A_539, %get3A_540] {strides = array<i32>} : memref<16x768xf32, #tpu.memory_space<vmem>>, vector<1x16xf32>,
        %get3A_542 = vector.shape_cast %get3A_541 : vector<1x16xf32> to vector<16xf32>
        %swap3A_543 = arith.index_cast %scan3A_206 : i32 to index
        %swap3A_544 = arith.constant 592 : index
        %swap3A_545 = tpu.vector_load %arg10[%swap3A_543, %swap3A_544] {strides = array<i32>} : memref<16x768xf32, #tpu.memory_space<vmem>>, vector<1x16xf32>,
        %swap3A_546 = vector.shape_cast %swap3A_545 : vector<1x16xf32> to vector<16xf32>
        %swap3A_547 = vector.shape_cast %get3A_542 : vector<16xf32> to vector<1x16xf32>
        tpu.vector_store %arg10[%swap3A_543, %swap3A_544], %swap3A_547 {add = true, strides = array<i32>} : memref<16x768xf32, #tpu.memory_space<vmem>>, vector<1x16xf32>,
        %get3A_548 = arith.index_cast %scan3A_206 : i32 to index
        %get3A_549 = arith.constant 608 : index
        %get3A_550 = tpu.vector_load %arg14[%get3A_548, %get3A_549] {strides = array<i32>} : memref<16x768xf32, #tpu.memory_space<vmem>>, vector<1x16xf32>,
        %get3A_551 = vector.shape_cast %get3A_550 : vector<1x16xf32> to vector<16xf32>
        %swap3A_552 = arith.index_cast %scan3A_206 : i32 to index
        %swap3A_553 = arith.constant 608 : index
        %swap3A_554 = tpu.vector_load %arg10[%swap3A_552, %swap3A_553] {strides = array<i32>} : memref<16x768xf32, #tpu.memory_space<vmem>>, vector<1x16xf32>,
        %swap3A_555 = vector.shape_cast %swap3A_554 : vector<1x16xf32> to vector<16xf32>
        %swap3A_556 = vector.shape_cast %get3A_551 : vector<16xf32> to vector<1x16xf32>
        tpu.vector_store %arg10[%swap3A_552, %swap3A_553], %swap3A_556 {add = true, strides = array<i32>} : memref<16x768xf32, #tpu.memory_space<vmem>>, vector<1x16xf32>,
        %get3A_557 = arith.index_cast %scan3A_206 : i32 to index
        %get3A_558 = arith.constant 624 : index
        %get3A_559 = tpu.vector_load %arg14[%get3A_557, %get3A_558] {strides = array<i32>} : memref<16x768xf32, #tpu.memory_space<vmem>>, vector<1x16xf32>,
        %get3A_560 = vector.shape_cast %get3A_559 : vector<1x16xf32> to vector<16xf32>
        %swap3A_561 = arith.index_cast %scan3A_206 : i32 to index
        %swap3A_562 = arith.constant 624 : index
        %swap3A_563 = tpu.vector_load %arg10[%swap3A_561, %swap3A_562] {strides = array<i32>} : memref<16x768xf32, #tpu.memory_space<vmem>>, vector<1x16xf32>,
        %swap3A_564 = vector.shape_cast %swap3A_563 : vector<1x16xf32> to vector<16xf32>
        %swap3A_565 = vector.shape_cast %get3A_560 : vector<16xf32> to vector<1x16xf32>
        tpu.vector_store %arg10[%swap3A_561, %swap3A_562], %swap3A_565 {add = true, strides = array<i32>} : memref<16x768xf32, #tpu.memory_space<vmem>>, vector<1x16xf32>,
        %get3A_566 = arith.index_cast %scan3A_206 : i32 to index
        %get3A_567 = arith.constant 640 : index
        %get3A_568 = tpu.vector_load %arg14[%get3A_566, %get3A_567] {strides = array<i32>} : memref<16x768xf32, #tpu.memory_space<vmem>>, vector<1x16xf32>,
        %get3A_569 = vector.shape_cast %get3A_568 : vector<1x16xf32> to vector<16xf32>
        %swap3A_570 = arith.index_cast %scan3A_206 : i32 to index
        %swap3A_571 = arith.constant 640 : index
        %swap3A_572 = tpu.vector_load %arg10[%swap3A_570, %swap3A_571] {strides = array<i32>} : memref<16x768xf32, #tpu.memory_space<vmem>>, vector<1x16xf32>,
        %swap3A_573 = vector.shape_cast %swap3A_572 : vector<1x16xf32> to vector<16xf32>
        %swap3A_574 = vector.shape_cast %get3A_569 : vector<16xf32> to vector<1x16xf32>
        tpu.vector_store %arg10[%swap3A_570, %swap3A_571], %swap3A_574 {add = true, strides = array<i32>} : memref<16x768xf32, #tpu.memory_space<vmem>>, vector<1x16xf32>,
        %get3A_575 = arith.index_cast %scan3A_206 : i32 to index
        %get3A_576 = arith.constant 656 : index
        %get3A_577 = tpu.vector_load %arg14[%get3A_575, %get3A_576] {strides = array<i32>} : memref<16x768xf32, #tpu.memory_space<vmem>>, vector<1x16xf32>,
        %get3A_578 = vector.shape_cast %get3A_577 : vector<1x16xf32> to vector<16xf32>
        %swap3A_579 = arith.index_cast %scan3A_206 : i32 to index
        %swap3A_580 = arith.constant 656 : index
        %swap3A_581 = tpu.vector_load %arg10[%swap3A_579, %swap3A_580] {strides = array<i32>} : memref<16x768xf32, #tpu.memory_space<vmem>>, vector<1x16xf32>,
        %swap3A_582 = vector.shape_cast %swap3A_581 : vector<1x16xf32> to vector<16xf32>
        %swap3A_583 = vector.shape_cast %get3A_578 : vector<16xf32> to vector<1x16xf32>
        tpu.vector_store %arg10[%swap3A_579, %swap3A_580], %swap3A_583 {add = true, strides = array<i32>} : memref<16x768xf32, #tpu.memory_space<vmem>>, vector<1x16xf32>,
        %get3A_584 = arith.index_cast %scan3A_206 : i32 to index
        %get3A_585 = arith.constant 672 : index
        %get3A_586 = tpu.vector_load %arg14[%get3A_584, %get3A_585] {strides = array<i32>} : memref<16x768xf32, #tpu.memory_space<vmem>>, vector<1x16xf32>,
        %get3A_587 = vector.shape_cast %get3A_586 : vector<1x16xf32> to vector<16xf32>
        %swap3A_588 = arith.index_cast %scan3A_206 : i32 to index
        %swap3A_589 = arith.constant 672 : index
        %swap3A_590 = tpu.vector_load %arg10[%swap3A_588, %swap3A_589] {strides = array<i32>} : memref<16x768xf32, #tpu.memory_space<vmem>>, vector<1x16xf32>,
        %swap3A_591 = vector.shape_cast %swap3A_590 : vector<1x16xf32> to vector<16xf32>
        %swap3A_592 = vector.shape_cast %get3A_587 : vector<16xf32> to vector<1x16xf32>
        tpu.vector_store %arg10[%swap3A_588, %swap3A_589], %swap3A_592 {add = true, strides = array<i32>} : memref<16x768xf32, #tpu.memory_space<vmem>>, vector<1x16xf32>,
        %get3A_593 = arith.index_cast %scan3A_206 : i32 to index
        %get3A_594 = arith.constant 688 : index
        %get3A_595 = tpu.vector_load %arg14[%get3A_593, %get3A_594] {strides = array<i32>} : memref<16x768xf32, #tpu.memory_space<vmem>>, vector<1x16xf32>,
        %get3A_596 = vector.shape_cast %get3A_595 : vector<1x16xf32> to vector<16xf32>
        %swap3A_597 = arith.index_cast %scan3A_206 : i32 to index
        %swap3A_598 = arith.constant 688 : index
        %swap3A_599 = tpu.vector_load %arg10[%swap3A_597, %swap3A_598] {strides = array<i32>} : memref<16x768xf32, #tpu.memory_space<vmem>>, vector<1x16xf32>,
        %swap3A_600 = vector.shape_cast %swap3A_599 : vector<1x16xf32> to vector<16xf32>
        %swap3A_601 = vector.shape_cast %get3A_596 : vector<16xf32> to vector<1x16xf32>
        tpu.vector_store %arg10[%swap3A_597, %swap3A_598], %swap3A_601 {add = true, strides = array<i32>} : memref<16x768xf32, #tpu.memory_space<vmem>>, vector<1x16xf32>,
        %get3A_602 = arith.index_cast %scan3A_206 : i32 to index
        %get3A_603 = arith.constant 704 : index
        %get3A_604 = tpu.vector_load %arg14[%get3A_602, %get3A_603] {strides = array<i32>} : memref<16x768xf32, #tpu.memory_space<vmem>>, vector<1x16xf32>,
        %get3A_605 = vector.shape_cast %get3A_604 : vector<1x16xf32> to vector<16xf32>
        %swap3A_606 = arith.index_cast %scan3A_206 : i32 to index
        %swap3A_607 = arith.constant 704 : index
        %swap3A_608 = tpu.vector_load %arg10[%swap3A_606, %swap3A_607] {strides = array<i32>} : memref<16x768xf32, #tpu.memory_space<vmem>>, vector<1x16xf32>,
        %swap3A_609 = vector.shape_cast %swap3A_608 : vector<1x16xf32> to vector<16xf32>
        %swap3A_610 = vector.shape_cast %get3A_605 : vector<16xf32> to vector<1x16xf32>
        tpu.vector_store %arg10[%swap3A_606, %swap3A_607], %swap3A_610 {add = true, strides = array<i32>} : memref<16x768xf32, #tpu.memory_space<vmem>>, vector<1x16xf32>,
        %get3A_611 = arith.index_cast %scan3A_206 : i32 to index
        %get3A_612 = arith.constant 720 : index
        %get3A_613 = tpu.vector_load %arg14[%get3A_611, %get3A_612] {strides = array<i32>} : memref<16x768xf32, #tpu.memory_space<vmem>>, vector<1x16xf32>,
        %get3A_614 = vector.shape_cast %get3A_613 : vector<1x16xf32> to vector<16xf32>
        %swap3A_615 = arith.index_cast %scan3A_206 : i32 to index
        %swap3A_616 = arith.constant 720 : index
        %swap3A_617 = tpu.vector_load %arg10[%swap3A_615, %swap3A_616] {strides = array<i32>} : memref<16x768xf32, #tpu.memory_space<vmem>>, vector<1x16xf32>,
        %swap3A_618 = vector.shape_cast %swap3A_617 : vector<1x16xf32> to vector<16xf32>
        %swap3A_619 = vector.shape_cast %get3A_614 : vector<16xf32> to vector<1x16xf32>
        tpu.vector_store %arg10[%swap3A_615, %swap3A_616], %swap3A_619 {add = true, strides = array<i32>} : memref<16x768xf32, #tpu.memory_space<vmem>>, vector<1x16xf32>,
        %get3A_620 = arith.index_cast %scan3A_206 : i32 to index
        %get3A_621 = arith.constant 736 : index
        %get3A_622 = tpu.vector_load %arg14[%get3A_620, %get3A_621] {strides = array<i32>} : memref<16x768xf32, #tpu.memory_space<vmem>>, vector<1x16xf32>,
        %get3A_623 = vector.shape_cast %get3A_622 : vector<1x16xf32> to vector<16xf32>
        %swap3A_624 = arith.index_cast %scan3A_206 : i32 to index
        %swap3A_625 = arith.constant 736 : index
        %swap3A_626 = tpu.vector_load %arg10[%swap3A_624, %swap3A_625] {strides = array<i32>} : memref<16x768xf32, #tpu.memory_space<vmem>>, vector<1x16xf32>,
        %swap3A_627 = vector.shape_cast %swap3A_626 : vector<1x16xf32> to vector<16xf32>
        %swap3A_628 = vector.shape_cast %get3A_623 : vector<16xf32> to vector<1x16xf32>
        tpu.vector_store %arg10[%swap3A_624, %swap3A_625], %swap3A_628 {add = true, strides = array<i32>} : memref<16x768xf32, #tpu.memory_space<vmem>>, vector<1x16xf32>,
        %get3A_629 = arith.index_cast %scan3A_206 : i32 to index
        %get3A_630 = arith.constant 752 : index
        %get3A_631 = tpu.vector_load %arg14[%get3A_629, %get3A_630] {strides = array<i32>} : memref<16x768xf32, #tpu.memory_space<vmem>>, vector<1x16xf32>,
        %get3A_632 = vector.shape_cast %get3A_631 : vector<1x16xf32> to vector<16xf32>
        %swap3A_633 = arith.index_cast %scan3A_206 : i32 to index
        %swap3A_634 = arith.constant 752 : index
        %swap3A_635 = tpu.vector_load %arg10[%swap3A_633, %swap3A_634] {strides = array<i32>} : memref<16x768xf32, #tpu.memory_space<vmem>>, vector<1x16xf32>,
        %swap3A_636 = vector.shape_cast %swap3A_635 : vector<1x16xf32> to vector<16xf32>
        %swap3A_637 = vector.shape_cast %get3A_632 : vector<16xf32> to vector<1x16xf32>
        tpu.vector_store %arg10[%swap3A_633, %swap3A_634], %swap3A_637 {add = true, strides = array<i32>} : memref<16x768xf32, #tpu.memory_space<vmem>>, vector<1x16xf32>,
        %scan3A_638 = arith.constant 0 : i32
        scf.yield %scan3A_638 : i32
      }
      %scan3A_197 = arith.constant 16 : i32
      %mul3A_198 = arith.constant 16 : i32
      %mul3A_199 = arith.muli %add3A_165, %mul3A_198 : i32
      %add3A_200 = arith.addi %mul3A_2, %mul3A_199 : i32
      %dma_start3A_201 = arith.constant 0 : i32
      %dma_start3A_202 = tpu.memref_slice %arg5[%add3A_200, %dma_start3A_201] : memref<32768x768xf32, #tpu.memory_space<hbm>> -> memref<16x768xf32, #tpu.memory_space<hbm>>
      %dma_start3A_203 = arith.constant 0 : i32
      %dma_start3A_204 = tpu.memref_slice %arg5[%add3A_200, %dma_start3A_203] : memref<32768x768xf32, #tpu.memory_space<hbm>> -> memref<16x768xf32, #tpu.memory_space<hbm>>
      tpu.enqueue_dma source(%arg10 : memref<16x768xf32, #tpu.memory_space<vmem>>) target(%dma_start3A_204 : memref<16x768xf32, #tpu.memory_space<hbm>>) target_semaphore(%arg26 : memref<!tpu.dma_semaphore, #tpu.memory_space<semaphore_mem>>)
      %scan3A_205 = arith.constant 0 : i32
      scf.yield %scan3A_205 : i32
    }
    %scan3A_29 = arith.constant 16 : i32
    %add3A_30 = arith.constant 992 : i32
    %add3A_31 = arith.addi %mul3A_2, %add3A_30 : i32
    %dma_wait3A = arith.constant 0 : i32
    %dma_wait3A_32 = tpu.memref_slice %arg5[%add3A_31, %dma_wait3A] : memref<32768x768xf32, #tpu.memory_space<hbm>> -> memref<16x768xf32, #tpu.memory_space<hbm>>
    %dma_wait3A_33 = arith.constant 0 : i32
    %dma_wait3A_34 = tpu.memref_slice %arg5[%add3A_31, %dma_wait3A_33] : memref<32768x768xf32, #tpu.memory_space<hbm>> -> memref<16x768xf32, #tpu.memory_space<hbm>>
    tpu.wait_dma2 semaphore(%arg25 : memref<!tpu.dma_semaphore, #tpu.memory_space<semaphore_mem>>) src(%arg9 : memref<16x768xf32, #tpu.memory_space<vmem>>) dst(%dma_wait3A_34 : memref<16x768xf32, #tpu.memory_space<hbm>>)
    %add3A_35 = arith.constant 1008 : i32
    %add3A_36 = arith.addi %mul3A_2, %add3A_35 : i32
    %dma_wait3A_37 = arith.constant 0 : i32
    %dma_wait3A_38 = tpu.memref_slice %arg5[%add3A_36, %dma_wait3A_37] : memref<32768x768xf32, #tpu.memory_space<hbm>> -> memref<16x768xf32, #tpu.memory_space<hbm>>
    %dma_wait3A_39 = arith.constant 0 : i32
    %dma_wait3A_40 = tpu.memref_slice %arg5[%add3A_36, %dma_wait3A_39] : memref<32768x768xf32, #tpu.memory_space<hbm>> -> memref<16x768xf32, #tpu.memory_space<hbm>>
    tpu.wait_dma2 semaphore(%arg26 : memref<!tpu.dma_semaphore, #tpu.memory_space<semaphore_mem>>) src(%arg10 : memref<16x768xf32, #tpu.memory_space<vmem>>) dst(%dma_wait3A_40 : memref<16x768xf32, #tpu.memory_space<hbm>>)
    return
  }
}

</mosaic_0001>

<sc_bundles>
// kernel: kernel.3.cloned.1.call-start
scs
__scs_entry_jumppad:
0x0: {  	(pc) =	sbr.rel $0x88, $3  }
0x1: {  	(tag) =	ssettag $0x0;
	lr =	simm.s32 $0x1  }
0x2: {  	[smem:$0x3F9E] =	sst lr;
	_ =	strace $0xD0000000  }
0x3: {  	_ = 	snop  }
0x4: {  	_ = 	snop  }
0x5: {  	_ = 	snop  }
0x6: {  	_ = 	snop  }
0x7: {  	_ = 	snop  }
__scs_overlays_trampoline_lowered:
0x8: {  	[smem:$0x3FAD] =	sst s0  }
0x9: {  	[smem:$0x3FAE] =	sst s1  }
0xa: {  	[smem:$0x3FAF] =	sst s2  }
0xb: {  	[smem:$0x3FB0] =	sst s3  }
0xc: {  	[smem:$0x3FB1] =	sst s4  }
0xd: {  	[smem:$0x3FB2] =	sst s5  }
0xe: {  	[smem:$0x3FB3] =	sst s6  }
0xf: {  	[smem:$0x3FB4] =	sst s7  }
0x10: {  	[smem:$0x3FB5] =	sst s8  }
0x11: {  	[smem:$0x3FB6] =	sst s9;
	s0 =	simm.s32 @!p0 $0x0  }
0x12: {  	s1 =	sld [smem:$0x3F9C];
	s0 =	simm.s32 @p0 $0x1  }
0x13: {  	[smem:$0x3FB7] =	sst s0;
	s0 =	simm.s32 @!p1 $0x0  }
0x14: {  	s2 =	sld [smem:$0x3F9B];
	s0 =	simm.s32 @p1 $0x1  }
0x15: {  	[smem:$0x3FB8] =	sst s0;
	s0 =	simm.s32 @!p2 $0x0  }
0x16: {  	s3 =	sld [smem:$0x3FDB];
	s0 =	simm.s32 @p2 $0x1  }
0x17: {  	s4 =	simm.s32 $0x1BF5;
	[smem:$0x3FBA] =	sst s0  }
0x18: {  	s0 =	sld [smem:$0x3F9D];
	_ =	swait.ge [sflag:s4], $0x0  }
0x19: {  	s7 =	sld [smem:$0x3F9E]  }
0x1a: {  	s8 =	sadd.s32 $0xFFFFE003, lr  }
0x1b: {  	s9 =	sadd.s32 $0xFFFFFEF7, lr;
	s5 =	simm.s32 $0xFFFFFFFF;
	p2 =	slt.u32 s8, $0xFFFFF086  }
0x1c: {  	p1 =	slt.u32 s9, $0xF7A;
	s5 =	simm.s32 @!p2 $0x0  }
0x1d: {  	s5 =	simm.s32 @p1 $0x1;
	p0 =	seq.s32 s7, s2  }
0x1e: {  	s7 =	smul.u32 @!p0 $0xF7A, s2;
	p2 =	seq.s32 @!p0 s5, $0x0  }
0x1f: {  	s9 =	smul.u32 $0xF7A, s1;
	s8 =	simm.s32 @!p0 $0x1BF5;
	p2 =	por !p2, p0  }
0x20: {  	[sflag:s8] =	ssyncset.s32 @!p0 $0xFFFFF086;
	s6 =	sadd.s32 @!p0 s3, s7;
	s7 =	simm.s32 @!p0 $0x108  }
0x21: {  	s3 =	sadd.s32 s3, s9;
	s6 =	sadd.s32 @!p0 $0x88, s6;
	s7 =	simm.s32 @p2 $0x1082  }
0x22: {  	[simem:s7], [sflag:s8] =	dma.local @!p0 [hbm:s6], $0xF7A  }
0x23: {  	s9 =	sor.u32 $0xD0000000, s2;
	s6 =	simm.s32 $0x108;
	_ =	swait.ge @!p0 [sflag:s8], $0x0  }
0x24: {  	s3 =	sadd.s32 $0x88, s3;
	s6 =	simm.s32 @!p1 $0x1082;
	[sflag:s4] =	ssyncset.s32 $0xFFFFF086  }
0x25: {  	[simem:s6], [sflag:s4] =	dma.local [hbm:s3], $0xF7A  }
0x26: {  	[smem:$0x3F9E] =	sst s1;
	(tag) =	ssettag s2;
	_ =	strace s9  }
0x27: {  	s1 =	sld [smem:$0x3FAE]  }
0x28: {  	s2 =	sld [smem:$0x3FAF]  }
0x29: {  	s4 =	sld [smem:$0x3FB1]  }
0x2a: {  	p0 =	seq.s32 s5, $0x0;
	s5 =	sld [smem:$0x3FB2]  }
0x2b: {  	s6 =	sld [smem:$0x3FB3]  }
0x2c: {  	s7 =	sld [smem:$0x3FB4]  }
0x2d: {  	s3 =	simm.s32 $0x108;
	s8 =	sld [smem:$0x3FB5]  }
0x2e: {  	s3 =	simm.s32 @!p0 $0x1082;
	s9 =	sld [smem:$0x3FB6]  }
0x2f: {  	lr =	sadd.s32 s0, s3;
	s0 =	sld [smem:$0x3FAD]  }
0x30: {  	s3 =	sld [smem:$0x3FB0]  }
0x31: {  	[smem:$0x3FB9] =	sst s10  }
0x32: {  	s10 =	sld [smem:$0x3FB7];
	_ =	sdelay $0x3  }
0x33: {  	p0 =	seq.s32 s10, $0x1;
	s10 =	sld [smem:$0x3FB9];
	_ =	sdelay $0x3  }
0x34: {  	[smem:$0x3FB9] =	sst s10  }
0x35: {  	s10 =	sld [smem:$0x3FB8];
	_ =	sdelay $0x3  }
0x36: {  	p1 =	seq.s32 s10, $0x1;
	s10 =	sld [smem:$0x3FB9];
	_ =	sdelay $0x3  }
0x37: {  	[smem:$0x3FB9] =	sst s10  }
0x38: {  	s10 =	sld [smem:$0x3FBA]  }
0x39: {  	_ = 	snop;
	(pc) =	sbr.ind lr, $3  }
0x3a: {  	_ = 	snop  }
0x3b: {  	_ = 	snop  }
0x3c: {  	p2 =	seq.s32 s10, $0x1;
	s10 =	sld [smem:$0x3FB9]  }
0x3d: {  	_ =	shalt  }
0x3e: {  	_ =	shalt  }
0x3f: {  	_ =	shalt  }
0x40: {  	_ =	shalt  }
0x41: {  	_ =	shalt  }
0x42: {  	_ =	shalt  }
0x43: {  	_ =	shalt  }
0x44: {  	_ =	shalt  }
0x45: {  	_ =	shalt  }
0x46: {  	_ =	shalt  }
0x47: {  	_ =	shalt  }
0x48: {  	_ =	shalt  }
0x49: {  	_ =	shalt  }
0x4a: {  	_ =	shalt  }
0x4b: {  	_ =	shalt  }
0x4c: {  	_ =	shalt  }
0x4d: {  	_ =	shalt  }
0x4e: {  	_ =	shalt  }
0x4f: {  	_ =	shalt  }
0x50: {  	_ =	shalt  }
0x51: {  	_ =	shalt  }
0x52: {  	_ =	shalt  }
0x53: {  	_ =	shalt  }
0x54: {  	_ =	shalt  }
0x55: {  	_ =	shalt  }
0x56: {  	_ =	shalt  }
0x57: {  	_ =	shalt  }
0x58: {  	_ =	shalt  }
0x59: {  	_ =	shalt  }
0x5a: {  	_ =	shalt  }
0x5b: {  	_ =	shalt  }
0x5c: {  	_ =	shalt  }
0x5d: {  	_ =	shalt  }
0x5e: {  	_ =	shalt  }
0x5f: {  	_ =	shalt  }
0x60: {  	_ =	shalt  }
0x61: {  	_ =	shalt  }
0x62: {  	_ =	shalt  }
0x63: {  	_ =	shalt  }
0x64: {  	_ =	shalt  }
0x65: {  	_ =	shalt  }
0x66: {  	_ =	shalt  }
0x67: {  	_ =	shalt  }
0x68: {  	_ =	shalt  }
0x69: {  	_ =	shalt  }
0x6a: {  	_ =	shalt  }
0x6b: {  	_ =	shalt  }
0x6c: {  	_ =	shalt  }
0x6d: {  	_ =	shalt  }
0x6e: {  	_ =	shalt  }
0x6f: {  	_ =	shalt  }
0x70: {  	_ =	shalt  }
0x71: {  	_ =	shalt  }
0x72: {  	_ =	shalt  }
0x73: {  	_ =	shalt  }
0x74: {  	_ =	shalt  }
0x75: {  	_ =	shalt  }
0x76: {  	_ =	shalt  }
0x77: {  	_ =	shalt  }
0x78: {  	_ =	shalt  }
0x79: {  	_ =	shalt  }
0x7a: {  	_ =	shalt  }
0x7b: {  	_ =	shalt  }
0x7c: {  	_ =	shalt  }
0x7d: {  	_ =	shalt  }
0x7e: {  	_ =	shalt  }
0x7f: {  	_ =	shalt  }
0x80: {  	_ =	shalt  }
0x81: {  	_ =	shalt  }
0x82: {  	_ =	shalt  }
0x83: {  	_ =	shalt  }
0x84: {  	_ =	shalt  }
0x85: {  	_ =	shalt  }
0x86: {  	_ =	shalt  }
0x87: {  	_ =	shalt  }
.Lfunc_end0:
.L_simem_size_0:
called_computation_lowered:
.L_overlay_start_0:
0x88: {  	s2 =	sld [smem:$0x3FD9]  }
0x89: {  	s3 =	sld [smem:$0x3FFE];
	_ =	sdelay $0x1  }
0x8a: {  	s1 =	srdreg.scid  }
0x8b: {  	s0 =	sand.u32 $0x1, s1  }
0x8c: {  	s17 =	sshll.u32 s0, $0xA;
	s2 =	sadd.s32 s3, s2  }
0x8d: {  	s2 =	sadd.s32 s2, s17  }
0x8e: {  	[smem:$0x3FC5] =	sst s2  }
0x8f: {  	_ = 	snop  }
0x90: {  	s2 =	sld [smem:$0x3FC9]  }
0x91: {  	s18 =	sld [smem:$0x3FC7]  }
0x92: {  	s4 =	sld [smem:$0x3FD0];
	(tm) =	ssettm $0x1  }
0x93: {  	s5 =	sld [smem:$0x3FFB];
	_ =	sdelay $0x3  }
0x94: {  	_ =	strace s5  }
0x95: {  	s5 =	sld [smem:$0x3FFC];
	_ =	sdelay $0x3  }
0x96: {  	_ =	strace s5  }
0x97: {  	s5 =	sld [smem:$0x3FFD];
	_ =	sdelay $0x3  }
0x98: {  	_ =	strace s5  }
0x99: {  	_ =	strace $0x8FFFFFFF  }
0x9a: {  	s19 =	sld [smem:$0x3FDB];
	_ =	sdelay $0x1  }
0x9b: {  	s6 =	simm.s32 $_scs_section_size  }
0x9c: {  	s7 =	simm.s32 $_size__tile_overlayer_lowered;
	s8 =	simm.s32 $_tile_overlayer_lowered  }
0x9d: {  	s22 =	simm.s32 $0x1BFF;
	s21 =	sshll.u32 s8, $0x1;
	s5 =	sadd.s32 s6, s19  }
0x9e: {  	s9 =	simm.s32 $0x0;
	s20 =	sshll.u32 s7, $0x1;
	s7 =	sadd.s32 s21, s5  }
0x9f: {  	[timem:s9], [sflag:s22] =	dma.local [hbm:s7], s20  }
0xa0: {  	_ =	swait.ge [sflag:s22], s20  }
0xa1: {  	s6 =	ssub.s32 $0x0, s20;
	[sflag:s22] =	ssyncset.done $0x0  }
0xa2: {  	[sflag:s22] =	ssyncadd.s32 s6;
	_ =	sdelay $0x1  }
0xa3: {  	s23 =	simm.s32 $0x1B8B  }
0xa4: {  	_ =	swait.ge [sflag:s23], $0x1  }
0xa5: {  	[sflag:s23] =	ssyncset.done $0x0  }
0xa6: {  	s25 =	simm.s32 $0x1B8E;
	s24 =	sld [smem:$0x3FFE];
	[sflag:s23] =	ssyncadd.s32 $0xFFFFFFFF  }
0xa7: {  	s26 =	simm.s32 $execute0_lowered;
	[smem:$0x3FD2] =	sst s25  }
0xa8: {  	s7 =	sshll.u32 s26, $0x1;
	_ =	strace $0x80000046;
	[dreg:$0x1] =	wrdreg $0xFFFFFFFF  }
0xa9: {  	s28 =	simm.s32 $_size_execute0_lowered;
	s5 =	sadd.s32 s5, s7;
	[dreg:$0x0] =	wrdreg $0x0  }
0xaa: {  	s7 =	sshll.u32 s28, $0x1;
	[dreg:$0x2] =	wrdreg s5  }
0xab: {  	[dreg:$0x3] =	wrdreg s7  }
0xac: {  	[dreg:$0x4] =	wrdreg $0xC0  }
0xad: {  	_ =	task [dreg:s9], $0x5FFFF  }
0xae: {  	[dreg:$0x1] =	wrdreg $0xFFFFFFFF  }
0xaf: {  	[dreg:$0x0] =	wrdreg $0x60  }
0xb0: {  	[dreg:$0x2] =	wrdreg s2  }
0xb1: {  	[dreg:$0x3] =	wrdreg s24  }
0xb2: {  	[dreg:$0x4] =	wrdreg s18  }
0xb3: {  	[dreg:$0x5] =	wrdreg s4  }
0xb4: {  	[dreg:$0x6] =	wrdreg $0x9  }
0xb5: {  	_ =	task.clear_ibuf [dreg:s9], $0x7FFFF;
	_ =	strace $0x90000046  }
0xb6: {  	s29 =	simm.s32 $0x9;
	_ =	strace $0x80000048  }
0xb7: {  	_ =	swait.ge [sflag:s29], $0x1  }
0xb8: {  	[sflag:s29] =	ssyncadd.s32 $0xFFFFFFFF  }
0xb9: {  	_ =	strace $0x90000048  }
0xba: {  	_ =	sfence  }
0xbb: {  	s30 =	sld [smem:$0x0];
	_ =	sdelay $0x2  }
0xbc: {  	s31 =	sshll.u32 s1, $0xD;
	s1 =	sshrl.u32 s1, $0x2  }
0xbd: {  	s3 =	sand.u32 $0x4000, s31;
	s1 =	sadd.s32 s1, s30  }
0xbe: {  	s0 =	sor.u32 s3, s0;
	s1 =	sshll.u32 s1, $0x11  }
0xbf: {  	s0 =	sor.u32 s1, s0  }
0xc0: {  	s0 =	sadd.s32 $0x8F2B, s0  }
0xc1: {  	[sflag:s0] =	ssyncadd.remote.s32 $0x1  }
0xc2: {  	_ =	sfence.sel $0xFFFF  }
0xc3: {  	[dreg:$0x0] =	wrdreg $0xFFFFFFFF;
	(pc) =	sbr.abs _section_cstart, $3  }
0xc4: {  	[dreg:$0x1] =	wrdreg $0xFFFFFFFF  }
0xc5: {  	_ =	task.clear_ibuf [dreg:s9], $0x2FFFF;
	_ =	strace $0x9FFFFFFF  }
0xc6: {  	(tm) =	ssettm $0x7FFFFFFF  }
0xc7: {  	_ =	shalt  }
tec
execute0_lowered:
.L_overlay_start_1:
0x0: {  	(tag) =	ssettag $0x1  }
0x1: {  	s1 =	rddreg [dreg:$0x0]  }
0x2: {  	s0 =	rddreg [dreg:$0x1];
	s2 =	srdreg.scid  }
0x3: {  	s3 =	rddreg [dreg:$0x2];
	s5 =	stileid.u32  }
0x4: {  	s4 =	rddreg [dreg:$0x3];
	s14 =	simm.s32 $0x400;
	s21 =	simm.s32 $0x3400  }
0x5: {  	s29 =	simm.s32 $0x1;
	s30 =	simm.s32 $0x5;
	s31 =	simm.s32 $0x6400  }
0x6: {  	s19 =	simm.s32 $0x2;
	s20 =	simm.s32 $0x6;
	s22 =	simm.s32 $0x9400  }
0x7: {  	s11 =	simm.s32 $0x3;
	s12 =	simm.s32 $0x7;
	s13 =	simm.s32 $0x4  }
0x8: {  	s16 =	simm.s32 $0x0;
	s2 =	sand.u32 $0x1, s2;
	s5 =	sshll.u32 s5, $0xB  }
0x9: {  	s10 =	sadd.s32 $0x200, s3;
	s6 =	sshll.u32 s2, $0xA;
	s2 =	ssub.s32 $0x2, s2  }
0xa: {  	s5 =	sor.u32 s6, s5;
	s6 =	simm.s32 $0x0;
	s8 =	sshrl.u32 s2, $0x1  }
0xb: {  	s7 =	sshrl.u32 s5, $0x3;
	[smem:$0x7FF] =	sst s6;
	s2 =	ssub.s32 s2, s8  }
0xc: {  	s9 =	smul.u32 $0x300, s7;
	s0 =	sadd.s32 s7, s0;
	s28 =	smax.u32 s2, $0x1  }
0xd: {  	_ =	strace $0x80000047;
	s0 =	sadd.s32 $0x400, s0;
	[dreg:$0x8] =	wrdreg s28  }
0xe: {  	v2 =	vlaneseq.u32;
	s8 =	simm.s32 $0x9;
	[dreg:$0x5] =	wrdreg s0;
	s26 =	sadd.s32 s1, s9  }
0xf: {  	vm0 =	vmmov $0xffff;
	v1 =	vshrl.u32 v2, $0x3;
	s2 =	simm.s32 $0x8;
	[dreg:$0x6] =	wrdreg s26;
	s0 =	sadd.s32 $0x600, s26  }
0x10: {  	v0 =	vand.u32 $0x7, v2;
	v2 =	vor.u32 $0x8, v2;
	v1 =	vmul.u32 $0x8, v1;
	s9 =	sadd.s32 $0x100, s3;
	[dreg:$0x7] =	wrdreg s0;
	s0 =	simm.s32 $0xA  }
.LBB2_1:
0x11: {  	[dreg:$0x9] =	wrdreg s16  }
0x12: {  	s7 =	rddreg [dreg:$0x5];
	s18 =	simm.s32 $0xD  }
0x13: {  	[tilespmem:s6], [sflag:$0xD] =	stream.linear.gather [hbm4b:s7+s6], $0x400, $0x38;
	[tilespmem:$0x18400] =	vst v63  }
0x14: {  	_ =	swait.ge [sflag:s18], $0x400  }
0x15: {  	[sflag:s18] =	ssyncset.done $0x0  }
0x16: {  	s23 =	rddreg [dreg:$0x6];
	[sflag:s18] =	ssyncadd.s32 $0xFFFFFC00  }
0x17: {  	[tilespmem:s14], [sflag:$0x1] =	stream.linear.gather [hbm4b:s23+s6], $0x3000, $0x38;
	[tilespmem:$0x18400] =	vst v63  }
0x18: {  	v3 =	vld [tilespmem:$0x0];
	_ =	sdelay $0x4  }
0x19: {  	v4 =	vshrl.u32 v3, $0x3  }
0x1a: {  	v4 =	vmul.u32 $0x30, v4  }
0x1b: {  	v3 =	vand.u32 $0x7, v3  }
0x1c: {  	v3 =	vor.u32 v3, v4  }
0x1d: {  	v4 =	vperm.xlane v3, v0;
	_ =	sdelay $0x1  }
0x1e: {  	v4 =	vadd.s32 v1, v4;
	_ =	sdelay $0x3  }
0x1f: {  	s24 =	simm.s32 $0xC400;
	v3 =	vperm.xlane v3, v2  }
0x20: {  	[tilespmem:s24], [sflag:$0x5] =	stream.indirect_vreg.gather [hbm4b:s3+s6], $0x80, v4, vm0, $0xb8;
	[tilespmem:$0x18400] =	vst v63  }
0x21: {  	s25 =	simm.s32 $0xCC00;
	v3 =	vadd.s32 v1, v3  }
0x22: {  	[tilespmem:s25], [sflag:$0x5] =	stream.indirect_vreg.gather [hbm4b:s9+s6], $0x80, v4, vm0, $0xb8;
	[tilespmem:$0x18400] =	vst v63  }
0x23: {  	s26 =	simm.s32 $0xD400  }
0x24: {  	[tilespmem:s26], [sflag:$0x5] =	stream.indirect_vreg.gather [hbm4b:s10+s6], $0x80, v4, vm0, $0xb8;
	[tilespmem:$0x18400] =	vst v63  }
0x25: {  	s28 =	simm.s32 $0xDC00  }
0x26: {  	[tilespmem:s28], [sflag:$0x5] =	stream.indirect_vreg.gather [hbm4b:s3+s6], $0x80, v3, vm0, $0xb8;
	[tilespmem:$0x18400] =	vst v63  }
0x27: {  	s15 =	simm.s32 $0xE400  }
0x28: {  	[tilespmem:s15], [sflag:$0x5] =	stream.indirect_vreg.gather [hbm4b:s9+s6], $0x80, v3, vm0, $0xb8;
	[tilespmem:$0x18400] =	vst v63  }
0x29: {  	s16 =	simm.s32 $0xEC00  }
0x2a: {  	[tilespmem:s16], [sflag:$0x5] =	stream.indirect_vreg.gather [hbm4b:s10+s6], $0x80, v3, vm0, $0xb8;
	[tilespmem:$0x18400] =	vst v63  }
0x2b: {  	s17 =	rddreg [dreg:$0x7]  }
0x2c: {  	[tilespmem:s21], [sflag:$0x2] =	stream.linear.gather [hbm4b:s17+s6], $0x3000, $0x38;
	[tilespmem:$0x18400] =	vst v63  }
0x2d: {  	v3 =	vld [tilespmem:$0x10];
	_ =	sdelay $0x4  }
0x2e: {  	v63 =	vshrl.u32 v3, $0x3  }
0x2f: {  	v4 =	vmul.u32 $0x30, v63  }
0x30: {  	v3 =	vand.u32 $0x7, v3  }
0x31: {  	v3 =	vor.u32 v3, v4  }
0x32: {  	v4 =	vperm.xlane v3, v0;
	_ =	sdelay $0x1  }
0x33: {  	v4 =	vadd.s32 v1, v4;
	_ =	sdelay $0x3  }
0x34: {  	s18 =	simm.s32 $0xF400;
	v3 =	vperm.xlane v3, v2  }
0x35: {  	[tilespmem:s18], [sflag:$0x6] =	stream.indirect_vreg.gather [hbm4b:s3+s6], $0x80, v4, vm0, $0xb8;
	[tilespmem:$0x18400] =	vst v63  }
0x36: {  	s23 =	simm.s32 $0xFC00;
	v3 =	vadd.s32 v1, v3  }
0x37: {  	[tilespmem:s23], [sflag:$0x6] =	stream.indirect_vreg.gather [hbm4b:s9+s6], $0x80, v4, vm0, $0xb8;
	[tilespmem:$0x18400] =	vst v63  }
0x38: {  	s24 =	simm.s32 $0x10400  }
0x39: {  	[tilespmem:s24], [sflag:$0x6] =	stream.indirect_vreg.gather [hbm4b:s10+s6], $0x80, v4, vm0, $0xb8;
	[tilespmem:$0x18400] =	vst v63  }
0x3a: {  	s25 =	simm.s32 $0x10C00  }
0x3b: {  	[tilespmem:s25], [sflag:$0x6] =	stream.indirect_vreg.gather [hbm4b:s3+s6], $0x80, v3, vm0, $0xb8;
	[tilespmem:$0x18400] =	vst v63  }
0x3c: {  	s26 =	simm.s32 $0x11400  }
0x3d: {  	[tilespmem:s26], [sflag:$0x6] =	stream.indirect_vreg.gather [hbm4b:s9+s6], $0x80, v3, vm0, $0xb8;
	[tilespmem:$0x18400] =	vst v63  }
0x3e: {  	s28 =	simm.s32 $0x11C00;
	s15 =	simm.s32 $0x0  }
0x3f: {  	[tilespmem:s28], [sflag:$0x6] =	stream.indirect_vreg.gather [hbm4b:s10+s6], $0x80, v3, vm0, $0xb8;
	[tilespmem:$0x18400] =	vst v63  }
.LBB2_2:
0x40: {  	_ =	swait.ge [sflag:s29], $0x3000  }
0x41: {  	[sflag:s29] =	ssyncset.done $0x0  }
0x42: {  	s17 =	sshll.u32 s15, $0x6;
	[sflag:s29] =	ssyncadd.s32 $0xFFFFD000  }
0x43: {  	s23 =	sor.u32 $0x20, s17;
	_ =	swait.ge [sflag:s30], $0x3000  }
0x44: {  	p0 =	seq.s32 s15, $0x0;
	s16 =	sor.u32 s5, s23;
	[sflag:s30] =	ssyncset.done $0x0  }
0x45: {  	s24 =	simm.s32 @!p0 $0xB;
	s16 =	sshrl.u32 s16, $0x3;
	[sflag:s30] =	ssyncadd.s32 $0xFFFFD000  }
0x46: {  	s18 =	smul.u32 $0x300, s16;
	_ =	swait.ge @!p0 [sflag:s24], $0x3000  }
0x47: {  	[sflag:s24] =	ssyncset.done @!p0 $0x0  }
0x48: {  	s16 =	simm.s32 $0x0;
	s7 =	sadd.s32 s1, s18;
	[sflag:s24] =	ssyncadd.s32 @!p0 $0xFFFFD000  }
0x49: {  	[tilespmem:s31], [sflag:$0x3] =	stream.linear.gather [hbm4b:s7+s16], $0x3000, $0x38;
	[tilespmem:$0x18400] =	vst v63  }
0x4a: {  	v3 =	vld [tilespmem:s23+$0x0];
	_ =	sdelay $0x4  }
0x4b: {  	v4 =	vshrl.u32 v3, $0x3  }
0x4c: {  	v4 =	vmul.u32 $0x30, v4  }
0x4d: {  	v3 =	vand.u32 $0x7, v3  }
0x4e: {  	v3 =	vor.u32 v3, v4  }
0x4f: {  	v4 =	vperm.xlane v3, v0;
	_ =	sdelay $0x1  }
0x50: {  	v4 =	vadd.s32 v1, v4;
	_ =	sdelay $0x3  }
0x51: {  	s7 =	simm.s32 $0x12400;
	v3 =	vperm.xlane v3, v2  }
0x52: {  	[tilespmem:s7], [sflag:$0x7] =	stream.indirect_vreg.gather [hbm4b:s3+s16], $0x80, v4, vm0, $0xb8;
	[tilespmem:$0x18400] =	vst v63  }
0x53: {  	s23 =	simm.s32 $0x12C00;
	v3 =	vadd.s32 v1, v3  }
0x54: {  	[tilespmem:s23], [sflag:$0x7] =	stream.indirect_vreg.gather [hbm4b:s9+s16], $0x80, v4, vm0, $0xb8;
	[tilespmem:$0x18400] =	vst v63  }
0x55: {  	s24 =	simm.s32 $0x13400  }
0x56: {  	[tilespmem:s24], [sflag:$0x7] =	stream.indirect_vreg.gather [hbm4b:s10+s16], $0x80, v4, vm0, $0xb8;
	[tilespmem:$0x18400] =	vst v63  }
0x57: {  	s25 =	simm.s32 $0x13C00  }
0x58: {  	[tilespmem:s25], [sflag:$0x7] =	stream.indirect_vreg.gather [hbm4b:s3+s16], $0x80, v3, vm0, $0xb8;
	[tilespmem:$0x18400] =	vst v63  }
0x59: {  	s26 =	simm.s32 $0x14400  }
0x5a: {  	[tilespmem:s26], [sflag:$0x7] =	stream.indirect_vreg.gather [hbm4b:s9+s16], $0x80, v3, vm0, $0xb8;
	[tilespmem:$0x18400] =	vst v63  }
0x5b: {  	s28 =	simm.s32 $0x14C00;
	s23 =	sor.u32 s5, s17;
	s24 =	simm.s32 $0x0  }
0x5c: {  	[tilespmem:s28], [sflag:$0x7] =	stream.indirect_vreg.gather [hbm4b:s10+s16], $0x80, v3, vm0, $0xb8;
	[tilespmem:$0x18400] =	vst v63  }
.LBB2_3:
0x5d: {  	s25 =	sshrl.u32 s24, $0x3  }
0x5e: {  	s25 =	smul.u32 $0x1800, s25  }
0x5f: {  	s26 =	sand.u32 $0x380, s16  }
0x60: {  	s25 =	sor.u32 s26, s25  }
0x61: {  	v3 =	vld [tilespmem:s25+$0xC400];
	_ =	sdelay $0x3  }
0x62: {  	s26 =	sor.u32 $0x400, s25  }
0x63: {  	[tilespmem:s26+$0x0] =	vst.add.f32.msk $0xffff, v3  }
0x64: {  	v3 =	vld [tilespmem:s25+$0xC410];
	_ =	sdelay $0x3  }
0x65: {  	s28 =	sor.u32 $0x410, s25  }
0x66: {  	[tilespmem:s28+$0x0] =	vst.add.f32.msk $0xffff, v3  }
0x67: {  	v3 =	vld [tilespmem:s25+$0xC420];
	_ =	sdelay $0x3  }
0x68: {  	s7 =	sor.u32 $0x420, s25  }
0x69: {  	[tilespmem:s7+$0x0] =	vst.add.f32.msk $0xffff, v3  }
0x6a: {  	v3 =	vld [tilespmem:s25+$0xC430];
	_ =	sdelay $0x3  }
0x6b: {  	s28 =	sor.u32 $0x430, s25  }
0x6c: {  	[tilespmem:s28+$0x0] =	vst.add.f32.msk $0xffff, v3  }
0x6d: {  	v3 =	vld [tilespmem:s25+$0xC440];
	_ =	sdelay $0x3  }
0x6e: {  	s7 =	sor.u32 $0x440, s25  }
0x6f: {  	[tilespmem:s7+$0x0] =	vst.add.f32.msk $0xffff, v3  }
0x70: {  	v3 =	vld [tilespmem:s25+$0xC450];
	_ =	sdelay $0x3  }
0x71: {  	s28 =	sor.u32 $0x450, s25  }
0x72: {  	[tilespmem:s28+$0x0] =	vst.add.f32.msk $0xffff, v3  }
0x73: {  	v3 =	vld [tilespmem:s25+$0xC460];
	_ =	sdelay $0x3  }
0x74: {  	s7 =	sor.u32 $0x460, s25  }
0x75: {  	[tilespmem:s7+$0x0] =	vst.add.f32.msk $0xffff, v3  }
0x76: {  	v3 =	vld [tilespmem:s25+$0xC470];
	_ =	sdelay $0x3  }
0x77: {  	s28 =	sor.u32 $0x470, s25  }
0x78: {  	[tilespmem:s28+$0x0] =	vst.add.f32.msk $0xffff, v3  }
0x79: {  	v3 =	vld [tilespmem:s25+$0xC800]  }
0x7a: {  	v4 =	vld [tilespmem:s25+$0xC810]  }
0x7b: {  	v5 =	vld [tilespmem:s25+$0xC820]  }
0x7c: {  	v6 =	vld [tilespmem:s25+$0xC830]  }
0x7d: {  	v7 =	vld [tilespmem:s25+$0xC840]  }
0x7e: {  	v36 =	vld [tilespmem:s25+$0xC860]  }
0x7f: {  	v37 =	vld [tilespmem:s25+$0xC870]  }
0x80: {  	v38 =	vld [tilespmem:s25+$0xCC00]  }
0x81: {  	v39 =	vld [tilespmem:s25+$0xCC10]  }
0x82: {  	v40 =	vld [tilespmem:s25+$0xCC30]  }
0x83: {  	v41 =	vld [tilespmem:s25+$0xCC40]  }
0x84: {  	v42 =	vld [tilespmem:s25+$0xCC50]  }
0x85: {  	v43 =	vld [tilespmem:s25+$0xCC60]  }
0x86: {  	v44 =	vld [tilespmem:s25+$0xD000]  }
0x87: {  	v45 =	vld [tilespmem:s25+$0xD010]  }
0x88: {  	v46 =	vld [tilespmem:s25+$0xD020]  }
0x89: {  	v47 =	vld [tilespmem:s25+$0xD030]  }
0x8a: {  	v48 =	vld [tilespmem:s25+$0xD050]  }
0x8b: {  	v49 =	vld [tilespmem:s25+$0xD060]  }
0x8c: {  	v50 =	vld [tilespmem:s25+$0xD070]  }
0x8d: {  	v51 =	vld [tilespmem:s25+$0xD400]  }
0x8e: {  	v52 =	vld [tilespmem:s25+$0xD420]  }
0x8f: {  	v53 =	vld [tilespmem:s25+$0xD430]  }
0x90: {  	v54 =	vld [tilespmem:s25+$0xD440]  }
0x91: {  	v55 =	vld [tilespmem:s25+$0xD450]  }
0x92: {  	v56 =	vld [tilespmem:s25+$0xD470]  }
0x93: {  	v57 =	vld [tilespmem:s25+$0xD800]  }
0x94: {  	v58 =	vld [tilespmem:s25+$0xD810]  }
0x95: {  	v59 =	vld [tilespmem:s25+$0xD820]  }
0x96: {  	v60 =	vld [tilespmem:s25+$0xD840]  }
0x97: {  	v61 =	vld [tilespmem:s25+$0xD850]  }
0x98: {  	v62 =	vld [tilespmem:s25+$0xD860]  }
0x99: {  	v63 =	vld [tilespmem:s25+$0xD870]  }
0x9a: {  	[tilespmem:s25+$0x800] =	vst.add.f32.msk $0xffff, v3  }
0x9b: {  	[tilespmem:s25+$0x810] =	vst.add.f32.msk $0xffff, v4  }
0x9c: {  	[tilespmem:s25+$0x820] =	vst.add.f32.msk $0xffff, v5  }
0x9d: {  	[tilespmem:s25+$0x830] =	vst.add.f32.msk $0xffff, v6  }
0x9e: {  	[tilespmem:s25+$0x840] =	vst.add.f32.msk $0xffff, v7  }
0x9f: {  	v3 =	vld [tilespmem:s25+$0xC850]  }
0xa0: {  	[tilespmem:s25+$0x860] =	vst.add.f32.msk $0xffff, v36  }
0xa1: {  	[tilespmem:s25+$0x870] =	vst.add.f32.msk $0xffff, v37  }
0xa2: {  	[tilespmem:s25+$0xC00] =	vst.add.f32.msk $0xffff, v38  }
0xa3: {  	[tilespmem:s25+$0xC10] =	vst.add.f32.msk $0xffff, v39  }
0xa4: {  	[tilespmem:s25+$0x850] =	vst.add.f32.msk $0xffff, v3  }
0xa5: {  	v3 =	vld [tilespmem:s25+$0xCC20]  }
0xa6: {  	[tilespmem:s25+$0xC30] =	vst.add.f32.msk $0xffff, v40  }
0xa7: {  	[tilespmem:s25+$0xC40] =	vst.add.f32.msk $0xffff, v41  }
0xa8: {  	[tilespmem:s25+$0xC50] =	vst.add.f32.msk $0xffff, v42  }
0xa9: {  	[tilespmem:s25+$0xC60] =	vst.add.f32.msk $0xffff, v43  }
0xaa: {  	[tilespmem:s25+$0xC20] =	vst.add.f32.msk $0xffff, v3  }
0xab: {  	v3 =	vld [tilespmem:s25+$0xCC70]  }
0xac: {  	[tilespmem:s25+$0x1000] =	vst.add.f32.msk $0xffff, v44  }
0xad: {  	[tilespmem:s25+$0x1010] =	vst.add.f32.msk $0xffff, v45  }
0xae: {  	[tilespmem:s25+$0x1020] =	vst.add.f32.msk $0xffff, v46  }
0xaf: {  	[tilespmem:s25+$0x1030] =	vst.add.f32.msk $0xffff, v47  }
0xb0: {  	[tilespmem:s25+$0xC70] =	vst.add.f32.msk $0xffff, v3  }
0xb1: {  	v3 =	vld [tilespmem:s25+$0xD040]  }
0xb2: {  	[tilespmem:s25+$0x1050] =	vst.add.f32.msk $0xffff, v48  }
0xb3: {  	[tilespmem:s25+$0x1060] =	vst.add.f32.msk $0xffff, v49  }
0xb4: {  	[tilespmem:s25+$0x1070] =	vst.add.f32.msk $0xffff, v50  }
0xb5: {  	[tilespmem:s25+$0x1400] =	vst.add.f32.msk $0xffff, v51  }
0xb6: {  	[tilespmem:s25+$0x1040] =	vst.add.f32.msk $0xffff, v3  }
0xb7: {  	v3 =	vld [tilespmem:s25+$0xD410]  }
0xb8: {  	[tilespmem:s25+$0x1420] =	vst.add.f32.msk $0xffff, v52  }
0xb9: {  	[tilespmem:s25+$0x1430] =	vst.add.f32.msk $0xffff, v53  }
0xba: {  	[tilespmem:s25+$0x1440] =	vst.add.f32.msk $0xffff, v54  }
0xbb: {  	[tilespmem:s25+$0x1450] =	vst.add.f32.msk $0xffff, v55  }
0xbc: {  	[tilespmem:s25+$0x1410] =	vst.add.f32.msk $0xffff, v3  }
0xbd: {  	v3 =	vld [tilespmem:s25+$0xD460]  }
0xbe: {  	[tilespmem:s25+$0x1470] =	vst.add.f32.msk $0xffff, v56  }
0xbf: {  	[tilespmem:s25+$0x1800] =	vst.add.f32.msk $0xffff, v57  }
0xc0: {  	[tilespmem:s25+$0x1810] =	vst.add.f32.msk $0xffff, v58  }
0xc1: {  	[tilespmem:s25+$0x1820] =	vst.add.f32.msk $0xffff, v59  }
0xc2: {  	[tilespmem:s25+$0x1460] =	vst.add.f32.msk $0xffff, v3  }
0xc3: {  	p1 =	sne.s32 s24, $0xF;
	v3 =	vld [tilespmem:s25+$0xD830]  }
.Ltmp0:
0xc4: {  	[tilespmem:s25+$0x1840] =	vst.add.f32.msk $0xffff, v60;
	(pc) =	sbr.rel @p1 .LBB2_3-.Ltmp0, $4  }
0xc5: {  	[tilespmem:s25+$0x1850] =	vst.add.f32.msk $0xffff, v61  }
0xc6: {  	[tilespmem:s25+$0x1860] =	vst.add.f32.msk $0xffff, v62  }
0xc7: {  	[tilespmem:s25+$0x1870] =	vst.add.f32.msk $0xffff, v63  }
0xc8: {  	s16 =	sadd.s32 $0x80, s16;
	s24 =	sadd.s32 $0x1, s24;
	[tilespmem:s25+$0x1830] =	vst.add.f32.msk $0xffff, v3  }
0xc9: {  	s16 =	sshrl.u32 s23, $0x3  }
0xca: {  	s23 =	smul.u32 $0x300, s16;
	_ =	sdelay $0x1  }
0xcb: {  	s16 =	sadd.s32 s4, s23  }
0xcc: {  	[hbm4b:s16+s6] =	stream.linear.scatter [tilespmem:s14], [sflag:$0x9], $0x3000, $0x38;
	[tilespmem:$0x18400] =	vst v63  }
0xcd: {  	_ =	swait.ge [sflag:s19], $0x3000  }
0xce: {  	[sflag:s19] =	ssyncset.done $0x0  }
0xcf: {  	[sflag:s19] =	ssyncadd.s32 $0xFFFFD000  }
0xd0: {  	s25 =	sor.u32 $0x30, s17;
	_ =	swait.ge [sflag:s20], $0x3000  }
0xd1: {  	s7 =	sor.u32 s5, s25;
	[sflag:s20] =	ssyncset.done $0x0  }
0xd2: {  	s24 =	simm.s32 @!p0 $0xC;
	s16 =	sshrl.u32 s7, $0x3;
	[sflag:s20] =	ssyncadd.s32 $0xFFFFD000  }
0xd3: {  	s16 =	smul.u32 $0x300, s16;
	_ =	swait.ge @!p0 [sflag:s24], $0x3000  }
0xd4: {  	[sflag:s24] =	ssyncset.done @!p0 $0x0  }
0xd5: {  	s26 =	sadd.s32 s1, s16;
	[sflag:s24] =	ssyncadd.s32 @!p0 $0xFFFFD000;
	s24 =	simm.s32 $0x0  }
0xd6: {  	[tilespmem:s22], [sflag:$0x4] =	stream.linear.gather [hbm4b:s26+s24], $0x3000, $0x38;
	[tilespmem:$0x18400] =	vst v63  }
0xd7: {  	v3 =	vld [tilespmem:s25+$0x0];
	_ =	sdelay $0x4  }
0xd8: {  	v4 =	vshrl.u32 v3, $0x3  }
0xd9: {  	v4 =	vmul.u32 $0x30, v4  }
0xda: {  	v3 =	vand.u32 $0x7, v3  }
0xdb: {  	v3 =	vor.u32 v3, v4  }
0xdc: {  	v4 =	vperm.xlane v3, v0;
	_ =	sdelay $0x1  }
0xdd: {  	v4 =	vadd.s32 v1, v4;
	_ =	sdelay $0x3  }
0xde: {  	s7 =	simm.s32 $0x15400;
	v3 =	vperm.xlane v3, v2  }
0xdf: {  	[tilespmem:s7], [sflag:$0x8] =	stream.indirect_vreg.gather [hbm4b:s3+s24], $0x80, v4, vm0, $0xb8;
	[tilespmem:$0x18400] =	vst v63  }
0xe0: {  	s25 =	simm.s32 $0x15C00;
	v3 =	vadd.s32 v1, v3  }
0xe1: {  	[tilespmem:s25], [sflag:$0x8] =	stream.indirect_vreg.gather [hbm4b:s9+s24], $0x80, v4, vm0, $0xb8;
	[tilespmem:$0x18400] =	vst v63  }
0xe2: {  	s26 =	simm.s32 $0x16400  }
0xe3: {  	[tilespmem:s26], [sflag:$0x8] =	stream.indirect_vreg.gather [hbm4b:s10+s24], $0x80, v4, vm0, $0xb8;
	[tilespmem:$0x18400] =	vst v63  }
0xe4: {  	s25 =	simm.s32 $0x16C00  }
0xe5: {  	[tilespmem:s25], [sflag:$0x8] =	stream.indirect_vreg.gather [hbm4b:s3+s24], $0x80, v3, vm0, $0xb8;
	[tilespmem:$0x18400] =	vst v63  }
0xe6: {  	s26 =	simm.s32 $0x17400  }
0xe7: {  	[tilespmem:s26], [sflag:$0x8] =	stream.indirect_vreg.gather [hbm4b:s9+s24], $0x80, v3, vm0, $0xb8;
	[tilespmem:$0x18400] =	vst v63  }
0xe8: {  	s25 =	simm.s32 $0x17C00;
	s26 =	simm.s32 $0x0  }
0xe9: {  	[tilespmem:s25], [sflag:$0x8] =	stream.indirect_vreg.gather [hbm4b:s10+s24], $0x80, v3, vm0, $0xb8;
	[tilespmem:$0x18400] =	vst v63  }
0xea: {  	s25 =	smul.u32 $0x1800, s26  }
0xeb: {  	s7 =	sand.u32 $0x380, s24  }
0xec: {  	s25 =	sor.u32 s7, s25  }
0xed: {  	v3 =	vld [tilespmem:s25+$0xFC70]  }
0xee: {  	v4 =	vld [tilespmem:s25+$0xFC50]  }
0xef: {  	v5 =	vld [tilespmem:s25+$0xFC30]  }
0xf0: {  	v6 =	vld [tilespmem:s25+$0xFC10]  }
0xf1: {  	v7 =	vld [tilespmem:s25+$0xF870]  }
0xf2: {  	v8 =	vld [tilespmem:s25+$0xFC60]  }
0xf3: {  	v9 =	vld [tilespmem:s25+$0xFC20]  }
0xf4: {  	v59 =	vld [tilespmem:s25+$0xF400]  }
0xf5: {  	v60 =	vld [tilespmem:s25+$0xF830]  }
0xf6: {  	v61 =	vld [tilespmem:s25+$0xF840]  }
0xf7: {  	v62 =	vld [tilespmem:s25+$0xF820]  }
0xf8: {  	v10 =	vld [tilespmem:s25+$0xF440]  }
0xf9: {  	v63 =	vld [tilespmem:s25+$0xF470]  }
0xfa: {  	v11 =	vld [tilespmem:s25+$0xF450]  }
0xfb: {  	v12 =	vld [tilespmem:s25+$0xF800]  }
0xfc: {  	v13 =	vld [tilespmem:s25+$0xF430]  }
0xfd: {  	v14 =	vld [tilespmem:s25+$0xF420]  }
0xfe: {  	[tilespmem:s25+$0x3C70] =	vst.add.f32.msk $0xffff, v3  }
0xff: {  	v3 =	vld [tilespmem:s25+$0xFC40]  }
0x100: {  	[tilespmem:s25+$0x3C50] =	vst.add.f32.msk $0xffff, v4  }
0x101: {  	[tilespmem:s25+$0x3C30] =	vst.add.f32.msk $0xffff, v5  }
0x102: {  	[tilespmem:s25+$0x3C10] =	vst.add.f32.msk $0xffff, v6  }
0x103: {  	v4 =	vld [tilespmem:s25+$0xFC00]  }
0x104: {  	[tilespmem:s25+$0x3870] =	vst.add.f32.msk $0xffff, v7  }
0x105: {  	v5 =	vld [tilespmem:s25+$0xF850]  }
0x106: {  	[tilespmem:s25+$0x3C60] =	vst.add.f32.msk $0xffff, v8  }
0x107: {  	[tilespmem:s25+$0x3C20] =	vst.add.f32.msk $0xffff, v9  }
0x108: {  	[tilespmem:s25+$0x3830] =	vst.add.f32.msk $0xffff, v60  }
0x109: {  	[tilespmem:s25+$0x3840] =	vst.add.f32.msk $0xffff, v61  }
0x10a: {  	[tilespmem:s25+$0x3820] =	vst.add.f32.msk $0xffff, v62  }
0x10b: {  	[tilespmem:s25+$0x3440] =	vst.add.f32.msk $0xffff, v10  }
0x10c: {  	[tilespmem:s25+$0x3800] =	vst.add.f32.msk $0xffff, v12  }
0x10d: {  	[tilespmem:s25+$0x3450] =	vst.add.f32.msk $0xffff, v11  }
0x10e: {  	[tilespmem:s25+$0x3470] =	vst.add.f32.msk $0xffff, v63  }
0x10f: {  	[tilespmem:s25+$0x3420] =	vst.add.f32.msk $0xffff, v14  }
0x110: {  	[tilespmem:s25+$0x3C40] =	vst.add.f32.msk $0xffff, v3  }
0x111: {  	v3 =	vld [tilespmem:s25+$0xF860]  }
0x112: {  	[tilespmem:s25+$0x3C00] =	vst.add.f32.msk $0xffff, v4  }
0x113: {  	v4 =	vld [tilespmem:s25+$0xF810]  }
0x114: {  	[tilespmem:s25+$0x3850] =	vst.add.f32.msk $0xffff, v5  }
0x115: {  	v5 =	vld [tilespmem:s25+$0xF410]  }
0x116: {  	[tilespmem:s25+$0x3860] =	vst.add.f32.msk $0xffff, v3  }
0x117: {  	v3 =	vld [tilespmem:s25+$0xF460]  }
0x118: {  	[tilespmem:s25+$0x3430] =	vst.add.f32.msk $0xffff, v13  }
0x119: {  	[tilespmem:s25+$0x3400] =	vst.add.f32.msk $0xffff, v59  }
0x11a: {  	[tilespmem:s25+$0x3810] =	vst.add.f32.msk $0xffff, v4  }
0x11b: {  	[tilespmem:s25+$0x3410] =	vst.add.f32.msk $0xffff, v5  }
0x11c: {  	s26 =	sadd.s32 $0xC00, s25;
	[tilespmem:s25+$0x3460] =	vst.add.f32.msk $0xffff, v3  }
0x11d: {  	v3 =	vld [tilespmem:s26+$0xF400];
	_ =	sdelay $0x4  }
0x11e: {  	[tilespmem:s25+$0x4000] =	vst.add.f32.msk $0xffff, v3  }
0x11f: {  	v3 =	vld [tilespmem:s26+$0xF410];
	_ =	sdelay $0x4  }
0x120: {  	[tilespmem:s25+$0x4010] =	vst.add.f32.msk $0xffff, v3  }
0x121: {  	v3 =	vld [tilespmem:s26+$0xF420];
	_ =	sdelay $0x4  }
0x122: {  	[tilespmem:s25+$0x4020] =	vst.add.f32.msk $0xffff, v3  }
0x123: {  	v3 =	vld [tilespmem:s26+$0xF430];
	_ =	sdelay $0x4  }
0x124: {  	[tilespmem:s25+$0x4030] =	vst.add.f32.msk $0xffff, v3  }
0x125: {  	v3 =	vld [tilespmem:s26+$0xF440];
	_ =	sdelay $0x4  }
0x126: {  	[tilespmem:s25+$0x4040] =	vst.add.f32.msk $0xffff, v3  }
0x127: {  	v3 =	vld [tilespmem:s26+$0xF450];
	_ =	sdelay $0x4  }
0x128: {  	[tilespmem:s25+$0x4050] =	vst.add.f32.msk $0xffff, v3  }
0x129: {  	v3 =	vld [tilespmem:s26+$0xF460];
	_ =	sdelay $0x4  }
0x12a: {  	[tilespmem:s25+$0x4060] =	vst.add.f32.msk $0xffff, v3  }
0x12b: {  	v3 =	vld [tilespmem:s26+$0xF470];
	_ =	sdelay $0x4  }
0x12c: {  	s7 =	sadd.s32 $0x1000, s25;
	[tilespmem:s25+$0x4070] =	vst.add.f32.msk $0xffff, v3  }
0x12d: {  	v3 =	vld [tilespmem:s7+$0xF400];
	_ =	sdelay $0x4  }
0x12e: {  	[tilespmem:s25+$0x4400] =	vst.add.f32.msk $0xffff, v3  }
0x12f: {  	v3 =	vld [tilespmem:s7+$0xF410];
	_ =	sdelay $0x4  }
0x130: {  	[tilespmem:s25+$0x4410] =	vst.add.f32.msk $0xffff, v3  }
0x131: {  	v3 =	vld [tilespmem:s7+$0xF420];
	_ =	sdelay $0x4  }
0x132: {  	[tilespmem:s25+$0x4420] =	vst.add.f32.msk $0xffff, v3  }
0x133: {  	v3 =	vld [tilespmem:s7+$0xF430];
	_ =	sdelay $0x4  }
0x134: {  	[tilespmem:s25+$0x4430] =	vst.add.f32.msk $0xffff, v3  }
0x135: {  	v3 =	vld [tilespmem:s7+$0xF440];
	_ =	sdelay $0x4  }
0x136: {  	[tilespmem:s25+$0x4440] =	vst.add.f32.msk $0xffff, v3  }
0x137: {  	v3 =	vld [tilespmem:s7+$0xF450];
	_ =	sdelay $0x4  }
0x138: {  	[tilespmem:s25+$0x4450] =	vst.add.f32.msk $0xffff, v3  }
0x139: {  	v3 =	vld [tilespmem:s7+$0xF460];
	_ =	sdelay $0x4  }
0x13a: {  	[tilespmem:s25+$0x4460] =	vst.add.f32.msk $0xffff, v3  }
0x13b: {  	v3 =	vld [tilespmem:s7+$0xF470];
	_ =	sdelay $0x4  }
0x13c: {  	s28 =	sadd.s32 $0x1400, s25;
	[tilespmem:s25+$0x4470] =	vst.add.f32.msk $0xffff, v3  }
0x13d: {  	s26 =	simm.s32 $0x1;
	v3 =	vld [tilespmem:s28+$0xF400]  }
.LBB2_5:
0x13e: {  	_ =	sdelay $0x2  }
0x13f: {  	p0 =	sne.s32 s26, $0xF  }
0x140: {  	s24 =	sadd.s32 $0x80, s24;
	s7 =	smov.u32 s26;
	s26 =	sadd.s32 $0x1, s26;
	[tilespmem:s25+$0x4800] =	vst.add.f32.msk $0xffff, v3  }
0x141: {  	v3 =	vld [tilespmem:s28+$0xF410];
	_ =	sdelay $0x4  }
0x142: {  	[tilespmem:s25+$0x4810] =	vst.add.f32.msk $0xffff, v3  }
0x143: {  	v3 =	vld [tilespmem:s28+$0xF420];
	_ =	sdelay $0x4  }
0x144: {  	[tilespmem:s25+$0x4820] =	vst.add.f32.msk $0xffff, v3  }
0x145: {  	v3 =	vld [tilespmem:s28+$0xF430];
	_ =	sdelay $0x4  }
0x146: {  	[tilespmem:s25+$0x4830] =	vst.add.f32.msk $0xffff, v3  }
0x147: {  	v3 =	vld [tilespmem:s28+$0xF440];
	_ =	sdelay $0x4  }
0x148: {  	[tilespmem:s25+$0x4840] =	vst.add.f32.msk $0xffff, v3  }
0x149: {  	v3 =	vld [tilespmem:s28+$0xF450];
	_ =	sdelay $0x4  }
0x14a: {  	[tilespmem:s25+$0x4850] =	vst.add.f32.msk $0xffff, v3  }
0x14b: {  	v3 =	vld [tilespmem:s28+$0xF460];
	_ =	sdelay $0x4  }
0x14c: {  	[tilespmem:s25+$0x4860] =	vst.add.f32.msk $0xffff, v3  }
0x14d: {  	v3 =	vld [tilespmem:s28+$0xF470];
	_ =	sdelay $0x1  }
0x14e: {  	s7 =	sshrl.u32 s7, $0x3  }
0x14f: {  	s7 =	smul.u32 $0x1800, s7  }
0x150: {  	s28 =	sand.u32 $0x380, s24  }
0x151: {  	[tilespmem:s25+$0x4870] =	vst.add.f32.msk $0xffff, v3;
	s25 =	sor.u32 s28, s7  }
0x152: {  	v3 =	vld [tilespmem:s25+$0xFC70]  }
0x153: {  	v4 =	vld [tilespmem:s25+$0xFC50]  }
0x154: {  	v5 =	vld [tilespmem:s25+$0xFC30]  }
0x155: {  	v6 =	vld [tilespmem:s25+$0xFC10]  }
0x156: {  	v7 =	vld [tilespmem:s25+$0xF870]  }
0x157: {  	v8 =	vld [tilespmem:s25+$0xFC60]  }
0x158: {  	[tilespmem:s25+$0x3C70] =	vst.add.f32.msk $0xffff, v3  }
0x159: {  	v3 =	vld [tilespmem:s25+$0xFC40]  }
0x15a: {  	v9 =	vld [tilespmem:s25+$0xFC20]  }
0x15b: {  	[tilespmem:s25+$0x3C50] =	vst.add.f32.msk $0xffff, v4  }
0x15c: {  	[tilespmem:s25+$0x3C30] =	vst.add.f32.msk $0xffff, v5  }
0x15d: {  	[tilespmem:s25+$0x3C10] =	vst.add.f32.msk $0xffff, v6  }
0x15e: {  	v4 =	vld [tilespmem:s25+$0xFC00]  }
0x15f: {  	[tilespmem:s25+$0x3870] =	vst.add.f32.msk $0xffff, v7  }
0x160: {  	v5 =	vld [tilespmem:s25+$0xF850]  }
0x161: {  	v6 =	vld [tilespmem:s25+$0xF400]  }
0x162: {  	[tilespmem:s25+$0x3C60] =	vst.add.f32.msk $0xffff, v8  }
0x163: {  	v7 =	vld [tilespmem:s25+$0xF830]  }
0x164: {  	[tilespmem:s25+$0x3C40] =	vst.add.f32.msk $0xffff, v3  }
0x165: {  	v3 =	vld [tilespmem:s25+$0xF860]  }
0x166: {  	[tilespmem:s25+$0x3C20] =	vst.add.f32.msk $0xffff, v9  }
0x167: {  	v8 =	vld [tilespmem:s25+$0xF840]  }
0x168: {  	[tilespmem:s25+$0x3C00] =	vst.add.f32.msk $0xffff, v4  }
0x169: {  	v4 =	vld [tilespmem:s25+$0xF810]  }
0x16a: {  	[tilespmem:s25+$0x3850] =	vst.add.f32.msk $0xffff, v5  }
0x16b: {  	v5 =	vld [tilespmem:s25+$0xF410]  }
0x16c: {  	v9 =	vld [tilespmem:s25+$0xF820]  }
0x16d: {  	v10 =	vld [tilespmem:s25+$0xF440]  }
0x16e: {  	[tilespmem:s25+$0x3830] =	vst.add.f32.msk $0xffff, v7  }
0x16f: {  	v7 =	vld [tilespmem:s25+$0xF470]  }
0x170: {  	[tilespmem:s25+$0x3860] =	vst.add.f32.msk $0xffff, v3  }
0x171: {  	v3 =	vld [tilespmem:s25+$0xF460]  }
0x172: {  	v11 =	vld [tilespmem:s25+$0xF450]  }
0x173: {  	v12 =	vld [tilespmem:s25+$0xF800]  }
0x174: {  	v13 =	vld [tilespmem:s25+$0xF430]  }
0x175: {  	v14 =	vld [tilespmem:s25+$0xF420]  }
0x176: {  	[tilespmem:s25+$0x3840] =	vst.add.f32.msk $0xffff, v8  }
0x177: {  	[tilespmem:s25+$0x3820] =	vst.add.f32.msk $0xffff, v9  }
0x178: {  	[tilespmem:s25+$0x3440] =	vst.add.f32.msk $0xffff, v10  }
0x179: {  	[tilespmem:s25+$0x3810] =	vst.add.f32.msk $0xffff, v4  }
0x17a: {  	[tilespmem:s25+$0x3800] =	vst.add.f32.msk $0xffff, v12  }
0x17b: {  	[tilespmem:s25+$0x3450] =	vst.add.f32.msk $0xffff, v11  }
0x17c: {  	[tilespmem:s25+$0x3470] =	vst.add.f32.msk $0xffff, v7  }
0x17d: {  	[tilespmem:s25+$0x3420] =	vst.add.f32.msk $0xffff, v14  }
0x17e: {  	[tilespmem:s25+$0x3430] =	vst.add.f32.msk $0xffff, v13  }
0x17f: {  	[tilespmem:s25+$0x3460] =	vst.add.f32.msk $0xffff, v3  }
0x180: {  	s7 =	sadd.s32 $0xC00, s25;
	[tilespmem:s25+$0x3410] =	vst.add.f32.msk $0xffff, v5  }
0x181: {  	[tilespmem:s25+$0x3400] =	vst.add.f32.msk $0xffff, v6  }
0x182: {  	v3 =	vld [tilespmem:s7+$0xF400];
	_ =	sdelay $0x4  }
0x183: {  	[tilespmem:s25+$0x4000] =	vst.add.f32.msk $0xffff, v3  }
0x184: {  	v3 =	vld [tilespmem:s7+$0xF410];
	_ =	sdelay $0x4  }
0x185: {  	[tilespmem:s25+$0x4010] =	vst.add.f32.msk $0xffff, v3  }
0x186: {  	v3 =	vld [tilespmem:s7+$0xF420];
	_ =	sdelay $0x4  }
0x187: {  	[tilespmem:s25+$0x4020] =	vst.add.f32.msk $0xffff, v3  }
0x188: {  	v3 =	vld [tilespmem:s7+$0xF430];
	_ =	sdelay $0x4  }
0x189: {  	[tilespmem:s25+$0x4030] =	vst.add.f32.msk $0xffff, v3  }
0x18a: {  	v3 =	vld [tilespmem:s7+$0xF440];
	_ =	sdelay $0x4  }
0x18b: {  	[tilespmem:s25+$0x4040] =	vst.add.f32.msk $0xffff, v3  }
0x18c: {  	v3 =	vld [tilespmem:s7+$0xF450];
	_ =	sdelay $0x4  }
0x18d: {  	[tilespmem:s25+$0x4050] =	vst.add.f32.msk $0xffff, v3  }
0x18e: {  	v3 =	vld [tilespmem:s7+$0xF460];
	_ =	sdelay $0x4  }
0x18f: {  	[tilespmem:s25+$0x4060] =	vst.add.f32.msk $0xffff, v3  }
0x190: {  	v3 =	vld [tilespmem:s7+$0xF470];
	_ =	sdelay $0x3  }
0x191: {  	s7 =	sadd.s32 $0x1000, s25  }
0x192: {  	[tilespmem:s25+$0x4070] =	vst.add.f32.msk $0xffff, v3  }
0x193: {  	v3 =	vld [tilespmem:s7+$0xF400];
	_ =	sdelay $0x4  }
0x194: {  	[tilespmem:s25+$0x4400] =	vst.add.f32.msk $0xffff, v3  }
0x195: {  	v3 =	vld [tilespmem:s7+$0xF410];
	_ =	sdelay $0x4  }
0x196: {  	[tilespmem:s25+$0x4410] =	vst.add.f32.msk $0xffff, v3  }
0x197: {  	v3 =	vld [tilespmem:s7+$0xF420];
	_ =	sdelay $0x4  }
0x198: {  	[tilespmem:s25+$0x4420] =	vst.add.f32.msk $0xffff, v3  }
0x199: {  	v3 =	vld [tilespmem:s7+$0xF430];
	_ =	sdelay $0x4  }
0x19a: {  	[tilespmem:s25+$0x4430] =	vst.add.f32.msk $0xffff, v3  }
0x19b: {  	v3 =	vld [tilespmem:s7+$0xF440];
	_ =	sdelay $0x4  }
0x19c: {  	[tilespmem:s25+$0x4440] =	vst.add.f32.msk $0xffff, v3  }
0x19d: {  	v3 =	vld [tilespmem:s7+$0xF450];
	_ =	sdelay $0x4  }
0x19e: {  	[tilespmem:s25+$0x4450] =	vst.add.f32.msk $0xffff, v3  }
0x19f: {  	v3 =	vld [tilespmem:s7+$0xF460];
	_ =	sdelay $0x4  }
0x1a0: {  	[tilespmem:s25+$0x4460] =	vst.add.f32.msk $0xffff, v3  }
0x1a1: {  	v3 =	vld [tilespmem:s7+$0xF470];
	_ =	sdelay $0x1  }
.Ltmp1:
0x1a2: {  	(pc) =	sbr.rel @p0 .LBB2_5-.Ltmp1, $4  }
0x1a3: {  	_ = 	snop  }
0x1a4: {  	s28 =	sadd.s32 $0x1400, s25  }
0x1a5: {  	[tilespmem:s25+$0x4470] =	vst.add.f32.msk $0xffff, v3  }
0x1a6: {  	v3 =	vld [tilespmem:s28+$0xF400]  }
0x1a7: {  	_ =	sdelay $0x3  }
0x1a8: {  	[tilespmem:s25+$0x4800] =	vst.add.f32.msk $0xffff, v3  }
0x1a9: {  	v3 =	vld [tilespmem:s28+$0xF410];
	_ =	sdelay $0x4  }
0x1aa: {  	[tilespmem:s25+$0x4810] =	vst.add.f32.msk $0xffff, v3  }
0x1ab: {  	v3 =	vld [tilespmem:s28+$0xF420];
	_ =	sdelay $0x4  }
0x1ac: {  	[tilespmem:s25+$0x4820] =	vst.add.f32.msk $0xffff, v3  }
0x1ad: {  	v3 =	vld [tilespmem:s28+$0xF430];
	_ =	sdelay $0x4  }
0x1ae: {  	[tilespmem:s25+$0x4830] =	vst.add.f32.msk $0xffff, v3  }
0x1af: {  	v3 =	vld [tilespmem:s28+$0xF440];
	_ =	sdelay $0x4  }
0x1b0: {  	[tilespmem:s25+$0x4840] =	vst.add.f32.msk $0xffff, v3  }
0x1b1: {  	v3 =	vld [tilespmem:s28+$0xF450];
	_ =	sdelay $0x4  }
0x1b2: {  	[tilespmem:s25+$0x4850] =	vst.add.f32.msk $0xffff, v3  }
0x1b3: {  	v3 =	vld [tilespmem:s28+$0xF460];
	_ =	sdelay $0x4  }
0x1b4: {  	[tilespmem:s25+$0x4860] =	vst.add.f32.msk $0xffff, v3  }
0x1b5: {  	v3 =	vld [tilespmem:s28+$0xF470];
	_ =	sdelay $0x3  }
0x1b6: {  	s7 =	sadd.s32 s23, s4  }
0x1b7: {  	s7 =	sadd.s32 $0x600, s7;
	[tilespmem:s25+$0x4870] =	vst.add.f32.msk $0xffff, v3  }
0x1b8: {  	[hbm4b:s7+s6] =	stream.linear.scatter [tilespmem:s21], [sflag:$0xA], $0x3000, $0x38;
	[tilespmem:$0x18400] =	vst v63  }
0x1b9: {  	_ =	swait.ge [sflag:s11], $0x3000  }
0x1ba: {  	[sflag:s11] =	ssyncset.done $0x0  }
0x1bb: {  	p0 =	seq.s32 s15, $0xF;
	[sflag:s11] =	ssyncadd.s32 $0xFFFFD000  }
0x1bc: {  	s7 =	sadd.s32 @!p0 $0x40, s17;
	_ =	swait.ge [sflag:s12], $0x3000  }
0x1bd: {  	s7 =	sadd.s32 @!p0 s5, s7;
	[sflag:s12] =	ssyncset.done $0x0  }
0x1be: {  	s7 =	sshrl.u32 @!p0 s7, $0x3;
	[sflag:s12] =	ssyncadd.s32 $0xFFFFD000  }
0x1bf: {  	s7 =	smul.u32 @!p0 $0x300, s7;
	_ =	swait.ge [sflag:s8], $0x3000  }
0x1c0: {  	s23 =	simm.s32 @!p0 $0x0;
	[sflag:s8] =	ssyncset.done $0x0  }
0x1c1: {  	s24 =	simm.s32 @!p0 $0x400;
	s7 =	sadd.s32 @!p0 s1, s7;
	[sflag:s8] =	ssyncadd.s32 $0xFFFFD000  }
0x1c2: {  	[tilespmem:s24], [sflag:$0x1] =	stream.linear.gather @!p0 [hbm4b:s7+s23], $0x3000, $0x38;
	[tilespmem:$0x18400] =	vst v63  }
0x1c3: {  	v3 =	vld @!p0 [tilespmem:s17+$0x40];
	_ =	sdelay $0x4  }
0x1c4: {  	v4 =	vshrl.u32 @!p0 v3, $0x3  }
0x1c5: {  	v4 =	vmul.u32 @!p0 $0x30, v4  }
0x1c6: {  	v5 =	vlaneseq.u32 @!p0;
	v3 =	vand.u32 @!p0 $0x7, v3  }
0x1c7: {  	v6 =	vshrl.u32 @!p0 v5, $0x3;
	v3 =	vor.u32 @!p0 v3, v4;
	v4 =	vand.u32 @!p0 $0x7, v5  }
0x1c8: {  	v6 =	vmul.u32 @!p0 $0x8, v6;
	v4 =	vperm.xlane @!p0 v3, v4;
	_ =	sdelay $0x1  }
0x1c9: {  	v4 =	vadd.s32 @!p0 v6, v4;
	_ =	sdelay $0x2  }
0x1ca: {  	v5 =	vor.u32 @!p0 $0x8, v5  }
0x1cb: {  	vm1 =	vmmov @!p0 $0xffff;
	s7 =	simm.s32 @!p0 $0xC400;
	v3 =	vperm.xlane @!p0 v3, v5  }
0x1cc: {  	[tilespmem:s7], [sflag:$0x5] =	stream.indirect_vreg.gather @!p0 [hbm4b:s3+s23], $0x80, v4, vm1, $0xb8;
	[tilespmem:$0x18400] =	vst v63  }
0x1cd: {  	v3 =	vadd.s32 @!p0 v6, v3;
	s7 =	simm.s32 @!p0 $0xCC00  }
0x1ce: {  	[tilespmem:s7], [sflag:$0x5] =	stream.indirect_vreg.gather @!p0 [hbm4b:s9+s23], $0x80, v4, vm1, $0xb8;
	[tilespmem:$0x18400] =	vst v63  }
0x1cf: {  	s7 =	simm.s32 @!p0 $0xD400  }
0x1d0: {  	[tilespmem:s7], [sflag:$0x5] =	stream.indirect_vreg.gather @!p0 [hbm4b:s10+s23], $0x80, v4, vm1, $0xb8;
	[tilespmem:$0x18400] =	vst v63  }
0x1d1: {  	s7 =	simm.s32 @!p0 $0xDC00  }
0x1d2: {  	[tilespmem:s7], [sflag:$0x5] =	stream.indirect_vreg.gather @!p0 [hbm4b:s3+s23], $0x80, v3, vm1, $0xb8;
	[tilespmem:$0x18400] =	vst v63  }
0x1d3: {  	s7 =	simm.s32 @!p0 $0xE400  }
0x1d4: {  	[tilespmem:s7], [sflag:$0x5] =	stream.indirect_vreg.gather @!p0 [hbm4b:s9+s23], $0x80, v3, vm1, $0xb8;
	[tilespmem:$0x18400] =	vst v63  }
0x1d5: {  	s26 =	simm.s32 $0x0;
	s7 =	simm.s32 @!p0 $0xEC00  }
0x1d6: {  	[tilespmem:s7], [sflag:$0x5] =	stream.indirect_vreg.gather @!p0 [hbm4b:s10+s23], $0x80, v3, vm1, $0xb8;
	[tilespmem:$0x18400] =	vst v63  }
0x1d7: {  	s24 =	simm.s32 $0x0;
	s7 =	smul.u32 $0x1800, s26  }
0x1d8: {  	s28 =	sand.u32 $0x380, s24  }
0x1d9: {  	s23 =	sor.u32 s28, s7  }
0x1da: {  	v3 =	vld [tilespmem:s23+$0x13870]  }
0x1db: {  	v6 =	vld [tilespmem:s23+$0x12400]  }
0x1dc: {  	v7 =	vld [tilespmem:s23+$0x12410]  }
0x1dd: {  	v8 =	vld [tilespmem:s23+$0x12420]  }
0x1de: {  	v9 =	vld [tilespmem:s23+$0x12430]  }
0x1df: {  	v10 =	vld [tilespmem:s23+$0x12440]  }
0x1e0: {  	v11 =	vld [tilespmem:s23+$0x12450]  }
0x1e1: {  	v12 =	vld [tilespmem:s23+$0x12460]  }
0x1e2: {  	v13 =	vld [tilespmem:s23+$0x12470]  }
0x1e3: {  	v14 =	vld [tilespmem:s23+$0x12800]  }
0x1e4: {  	v15 =	vld [tilespmem:s23+$0x12810]  }
0x1e5: {  	v16 =	vld [tilespmem:s23+$0x12820]  }
0x1e6: {  	v17 =	vld [tilespmem:s23+$0x12830]  }
0x1e7: {  	v18 =	vld [tilespmem:s23+$0x12840]  }
0x1e8: {  	v19 =	vld [tilespmem:s23+$0x12850]  }
0x1e9: {  	v20 =	vld [tilespmem:s23+$0x12860]  }
0x1ea: {  	v21 =	vld [tilespmem:s23+$0x12870]  }
0x1eb: {  	v22 =	vld [tilespmem:s23+$0x12C00]  }
0x1ec: {  	v23 =	vld [tilespmem:s23+$0x12C10]  }
0x1ed: {  	v24 =	vld [tilespmem:s23+$0x12C20]  }
0x1ee: {  	v25 =	vld [tilespmem:s23+$0x12C30]  }
0x1ef: {  	v26 =	vld [tilespmem:s23+$0x12C40]  }
0x1f0: {  	v27 =	vld [tilespmem:s23+$0x12C50]  }
0x1f1: {  	v28 =	vld [tilespmem:s23+$0x12C60]  }
0x1f2: {  	v29 =	vld [tilespmem:s23+$0x12C70]  }
0x1f3: {  	v30 =	vld [tilespmem:s23+$0x13000]  }
0x1f4: {  	v31 =	vld [tilespmem:s23+$0x13010]  }
0x1f5: {  	v32 =	vld [tilespmem:s23+$0x13020]  }
0x1f6: {  	v33 =	vld [tilespmem:s23+$0x13030]  }
0x1f7: {  	v34 =	vld [tilespmem:s23+$0x13040]  }
0x1f8: {  	v35 =	vld [tilespmem:s23+$0x13050]  }
0x1f9: {  	v36 =	vld [tilespmem:s23+$0x13060]  }
0x1fa: {  	v37 =	vld [tilespmem:s23+$0x13070]  }
0x1fb: {  	v38 =	vld [tilespmem:s23+$0x13400]  }
0x1fc: {  	v39 =	vld [tilespmem:s23+$0x13410]  }
0x1fd: {  	v40 =	vld [tilespmem:s23+$0x13420]  }
0x1fe: {  	v41 =	vld [tilespmem:s23+$0x13430]  }
0x1ff: {  	v42 =	vld [tilespmem:s23+$0x13440]  }
0x200: {  	v43 =	vld [tilespmem:s23+$0x13450]  }
0x201: {  	v44 =	vld [tilespmem:s23+$0x13460]  }
0x202: {  	v45 =	vld [tilespmem:s23+$0x13470]  }
0x203: {  	v46 =	vld [tilespmem:s23+$0x13800]  }
0x204: {  	v47 =	vld [tilespmem:s23+$0x13810]  }
0x205: {  	v48 =	vld [tilespmem:s23+$0x13820]  }
0x206: {  	v49 =	vld [tilespmem:s23+$0x13830]  }
0x207: {  	v5 =	vld [tilespmem:s23+$0x13840]  }
0x208: {  	v4 =	vld [tilespmem:s23+$0x13850]  }
0x209: {  	[tilespmem:s23+$0x7870] =	vst.add.f32.msk $0xffff, v3  }
0x20a: {  	v3 =	vld [tilespmem:s23+$0x13860]  }
0x20b: {  	[tilespmem:s23+$0x6400] =	vst.add.f32.msk $0xffff, v6  }
0x20c: {  	[tilespmem:s23+$0x6410] =	vst.add.f32.msk $0xffff, v7  }
0x20d: {  	[tilespmem:s23+$0x6420] =	vst.add.f32.msk $0xffff, v8  }
0x20e: {  	[tilespmem:s23+$0x6430] =	vst.add.f32.msk $0xffff, v9  }
0x20f: {  	[tilespmem:s23+$0x6440] =	vst.add.f32.msk $0xffff, v10  }
0x210: {  	[tilespmem:s23+$0x6450] =	vst.add.f32.msk $0xffff, v11  }
0x211: {  	[tilespmem:s23+$0x6460] =	vst.add.f32.msk $0xffff, v12  }
0x212: {  	[tilespmem:s23+$0x6470] =	vst.add.f32.msk $0xffff, v13  }
0x213: {  	[tilespmem:s23+$0x6800] =	vst.add.f32.msk $0xffff, v14  }
0x214: {  	[tilespmem:s23+$0x6810] =	vst.add.f32.msk $0xffff, v15  }
0x215: {  	[tilespmem:s23+$0x6820] =	vst.add.f32.msk $0xffff, v16  }
0x216: {  	[tilespmem:s23+$0x6830] =	vst.add.f32.msk $0xffff, v17  }
0x217: {  	[tilespmem:s23+$0x6840] =	vst.add.f32.msk $0xffff, v18  }
0x218: {  	[tilespmem:s23+$0x6850] =	vst.add.f32.msk $0xffff, v19  }
0x219: {  	[tilespmem:s23+$0x6860] =	vst.add.f32.msk $0xffff, v20  }
0x21a: {  	[tilespmem:s23+$0x6870] =	vst.add.f32.msk $0xffff, v21  }
0x21b: {  	[tilespmem:s23+$0x6C00] =	vst.add.f32.msk $0xffff, v22  }
0x21c: {  	[tilespmem:s23+$0x6C10] =	vst.add.f32.msk $0xffff, v23  }
0x21d: {  	[tilespmem:s23+$0x6C20] =	vst.add.f32.msk $0xffff, v24  }
0x21e: {  	[tilespmem:s23+$0x6C30] =	vst.add.f32.msk $0xffff, v25  }
0x21f: {  	[tilespmem:s23+$0x6C40] =	vst.add.f32.msk $0xffff, v26  }
0x220: {  	[tilespmem:s23+$0x6C50] =	vst.add.f32.msk $0xffff, v27  }
0x221: {  	[tilespmem:s23+$0x6C60] =	vst.add.f32.msk $0xffff, v28  }
0x222: {  	[tilespmem:s23+$0x6C70] =	vst.add.f32.msk $0xffff, v29  }
0x223: {  	[tilespmem:s23+$0x7000] =	vst.add.f32.msk $0xffff, v30  }
0x224: {  	[tilespmem:s23+$0x7010] =	vst.add.f32.msk $0xffff, v31  }
0x225: {  	[tilespmem:s23+$0x7020] =	vst.add.f32.msk $0xffff, v32  }
0x226: {  	[tilespmem:s23+$0x7030] =	vst.add.f32.msk $0xffff, v33  }
0x227: {  	[tilespmem:s23+$0x7040] =	vst.add.f32.msk $0xffff, v34  }
0x228: {  	[tilespmem:s23+$0x7050] =	vst.add.f32.msk $0xffff, v35  }
0x229: {  	[tilespmem:s23+$0x7060] =	vst.add.f32.msk $0xffff, v36  }
0x22a: {  	[tilespmem:s23+$0x7070] =	vst.add.f32.msk $0xffff, v37  }
0x22b: {  	[tilespmem:s23+$0x7400] =	vst.add.f32.msk $0xffff, v38  }
0x22c: {  	[tilespmem:s23+$0x7410] =	vst.add.f32.msk $0xffff, v39  }
0x22d: {  	[tilespmem:s23+$0x7420] =	vst.add.f32.msk $0xffff, v40  }
0x22e: {  	[tilespmem:s23+$0x7430] =	vst.add.f32.msk $0xffff, v41  }
0x22f: {  	[tilespmem:s23+$0x7440] =	vst.add.f32.msk $0xffff, v42  }
0x230: {  	[tilespmem:s23+$0x7450] =	vst.add.f32.msk $0xffff, v43  }
0x231: {  	[tilespmem:s23+$0x7460] =	vst.add.f32.msk $0xffff, v44  }
0x232: {  	[tilespmem:s23+$0x7470] =	vst.add.f32.msk $0xffff, v45  }
0x233: {  	[tilespmem:s23+$0x7800] =	vst.add.f32.msk $0xffff, v46  }
0x234: {  	[tilespmem:s23+$0x7810] =	vst.add.f32.msk $0xffff, v47  }
0x235: {  	[tilespmem:s23+$0x7820] =	vst.add.f32.msk $0xffff, v48  }
0x236: {  	s25 =	simm.s32 $0x2;
	s26 =	simm.s32 $0x0;
	[tilespmem:s23+$0x7830] =	vst.add.f32.msk $0xffff, v49  }
.LBB2_7:
0x237: {  	p1 =	sne.s32 s25, $0xF;
	s7 =	smul.u32 $0x1800, s26;
	[tilespmem:s23+$0x7840] =	vst.add.f32.msk $0xffff, v5;
	s24 =	sadd.s32 $0x80, s24  }
0x238: {  	s26 =	sand.u32 $0x380, s24;
	[tilespmem:s23+$0x7850] =	vst.add.f32.msk $0xffff, v4  }
0x239: {  	[tilespmem:s23+$0x7860] =	vst.add.f32.msk $0xffff, v3;
	s23 =	sor.u32 s26, s7  }
0x23a: {  	v3 =	vld [tilespmem:s23+$0x13870]  }
0x23b: {  	v6 =	vld [tilespmem:s23+$0x12400]  }
0x23c: {  	v7 =	vld [tilespmem:s23+$0x12410]  }
0x23d: {  	v8 =	vld [tilespmem:s23+$0x12420]  }
0x23e: {  	v9 =	vld [tilespmem:s23+$0x12430]  }
0x23f: {  	[tilespmem:s23+$0x7870] =	vst.add.f32.msk $0xffff, v3  }
0x240: {  	v10 =	vld [tilespmem:s23+$0x12440]  }
0x241: {  	v11 =	vld [tilespmem:s23+$0x12450]  }
0x242: {  	v12 =	vld [tilespmem:s23+$0x12460]  }
0x243: {  	v13 =	vld [tilespmem:s23+$0x12470]  }
0x244: {  	v14 =	vld [tilespmem:s23+$0x12800]  }
0x245: {  	v15 =	vld [tilespmem:s23+$0x12810]  }
0x246: {  	v16 =	vld [tilespmem:s23+$0x12820]  }
0x247: {  	v17 =	vld [tilespmem:s23+$0x12830]  }
0x248: {  	v18 =	vld [tilespmem:s23+$0x12840]  }
0x249: {  	v19 =	vld [tilespmem:s23+$0x12850]  }
0x24a: {  	v20 =	vld [tilespmem:s23+$0x12860]  }
0x24b: {  	v21 =	vld [tilespmem:s23+$0x12870]  }
0x24c: {  	v22 =	vld [tilespmem:s23+$0x12C00]  }
0x24d: {  	v23 =	vld [tilespmem:s23+$0x12C10]  }
0x24e: {  	v24 =	vld [tilespmem:s23+$0x12C20]  }
0x24f: {  	v25 =	vld [tilespmem:s23+$0x12C30]  }
0x250: {  	v26 =	vld [tilespmem:s23+$0x12C40]  }
0x251: {  	v27 =	vld [tilespmem:s23+$0x12C50]  }
0x252: {  	v28 =	vld [tilespmem:s23+$0x12C60]  }
0x253: {  	v29 =	vld [tilespmem:s23+$0x12C70]  }
0x254: {  	v30 =	vld [tilespmem:s23+$0x13000]  }
0x255: {  	v31 =	vld [tilespmem:s23+$0x13010]  }
0x256: {  	v32 =	vld [tilespmem:s23+$0x13020]  }
0x257: {  	v33 =	vld [tilespmem:s23+$0x13030]  }
0x258: {  	v34 =	vld [tilespmem:s23+$0x13040]  }
0x259: {  	v35 =	vld [tilespmem:s23+$0x13050]  }
0x25a: {  	v36 =	vld [tilespmem:s23+$0x13060]  }
0x25b: {  	v37 =	vld [tilespmem:s23+$0x13070]  }
0x25c: {  	v38 =	vld [tilespmem:s23+$0x13400]  }
0x25d: {  	v39 =	vld [tilespmem:s23+$0x13410]  }
0x25e: {  	v40 =	vld [tilespmem:s23+$0x13420]  }
0x25f: {  	v41 =	vld [tilespmem:s23+$0x13430]  }
0x260: {  	v42 =	vld [tilespmem:s23+$0x13440]  }
0x261: {  	v43 =	vld [tilespmem:s23+$0x13450]  }
0x262: {  	v44 =	vld [tilespmem:s23+$0x13460]  }
0x263: {  	v45 =	vld [tilespmem:s23+$0x13470]  }
0x264: {  	v46 =	vld [tilespmem:s23+$0x13800]  }
0x265: {  	v47 =	vld [tilespmem:s23+$0x13810]  }
0x266: {  	v48 =	vld [tilespmem:s23+$0x13820]  }
0x267: {  	v49 =	vld [tilespmem:s23+$0x13830]  }
0x268: {  	v5 =	vld [tilespmem:s23+$0x13840]  }
0x269: {  	v4 =	vld [tilespmem:s23+$0x13850]  }
0x26a: {  	v3 =	vld [tilespmem:s23+$0x13860]  }
0x26b: {  	[tilespmem:s23+$0x6400] =	vst.add.f32.msk $0xffff, v6  }
0x26c: {  	[tilespmem:s23+$0x6410] =	vst.add.f32.msk $0xffff, v7  }
0x26d: {  	[tilespmem:s23+$0x6420] =	vst.add.f32.msk $0xffff, v8  }
0x26e: {  	[tilespmem:s23+$0x6430] =	vst.add.f32.msk $0xffff, v9  }
0x26f: {  	[tilespmem:s23+$0x6440] =	vst.add.f32.msk $0xffff, v10  }
0x270: {  	[tilespmem:s23+$0x6450] =	vst.add.f32.msk $0xffff, v11  }
0x271: {  	[tilespmem:s23+$0x6460] =	vst.add.f32.msk $0xffff, v12  }
0x272: {  	[tilespmem:s23+$0x6470] =	vst.add.f32.msk $0xffff, v13  }
0x273: {  	[tilespmem:s23+$0x6800] =	vst.add.f32.msk $0xffff, v14  }
0x274: {  	[tilespmem:s23+$0x6810] =	vst.add.f32.msk $0xffff, v15  }
0x275: {  	[tilespmem:s23+$0x6820] =	vst.add.f32.msk $0xffff, v16  }
0x276: {  	[tilespmem:s23+$0x6830] =	vst.add.f32.msk $0xffff, v17  }
0x277: {  	[tilespmem:s23+$0x6840] =	vst.add.f32.msk $0xffff, v18  }
0x278: {  	[tilespmem:s23+$0x6850] =	vst.add.f32.msk $0xffff, v19  }
0x279: {  	[tilespmem:s23+$0x6860] =	vst.add.f32.msk $0xffff, v20  }
0x27a: {  	[tilespmem:s23+$0x6870] =	vst.add.f32.msk $0xffff, v21  }
0x27b: {  	[tilespmem:s23+$0x6C00] =	vst.add.f32.msk $0xffff, v22  }
0x27c: {  	[tilespmem:s23+$0x6C10] =	vst.add.f32.msk $0xffff, v23  }
0x27d: {  	[tilespmem:s23+$0x6C20] =	vst.add.f32.msk $0xffff, v24  }
0x27e: {  	[tilespmem:s23+$0x6C30] =	vst.add.f32.msk $0xffff, v25  }
0x27f: {  	[tilespmem:s23+$0x6C40] =	vst.add.f32.msk $0xffff, v26  }
0x280: {  	[tilespmem:s23+$0x6C50] =	vst.add.f32.msk $0xffff, v27  }
0x281: {  	[tilespmem:s23+$0x6C60] =	vst.add.f32.msk $0xffff, v28  }
0x282: {  	[tilespmem:s23+$0x6C70] =	vst.add.f32.msk $0xffff, v29  }
0x283: {  	[tilespmem:s23+$0x7000] =	vst.add.f32.msk $0xffff, v30  }
0x284: {  	[tilespmem:s23+$0x7010] =	vst.add.f32.msk $0xffff, v31  }
0x285: {  	[tilespmem:s23+$0x7020] =	vst.add.f32.msk $0xffff, v32  }
0x286: {  	[tilespmem:s23+$0x7030] =	vst.add.f32.msk $0xffff, v33  }
0x287: {  	[tilespmem:s23+$0x7040] =	vst.add.f32.msk $0xffff, v34  }
0x288: {  	[tilespmem:s23+$0x7050] =	vst.add.f32.msk $0xffff, v35  }
0x289: {  	[tilespmem:s23+$0x7060] =	vst.add.f32.msk $0xffff, v36  }
0x28a: {  	[tilespmem:s23+$0x7070] =	vst.add.f32.msk $0xffff, v37  }
0x28b: {  	[tilespmem:s23+$0x7400] =	vst.add.f32.msk $0xffff, v38  }
0x28c: {  	[tilespmem:s23+$0x7410] =	vst.add.f32.msk $0xffff, v39  }
0x28d: {  	[tilespmem:s23+$0x7420] =	vst.add.f32.msk $0xffff, v40  }
0x28e: {  	[tilespmem:s23+$0x7430] =	vst.add.f32.msk $0xffff, v41  }
0x28f: {  	[tilespmem:s23+$0x7440] =	vst.add.f32.msk $0xffff, v42  }
0x290: {  	[tilespmem:s23+$0x7450] =	vst.add.f32.msk $0xffff, v43  }
0x291: {  	[tilespmem:s23+$0x7460] =	vst.add.f32.msk $0xffff, v44  }
.Ltmp2:
0x292: {  	[tilespmem:s23+$0x7470] =	vst.add.f32.msk $0xffff, v45;
	(pc) =	sbr.rel @p1 .LBB2_7-.Ltmp2, $4  }
0x293: {  	[tilespmem:s23+$0x7800] =	vst.add.f32.msk $0xffff, v46  }
0x294: {  	[tilespmem:s23+$0x7810] =	vst.add.f32.msk $0xffff, v47  }
0x295: {  	[tilespmem:s23+$0x7820] =	vst.add.f32.msk $0xffff, v48  }
0x296: {  	s26 =	sshrl.u32 s25, $0x3;
	s25 =	sadd.s32 $0x1, s25;
	[tilespmem:s23+$0x7830] =	vst.add.f32.msk $0xffff, v49  }
0x297: {  	s7 =	smul.u32 $0x1800, s26;
	[tilespmem:s23+$0x7840] =	vst.add.f32.msk $0xffff, v5;
	s24 =	sadd.s32 $0x80, s24  }
0x298: {  	[tilespmem:s23+$0x7850] =	vst.add.f32.msk $0xffff, v4;
	s24 =	sand.u32 $0x380, s24  }
0x299: {  	[tilespmem:s23+$0x7860] =	vst.add.f32.msk $0xffff, v3;
	s24 =	sor.u32 s24, s7  }
0x29a: {  	v3 =	vld [tilespmem:s24+$0x13870]  }
0x29b: {  	v4 =	vld [tilespmem:s24+$0x12400]  }
0x29c: {  	v5 =	vld [tilespmem:s24+$0x12410]  }
0x29d: {  	v6 =	vld [tilespmem:s24+$0x12420]  }
0x29e: {  	v7 =	vld [tilespmem:s24+$0x12430]  }
0x29f: {  	v8 =	vld [tilespmem:s24+$0x12450]  }
0x2a0: {  	v9 =	vld [tilespmem:s24+$0x12460]  }
0x2a1: {  	v10 =	vld [tilespmem:s24+$0x12470]  }
0x2a2: {  	v11 =	vld [tilespmem:s24+$0x12800]  }
0x2a3: {  	v12 =	vld [tilespmem:s24+$0x12810]  }
0x2a4: {  	v13 =	vld [tilespmem:s24+$0x12820]  }
0x2a5: {  	v14 =	vld [tilespmem:s24+$0x12830]  }
0x2a6: {  	v15 =	vld [tilespmem:s24+$0x12840]  }
0x2a7: {  	v16 =	vld [tilespmem:s24+$0x12850]  }
0x2a8: {  	v17 =	vld [tilespmem:s24+$0x12860]  }
0x2a9: {  	v18 =	vld [tilespmem:s24+$0x12870]  }
0x2aa: {  	v19 =	vld [tilespmem:s24+$0x12C00]  }
0x2ab: {  	v20 =	vld [tilespmem:s24+$0x12C10]  }
0x2ac: {  	v21 =	vld [tilespmem:s24+$0x12C20]  }
0x2ad: {  	v22 =	vld [tilespmem:s24+$0x12C30]  }
0x2ae: {  	v23 =	vld [tilespmem:s24+$0x12C40]  }
0x2af: {  	v24 =	vld [tilespmem:s24+$0x12C50]  }
0x2b0: {  	v25 =	vld [tilespmem:s24+$0x12C60]  }
0x2b1: {  	v26 =	vld [tilespmem:s24+$0x12C70]  }
0x2b2: {  	v27 =	vld [tilespmem:s24+$0x13000]  }
0x2b3: {  	v28 =	vld [tilespmem:s24+$0x13010]  }
0x2b4: {  	v29 =	vld [tilespmem:s24+$0x13020]  }
0x2b5: {  	v30 =	vld [tilespmem:s24+$0x13030]  }
0x2b6: {  	v31 =	vld [tilespmem:s24+$0x13040]  }
0x2b7: {  	v32 =	vld [tilespmem:s24+$0x13050]  }
0x2b8: {  	v33 =	vld [tilespmem:s24+$0x13060]  }
0x2b9: {  	v34 =	vld [tilespmem:s24+$0x13070]  }
0x2ba: {  	v35 =	vld [tilespmem:s24+$0x13400]  }
0x2bb: {  	v36 =	vld [tilespmem:s24+$0x13410]  }
0x2bc: {  	v37 =	vld [tilespmem:s24+$0x13420]  }
0x2bd: {  	v38 =	vld [tilespmem:s24+$0x13430]  }
0x2be: {  	v39 =	vld [tilespmem:s24+$0x13440]  }
0x2bf: {  	v40 =	vld [tilespmem:s24+$0x13450]  }
0x2c0: {  	v41 =	vld [tilespmem:s24+$0x13460]  }
0x2c1: {  	v42 =	vld [tilespmem:s24+$0x13470]  }
0x2c2: {  	v43 =	vld [tilespmem:s24+$0x13800]  }
0x2c3: {  	v44 =	vld [tilespmem:s24+$0x13810]  }
0x2c4: {  	v45 =	vld [tilespmem:s24+$0x13820]  }
0x2c5: {  	v46 =	vld [tilespmem:s24+$0x13830]  }
0x2c6: {  	v47 =	vld [tilespmem:s24+$0x13840]  }
0x2c7: {  	v48 =	vld [tilespmem:s24+$0x13850]  }
0x2c8: {  	v49 =	vld [tilespmem:s24+$0x13860]  }
0x2c9: {  	[tilespmem:s24+$0x7870] =	vst.add.f32.msk $0xffff, v3  }
0x2ca: {  	v3 =	vld [tilespmem:s24+$0x12440]  }
0x2cb: {  	[tilespmem:s24+$0x6400] =	vst.add.f32.msk $0xffff, v4  }
0x2cc: {  	[tilespmem:s24+$0x6410] =	vst.add.f32.msk $0xffff, v5  }
0x2cd: {  	[tilespmem:s24+$0x6420] =	vst.add.f32.msk $0xffff, v6  }
0x2ce: {  	[tilespmem:s24+$0x6430] =	vst.add.f32.msk $0xffff, v7  }
0x2cf: {  	[tilespmem:s24+$0x6450] =	vst.add.f32.msk $0xffff, v8  }
0x2d0: {  	[tilespmem:s24+$0x6460] =	vst.add.f32.msk $0xffff, v9  }
0x2d1: {  	[tilespmem:s24+$0x6470] =	vst.add.f32.msk $0xffff, v10  }
0x2d2: {  	[tilespmem:s24+$0x6800] =	vst.add.f32.msk $0xffff, v11  }
0x2d3: {  	[tilespmem:s24+$0x6810] =	vst.add.f32.msk $0xffff, v12  }
0x2d4: {  	[tilespmem:s24+$0x6820] =	vst.add.f32.msk $0xffff, v13  }
0x2d5: {  	[tilespmem:s24+$0x6830] =	vst.add.f32.msk $0xffff, v14  }
0x2d6: {  	[tilespmem:s24+$0x6840] =	vst.add.f32.msk $0xffff, v15  }
0x2d7: {  	[tilespmem:s24+$0x6850] =	vst.add.f32.msk $0xffff, v16  }
0x2d8: {  	[tilespmem:s24+$0x6860] =	vst.add.f32.msk $0xffff, v17  }
0x2d9: {  	[tilespmem:s24+$0x6870] =	vst.add.f32.msk $0xffff, v18  }
0x2da: {  	[tilespmem:s24+$0x6C00] =	vst.add.f32.msk $0xffff, v19  }
0x2db: {  	[tilespmem:s24+$0x6C10] =	vst.add.f32.msk $0xffff, v20  }
0x2dc: {  	[tilespmem:s24+$0x6C20] =	vst.add.f32.msk $0xffff, v21  }
0x2dd: {  	[tilespmem:s24+$0x6C30] =	vst.add.f32.msk $0xffff, v22  }
0x2de: {  	[tilespmem:s24+$0x6C40] =	vst.add.f32.msk $0xffff, v23  }
0x2df: {  	[tilespmem:s24+$0x6C50] =	vst.add.f32.msk $0xffff, v24  }
0x2e0: {  	[tilespmem:s24+$0x6C60] =	vst.add.f32.msk $0xffff, v25  }
0x2e1: {  	[tilespmem:s24+$0x6C70] =	vst.add.f32.msk $0xffff, v26  }
0x2e2: {  	[tilespmem:s24+$0x7000] =	vst.add.f32.msk $0xffff, v27  }
0x2e3: {  	[tilespmem:s24+$0x7010] =	vst.add.f32.msk $0xffff, v28  }
0x2e4: {  	[tilespmem:s24+$0x7020] =	vst.add.f32.msk $0xffff, v29  }
0x2e5: {  	[tilespmem:s24+$0x7030] =	vst.add.f32.msk $0xffff, v30  }
0x2e6: {  	[tilespmem:s24+$0x7040] =	vst.add.f32.msk $0xffff, v31  }
0x2e7: {  	[tilespmem:s24+$0x7050] =	vst.add.f32.msk $0xffff, v32  }
0x2e8: {  	[tilespmem:s24+$0x7060] =	vst.add.f32.msk $0xffff, v33  }
0x2e9: {  	[tilespmem:s24+$0x7070] =	vst.add.f32.msk $0xffff, v34  }
0x2ea: {  	[tilespmem:s24+$0x7400] =	vst.add.f32.msk $0xffff, v35  }
0x2eb: {  	[tilespmem:s24+$0x7410] =	vst.add.f32.msk $0xffff, v36  }
0x2ec: {  	[tilespmem:s24+$0x7420] =	vst.add.f32.msk $0xffff, v37  }
0x2ed: {  	[tilespmem:s24+$0x7430] =	vst.add.f32.msk $0xffff, v38  }
0x2ee: {  	[tilespmem:s24+$0x7440] =	vst.add.f32.msk $0xffff, v39  }
0x2ef: {  	[tilespmem:s24+$0x7450] =	vst.add.f32.msk $0xffff, v40  }
0x2f0: {  	[tilespmem:s24+$0x7460] =	vst.add.f32.msk $0xffff, v41  }
0x2f1: {  	[tilespmem:s24+$0x7470] =	vst.add.f32.msk $0xffff, v42  }
0x2f2: {  	[tilespmem:s24+$0x7800] =	vst.add.f32.msk $0xffff, v43  }
0x2f3: {  	[tilespmem:s24+$0x7810] =	vst.add.f32.msk $0xffff, v44  }
0x2f4: {  	[tilespmem:s24+$0x7820] =	vst.add.f32.msk $0xffff, v45  }
0x2f5: {  	[tilespmem:s24+$0x7830] =	vst.add.f32.msk $0xffff, v46  }
0x2f6: {  	[tilespmem:s24+$0x7840] =	vst.add.f32.msk $0xffff, v47  }
0x2f7: {  	[tilespmem:s24+$0x7850] =	vst.add.f32.msk $0xffff, v48  }
0x2f8: {  	[tilespmem:s24+$0x7860] =	vst.add.f32.msk $0xffff, v49  }
0x2f9: {  	s25 =	sadd.s32 s4, s18;
	[tilespmem:s24+$0x6440] =	vst.add.f32.msk $0xffff, v3  }
0x2fa: {  	[hbm4b:s25+s6] =	stream.linear.scatter [tilespmem:s31], [sflag:$0xB], $0x3000, $0x38;
	[tilespmem:$0x18400] =	vst v63  }
0x2fb: {  	_ =	swait.ge [sflag:s13], $0x3000  }
0x2fc: {  	[sflag:s13] =	ssyncset.done $0x0  }
0x2fd: {  	[sflag:s13] =	ssyncadd.s32 $0xFFFFD000  }
0x2fe: {  	s7 =	sadd.s32 @!p0 $0x50, s17;
	_ =	swait.ge [sflag:s2], $0x3000  }
0x2ff: {  	s7 =	sadd.s32 @!p0 s5, s7;
	[sflag:s2] =	ssyncset.done $0x0  }
0x300: {  	s7 =	sshrl.u32 @!p0 s7, $0x3;
	[sflag:s2] =	ssyncadd.s32 $0xFFFFD000  }
0x301: {  	s7 =	smul.u32 @!p0 $0x300, s7;
	_ =	swait.ge [sflag:s0], $0x3000  }
0x302: {  	s18 =	simm.s32 @!p0 $0x0;
	[sflag:s0] =	ssyncset.done $0x0  }
0x303: {  	s23 =	simm.s32 @!p0 $0x3400;
	s7 =	sadd.s32 @!p0 s1, s7;
	[sflag:s0] =	ssyncadd.s32 $0xFFFFD000  }
0x304: {  	[tilespmem:s23], [sflag:$0x2] =	stream.linear.gather @!p0 [hbm4b:s7+s18], $0x3000, $0x38;
	[tilespmem:$0x18400] =	vst v63  }
0x305: {  	v3 =	vld @!p0 [tilespmem:s17+$0x50];
	_ =	sdelay $0x4  }
0x306: {  	v4 =	vshrl.u32 @!p0 v3, $0x3  }
0x307: {  	v4 =	vmul.u32 @!p0 $0x30, v4  }
0x308: {  	v5 =	vlaneseq.u32 @!p0;
	v3 =	vand.u32 @!p0 $0x7, v3  }
0x309: {  	v6 =	vshrl.u32 @!p0 v5, $0x3;
	v3 =	vor.u32 @!p0 v3, v4;
	v4 =	vand.u32 @!p0 $0x7, v5  }
0x30a: {  	v6 =	vmul.u32 @!p0 $0x8, v6;
	v4 =	vperm.xlane @!p0 v3, v4;
	_ =	sdelay $0x1  }
0x30b: {  	v4 =	vadd.s32 @!p0 v6, v4;
	_ =	sdelay $0x2  }
0x30c: {  	v5 =	vor.u32 @!p0 $0x8, v5  }
0x30d: {  	s7 =	simm.s32 @!p0 $0xF400;
	v3 =	vperm.xlane @!p0 v3, v5  }
0x30e: {  	[tilespmem:s7], [sflag:$0x6] =	stream.indirect_vreg.gather @!p0 [hbm4b:s3+s18], $0x80, v4, vm1, $0xb8;
	[tilespmem:$0x18400] =	vst v63  }
0x30f: {  	v3 =	vadd.s32 @!p0 v6, v3;
	s7 =	simm.s32 @!p0 $0xFC00  }
0x310: {  	[tilespmem:s7], [sflag:$0x6] =	stream.indirect_vreg.gather @!p0 [hbm4b:s9+s18], $0x80, v4, vm1, $0xb8;
	[tilespmem:$0x18400] =	vst v63  }
0x311: {  	s7 =	simm.s32 @!p0 $0x10400  }
0x312: {  	[tilespmem:s7], [sflag:$0x6] =	stream.indirect_vreg.gather @!p0 [hbm4b:s10+s18], $0x80, v4, vm1, $0xb8;
	[tilespmem:$0x18400] =	vst v63  }
0x313: {  	s7 =	simm.s32 @!p0 $0x10C00  }
0x314: {  	[tilespmem:s7], [sflag:$0x6] =	stream.indirect_vreg.gather @!p0 [hbm4b:s3+s18], $0x80, v3, vm1, $0xb8;
	[tilespmem:$0x18400] =	vst v63  }
0x315: {  	s7 =	simm.s32 @!p0 $0x11400  }
0x316: {  	[tilespmem:s7], [sflag:$0x6] =	stream.indirect_vreg.gather @!p0 [hbm4b:s9+s18], $0x80, v3, vm1, $0xb8;
	[tilespmem:$0x18400] =	vst v63  }
0x317: {  	s26 =	simm.s32 $0x0;
	s7 =	simm.s32 @!p0 $0x11C00  }
0x318: {  	[tilespmem:s7], [sflag:$0x6] =	stream.indirect_vreg.gather @!p0 [hbm4b:s10+s18], $0x80, v3, vm1, $0xb8;
	[tilespmem:$0x18400] =	vst v63  }
0x319: {  	s18 =	simm.s32 $0x0;
	s7 =	smul.u32 $0x1800, s26  }
0x31a: {  	s28 =	sand.u32 $0x380, s18  }
0x31b: {  	s17 =	sor.u32 s28, s7  }
0x31c: {  	v3 =	vld [tilespmem:s17+$0x16870]  }
0x31d: {  	v6 =	vld [tilespmem:s17+$0x15400]  }
0x31e: {  	v7 =	vld [tilespmem:s17+$0x15410]  }
0x31f: {  	v8 =	vld [tilespmem:s17+$0x15420]  }
0x320: {  	v9 =	vld [tilespmem:s17+$0x15430]  }
0x321: {  	v10 =	vld [tilespmem:s17+$0x15440]  }
0x322: {  	v11 =	vld [tilespmem:s17+$0x15450]  }
0x323: {  	v12 =	vld [tilespmem:s17+$0x15460]  }
0x324: {  	v13 =	vld [tilespmem:s17+$0x15470]  }
0x325: {  	v14 =	vld [tilespmem:s17+$0x15800]  }
0x326: {  	v15 =	vld [tilespmem:s17+$0x15810]  }
0x327: {  	v16 =	vld [tilespmem:s17+$0x15820]  }
0x328: {  	v17 =	vld [tilespmem:s17+$0x15830]  }
0x329: {  	v18 =	vld [tilespmem:s17+$0x15840]  }
0x32a: {  	v19 =	vld [tilespmem:s17+$0x15850]  }
0x32b: {  	v20 =	vld [tilespmem:s17+$0x15860]  }
0x32c: {  	v21 =	vld [tilespmem:s17+$0x15870]  }
0x32d: {  	v22 =	vld [tilespmem:s17+$0x15C00]  }
0x32e: {  	v23 =	vld [tilespmem:s17+$0x15C10]  }
0x32f: {  	v24 =	vld [tilespmem:s17+$0x15C20]  }
0x330: {  	v25 =	vld [tilespmem:s17+$0x15C30]  }
0x331: {  	v26 =	vld [tilespmem:s17+$0x15C40]  }
0x332: {  	v27 =	vld [tilespmem:s17+$0x15C50]  }
0x333: {  	v28 =	vld [tilespmem:s17+$0x15C60]  }
0x334: {  	v29 =	vld [tilespmem:s17+$0x15C70]  }
0x335: {  	v30 =	vld [tilespmem:s17+$0x16000]  }
0x336: {  	v31 =	vld [tilespmem:s17+$0x16010]  }
0x337: {  	v32 =	vld [tilespmem:s17+$0x16020]  }
0x338: {  	v33 =	vld [tilespmem:s17+$0x16030]  }
0x339: {  	v34 =	vld [tilespmem:s17+$0x16040]  }
0x33a: {  	v35 =	vld [tilespmem:s17+$0x16050]  }
0x33b: {  	v36 =	vld [tilespmem:s17+$0x16060]  }
0x33c: {  	v37 =	vld [tilespmem:s17+$0x16070]  }
0x33d: {  	v52 =	vld [tilespmem:s17+$0x16400]  }
0x33e: {  	v53 =	vld [tilespmem:s17+$0x16410]  }
0x33f: {  	v54 =	vld [tilespmem:s17+$0x16420]  }
0x340: {  	v55 =	vld [tilespmem:s17+$0x16430]  }
0x341: {  	v56 =	vld [tilespmem:s17+$0x16440]  }
0x342: {  	v57 =	vld [tilespmem:s17+$0x16450]  }
0x343: {  	v58 =	vld [tilespmem:s17+$0x16460]  }
0x344: {  	v59 =	vld [tilespmem:s17+$0x16470]  }
0x345: {  	v60 =	vld [tilespmem:s17+$0x16800]  }
0x346: {  	v61 =	vld [tilespmem:s17+$0x16810]  }
0x347: {  	v62 =	vld [tilespmem:s17+$0x16820]  }
0x348: {  	v63 =	vld [tilespmem:s17+$0x16830]  }
0x349: {  	v5 =	vld [tilespmem:s17+$0x16840]  }
0x34a: {  	v4 =	vld [tilespmem:s17+$0x16850]  }
0x34b: {  	[tilespmem:s17+$0xA870] =	vst.add.f32.msk $0xffff, v3  }
0x34c: {  	v3 =	vld [tilespmem:s17+$0x16860]  }
0x34d: {  	[tilespmem:s17+$0x9400] =	vst.add.f32.msk $0xffff, v6  }
0x34e: {  	[tilespmem:s17+$0x9410] =	vst.add.f32.msk $0xffff, v7  }
0x34f: {  	[tilespmem:s17+$0x9420] =	vst.add.f32.msk $0xffff, v8  }
0x350: {  	[tilespmem:s17+$0x9430] =	vst.add.f32.msk $0xffff, v9  }
0x351: {  	[tilespmem:s17+$0x9440] =	vst.add.f32.msk $0xffff, v10  }
0x352: {  	[tilespmem:s17+$0x9450] =	vst.add.f32.msk $0xffff, v11  }
0x353: {  	[tilespmem:s17+$0x9460] =	vst.add.f32.msk $0xffff, v12  }
0x354: {  	[tilespmem:s17+$0x9470] =	vst.add.f32.msk $0xffff, v13  }
0x355: {  	[tilespmem:s17+$0x9800] =	vst.add.f32.msk $0xffff, v14  }
0x356: {  	[tilespmem:s17+$0x9810] =	vst.add.f32.msk $0xffff, v15  }
0x357: {  	[tilespmem:s17+$0x9820] =	vst.add.f32.msk $0xffff, v16  }
0x358: {  	[tilespmem:s17+$0x9830] =	vst.add.f32.msk $0xffff, v17  }
0x359: {  	[tilespmem:s17+$0x9840] =	vst.add.f32.msk $0xffff, v18  }
0x35a: {  	[tilespmem:s17+$0x9850] =	vst.add.f32.msk $0xffff, v19  }
0x35b: {  	[tilespmem:s17+$0x9860] =	vst.add.f32.msk $0xffff, v20  }
0x35c: {  	[tilespmem:s17+$0x9870] =	vst.add.f32.msk $0xffff, v21  }
0x35d: {  	[tilespmem:s17+$0x9C00] =	vst.add.f32.msk $0xffff, v22  }
0x35e: {  	[tilespmem:s17+$0x9C10] =	vst.add.f32.msk $0xffff, v23  }
0x35f: {  	[tilespmem:s17+$0x9C20] =	vst.add.f32.msk $0xffff, v24  }
0x360: {  	[tilespmem:s17+$0x9C30] =	vst.add.f32.msk $0xffff, v25  }
0x361: {  	[tilespmem:s17+$0x9C40] =	vst.add.f32.msk $0xffff, v26  }
0x362: {  	[tilespmem:s17+$0x9C50] =	vst.add.f32.msk $0xffff, v27  }
0x363: {  	[tilespmem:s17+$0x9C60] =	vst.add.f32.msk $0xffff, v28  }
0x364: {  	[tilespmem:s17+$0x9C70] =	vst.add.f32.msk $0xffff, v29  }
0x365: {  	[tilespmem:s17+$0xA000] =	vst.add.f32.msk $0xffff, v30  }
0x366: {  	[tilespmem:s17+$0xA010] =	vst.add.f32.msk $0xffff, v31  }
0x367: {  	[tilespmem:s17+$0xA020] =	vst.add.f32.msk $0xffff, v32  }
0x368: {  	[tilespmem:s17+$0xA030] =	vst.add.f32.msk $0xffff, v33  }
0x369: {  	[tilespmem:s17+$0xA040] =	vst.add.f32.msk $0xffff, v34  }
0x36a: {  	[tilespmem:s17+$0xA050] =	vst.add.f32.msk $0xffff, v35  }
0x36b: {  	[tilespmem:s17+$0xA060] =	vst.add.f32.msk $0xffff, v36  }
0x36c: {  	[tilespmem:s17+$0xA070] =	vst.add.f32.msk $0xffff, v37  }
0x36d: {  	[tilespmem:s17+$0xA400] =	vst.add.f32.msk $0xffff, v52  }
0x36e: {  	[tilespmem:s17+$0xA410] =	vst.add.f32.msk $0xffff, v53  }
0x36f: {  	[tilespmem:s17+$0xA420] =	vst.add.f32.msk $0xffff, v54  }
0x370: {  	[tilespmem:s17+$0xA430] =	vst.add.f32.msk $0xffff, v55  }
0x371: {  	[tilespmem:s17+$0xA440] =	vst.add.f32.msk $0xffff, v56  }
0x372: {  	[tilespmem:s17+$0xA450] =	vst.add.f32.msk $0xffff, v57  }
0x373: {  	[tilespmem:s17+$0xA460] =	vst.add.f32.msk $0xffff, v58  }
0x374: {  	[tilespmem:s17+$0xA470] =	vst.add.f32.msk $0xffff, v59  }
0x375: {  	[tilespmem:s17+$0xA800] =	vst.add.f32.msk $0xffff, v60  }
0x376: {  	[tilespmem:s17+$0xA810] =	vst.add.f32.msk $0xffff, v61  }
0x377: {  	[tilespmem:s17+$0xA820] =	vst.add.f32.msk $0xffff, v62  }
0x378: {  	s24 =	simm.s32 $0x0;
	s23 =	simm.s32 $0x2;
	[tilespmem:s17+$0xA830] =	vst.add.f32.msk $0xffff, v63  }
.LBB2_9:
0x379: {  	p0 =	sne.s32 s23, $0xF;
	s7 =	smul.u32 $0x1800, s24;
	[tilespmem:s17+$0xA840] =	vst.add.f32.msk $0xffff, v5;
	s18 =	sadd.s32 $0x80, s18  }
0x37a: {  	s24 =	sand.u32 $0x380, s18;
	[tilespmem:s17+$0xA850] =	vst.add.f32.msk $0xffff, v4  }
0x37b: {  	[tilespmem:s17+$0xA860] =	vst.add.f32.msk $0xffff, v3;
	s17 =	sor.u32 s24, s7  }
0x37c: {  	v3 =	vld [tilespmem:s17+$0x16870]  }
0x37d: {  	v6 =	vld [tilespmem:s17+$0x15400]  }
0x37e: {  	v7 =	vld [tilespmem:s17+$0x15410]  }
0x37f: {  	v8 =	vld [tilespmem:s17+$0x15420]  }
0x380: {  	v9 =	vld [tilespmem:s17+$0x15430]  }
0x381: {  	[tilespmem:s17+$0xA870] =	vst.add.f32.msk $0xffff, v3  }
0x382: {  	v10 =	vld [tilespmem:s17+$0x15440]  }
0x383: {  	v11 =	vld [tilespmem:s17+$0x15450]  }
0x384: {  	v12 =	vld [tilespmem:s17+$0x15460]  }
0x385: {  	v13 =	vld [tilespmem:s17+$0x15470]  }
0x386: {  	v14 =	vld [tilespmem:s17+$0x15800]  }
0x387: {  	v15 =	vld [tilespmem:s17+$0x15810]  }
0x388: {  	v16 =	vld [tilespmem:s17+$0x15820]  }
0x389: {  	v17 =	vld [tilespmem:s17+$0x15830]  }
0x38a: {  	v18 =	vld [tilespmem:s17+$0x15840]  }
0x38b: {  	v19 =	vld [tilespmem:s17+$0x15850]  }
0x38c: {  	v20 =	vld [tilespmem:s17+$0x15860]  }
0x38d: {  	v21 =	vld [tilespmem:s17+$0x15870]  }
0x38e: {  	v22 =	vld [tilespmem:s17+$0x15C00]  }
0x38f: {  	v23 =	vld [tilespmem:s17+$0x15C10]  }
0x390: {  	v24 =	vld [tilespmem:s17+$0x15C20]  }
0x391: {  	v25 =	vld [tilespmem:s17+$0x15C30]  }
0x392: {  	v26 =	vld [tilespmem:s17+$0x15C40]  }
0x393: {  	v27 =	vld [tilespmem:s17+$0x15C50]  }
0x394: {  	v28 =	vld [tilespmem:s17+$0x15C60]  }
0x395: {  	v29 =	vld [tilespmem:s17+$0x15C70]  }
0x396: {  	v30 =	vld [tilespmem:s17+$0x16000]  }
0x397: {  	v31 =	vld [tilespmem:s17+$0x16010]  }
0x398: {  	v32 =	vld [tilespmem:s17+$0x16020]  }
0x399: {  	v33 =	vld [tilespmem:s17+$0x16030]  }
0x39a: {  	v34 =	vld [tilespmem:s17+$0x16040]  }
0x39b: {  	v35 =	vld [tilespmem:s17+$0x16050]  }
0x39c: {  	v36 =	vld [tilespmem:s17+$0x16060]  }
0x39d: {  	v37 =	vld [tilespmem:s17+$0x16070]  }
0x39e: {  	v38 =	vld [tilespmem:s17+$0x16400]  }
0x39f: {  	v39 =	vld [tilespmem:s17+$0x16410]  }
0x3a0: {  	v40 =	vld [tilespmem:s17+$0x16420]  }
0x3a1: {  	v41 =	vld [tilespmem:s17+$0x16430]  }
0x3a2: {  	v42 =	vld [tilespmem:s17+$0x16440]  }
0x3a3: {  	v43 =	vld [tilespmem:s17+$0x16450]  }
0x3a4: {  	v44 =	vld [tilespmem:s17+$0x16460]  }
0x3a5: {  	v45 =	vld [tilespmem:s17+$0x16470]  }
0x3a6: {  	v46 =	vld [tilespmem:s17+$0x16800]  }
0x3a7: {  	v47 =	vld [tilespmem:s17+$0x16810]  }
0x3a8: {  	v48 =	vld [tilespmem:s17+$0x16820]  }
0x3a9: {  	v49 =	vld [tilespmem:s17+$0x16830]  }
0x3aa: {  	v5 =	vld [tilespmem:s17+$0x16840]  }
0x3ab: {  	v4 =	vld [tilespmem:s17+$0x16850]  }
0x3ac: {  	v3 =	vld [tilespmem:s17+$0x16860]  }
0x3ad: {  	[tilespmem:s17+$0x9400] =	vst.add.f32.msk $0xffff, v6  }
0x3ae: {  	[tilespmem:s17+$0x9410] =	vst.add.f32.msk $0xffff, v7  }
0x3af: {  	[tilespmem:s17+$0x9420] =	vst.add.f32.msk $0xffff, v8  }
0x3b0: {  	[tilespmem:s17+$0x9430] =	vst.add.f32.msk $0xffff, v9  }
0x3b1: {  	[tilespmem:s17+$0x9440] =	vst.add.f32.msk $0xffff, v10  }
0x3b2: {  	[tilespmem:s17+$0x9450] =	vst.add.f32.msk $0xffff, v11  }
0x3b3: {  	[tilespmem:s17+$0x9460] =	vst.add.f32.msk $0xffff, v12  }
0x3b4: {  	[tilespmem:s17+$0x9470] =	vst.add.f32.msk $0xffff, v13  }
0x3b5: {  	[tilespmem:s17+$0x9800] =	vst.add.f32.msk $0xffff, v14  }
0x3b6: {  	[tilespmem:s17+$0x9810] =	vst.add.f32.msk $0xffff, v15  }
0x3b7: {  	[tilespmem:s17+$0x9820] =	vst.add.f32.msk $0xffff, v16  }
0x3b8: {  	[tilespmem:s17+$0x9830] =	vst.add.f32.msk $0xffff, v17  }
0x3b9: {  	[tilespmem:s17+$0x9840] =	vst.add.f32.msk $0xffff, v18  }
0x3ba: {  	[tilespmem:s17+$0x9850] =	vst.add.f32.msk $0xffff, v19  }
0x3bb: {  	[tilespmem:s17+$0x9860] =	vst.add.f32.msk $0xffff, v20  }
0x3bc: {  	[tilespmem:s17+$0x9870] =	vst.add.f32.msk $0xffff, v21  }
0x3bd: {  	[tilespmem:s17+$0x9C00] =	vst.add.f32.msk $0xffff, v22  }
0x3be: {  	[tilespmem:s17+$0x9C10] =	vst.add.f32.msk $0xffff, v23  }
0x3bf: {  	[tilespmem:s17+$0x9C20] =	vst.add.f32.msk $0xffff, v24  }
0x3c0: {  	[tilespmem:s17+$0x9C30] =	vst.add.f32.msk $0xffff, v25  }
0x3c1: {  	[tilespmem:s17+$0x9C40] =	vst.add.f32.msk $0xffff, v26  }
0x3c2: {  	[tilespmem:s17+$0x9C50] =	vst.add.f32.msk $0xffff, v27  }
0x3c3: {  	[tilespmem:s17+$0x9C60] =	vst.add.f32.msk $0xffff, v28  }
0x3c4: {  	[tilespmem:s17+$0x9C70] =	vst.add.f32.msk $0xffff, v29  }
0x3c5: {  	[tilespmem:s17+$0xA000] =	vst.add.f32.msk $0xffff, v30  }
0x3c6: {  	[tilespmem:s17+$0xA010] =	vst.add.f32.msk $0xffff, v31  }
0x3c7: {  	[tilespmem:s17+$0xA020] =	vst.add.f32.msk $0xffff, v32  }
0x3c8: {  	[tilespmem:s17+$0xA030] =	vst.add.f32.msk $0xffff, v33  }
0x3c9: {  	[tilespmem:s17+$0xA040] =	vst.add.f32.msk $0xffff, v34  }
0x3ca: {  	[tilespmem:s17+$0xA050] =	vst.add.f32.msk $0xffff, v35  }
0x3cb: {  	[tilespmem:s17+$0xA060] =	vst.add.f32.msk $0xffff, v36  }
0x3cc: {  	[tilespmem:s17+$0xA070] =	vst.add.f32.msk $0xffff, v37  }
0x3cd: {  	[tilespmem:s17+$0xA400] =	vst.add.f32.msk $0xffff, v38  }
0x3ce: {  	[tilespmem:s17+$0xA410] =	vst.add.f32.msk $0xffff, v39  }
0x3cf: {  	[tilespmem:s17+$0xA420] =	vst.add.f32.msk $0xffff, v40  }
0x3d0: {  	[tilespmem:s17+$0xA430] =	vst.add.f32.msk $0xffff, v41  }
0x3d1: {  	[tilespmem:s17+$0xA440] =	vst.add.f32.msk $0xffff, v42  }
0x3d2: {  	[tilespmem:s17+$0xA450] =	vst.add.f32.msk $0xffff, v43  }
0x3d3: {  	[tilespmem:s17+$0xA460] =	vst.add.f32.msk $0xffff, v44  }
.Ltmp3:
0x3d4: {  	[tilespmem:s17+$0xA470] =	vst.add.f32.msk $0xffff, v45;
	(pc) =	sbr.rel @p0 .LBB2_9-.Ltmp3, $4  }
0x3d5: {  	[tilespmem:s17+$0xA800] =	vst.add.f32.msk $0xffff, v46  }
0x3d6: {  	[tilespmem:s17+$0xA810] =	vst.add.f32.msk $0xffff, v47  }
0x3d7: {  	[tilespmem:s17+$0xA820] =	vst.add.f32.msk $0xffff, v48  }
0x3d8: {  	s24 =	sshrl.u32 s23, $0x3;
	s23 =	sadd.s32 $0x1, s23;
	[tilespmem:s17+$0xA830] =	vst.add.f32.msk $0xffff, v49  }
0x3d9: {  	s7 =	smul.u32 $0x1800, s24;
	[tilespmem:s17+$0xA840] =	vst.add.f32.msk $0xffff, v5;
	s18 =	sadd.s32 $0x80, s18  }
0x3da: {  	[tilespmem:s17+$0xA850] =	vst.add.f32.msk $0xffff, v4;
	s18 =	sand.u32 $0x380, s18  }
0x3db: {  	[tilespmem:s17+$0xA860] =	vst.add.f32.msk $0xffff, v3;
	s18 =	sor.u32 s18, s7  }
0x3dc: {  	v3 =	vld [tilespmem:s18+$0x16870]  }
0x3dd: {  	v4 =	vld [tilespmem:s18+$0x15400]  }
0x3de: {  	v5 =	vld [tilespmem:s18+$0x15410]  }
0x3df: {  	v6 =	vld [tilespmem:s18+$0x15420]  }
0x3e0: {  	v7 =	vld [tilespmem:s18+$0x15430]  }
0x3e1: {  	v8 =	vld [tilespmem:s18+$0x15450]  }
0x3e2: {  	v9 =	vld [tilespmem:s18+$0x15460]  }
0x3e3: {  	v10 =	vld [tilespmem:s18+$0x15470]  }
0x3e4: {  	v11 =	vld [tilespmem:s18+$0x15800]  }
0x3e5: {  	v12 =	vld [tilespmem:s18+$0x15810]  }
0x3e6: {  	v13 =	vld [tilespmem:s18+$0x15820]  }
0x3e7: {  	v14 =	vld [tilespmem:s18+$0x15830]  }
0x3e8: {  	v15 =	vld [tilespmem:s18+$0x15840]  }
0x3e9: {  	v16 =	vld [tilespmem:s18+$0x15850]  }
0x3ea: {  	v17 =	vld [tilespmem:s18+$0x15860]  }
0x3eb: {  	v18 =	vld [tilespmem:s18+$0x15870]  }
0x3ec: {  	v19 =	vld [tilespmem:s18+$0x15C00]  }
0x3ed: {  	v20 =	vld [tilespmem:s18+$0x15C10]  }
0x3ee: {  	v21 =	vld [tilespmem:s18+$0x15C20]  }
0x3ef: {  	v22 =	vld [tilespmem:s18+$0x15C30]  }
0x3f0: {  	v23 =	vld [tilespmem:s18+$0x15C40]  }
0x3f1: {  	v24 =	vld [tilespmem:s18+$0x15C50]  }
0x3f2: {  	v25 =	vld [tilespmem:s18+$0x15C60]  }
0x3f3: {  	v26 =	vld [tilespmem:s18+$0x15C70]  }
0x3f4: {  	v27 =	vld [tilespmem:s18+$0x16000]  }
0x3f5: {  	v28 =	vld [tilespmem:s18+$0x16010]  }
0x3f6: {  	v29 =	vld [tilespmem:s18+$0x16020]  }
0x3f7: {  	v30 =	vld [tilespmem:s18+$0x16030]  }
0x3f8: {  	v31 =	vld [tilespmem:s18+$0x16040]  }
0x3f9: {  	v32 =	vld [tilespmem:s18+$0x16050]  }
0x3fa: {  	v33 =	vld [tilespmem:s18+$0x16060]  }
0x3fb: {  	v34 =	vld [tilespmem:s18+$0x16070]  }
0x3fc: {  	v35 =	vld [tilespmem:s18+$0x16400]  }
0x3fd: {  	v36 =	vld [tilespmem:s18+$0x16410]  }
0x3fe: {  	v37 =	vld [tilespmem:s18+$0x16420]  }
0x3ff: {  	v38 =	vld [tilespmem:s18+$0x16430]  }
0x400: {  	v39 =	vld [tilespmem:s18+$0x16440]  }
0x401: {  	v40 =	vld [tilespmem:s18+$0x16450]  }
0x402: {  	v41 =	vld [tilespmem:s18+$0x16460]  }
0x403: {  	v42 =	vld [tilespmem:s18+$0x16470]  }
0x404: {  	v43 =	vld [tilespmem:s18+$0x16800]  }
0x405: {  	v44 =	vld [tilespmem:s18+$0x16810]  }
0x406: {  	v45 =	vld [tilespmem:s18+$0x16820]  }
0x407: {  	v46 =	vld [tilespmem:s18+$0x16830]  }
0x408: {  	v47 =	vld [tilespmem:s18+$0x16840]  }
0x409: {  	v48 =	vld [tilespmem:s18+$0x16850]  }
0x40a: {  	v49 =	vld [tilespmem:s18+$0x16860]  }
0x40b: {  	[tilespmem:s18+$0xA870] =	vst.add.f32.msk $0xffff, v3  }
0x40c: {  	v3 =	vld [tilespmem:s18+$0x15440]  }
0x40d: {  	[tilespmem:s18+$0x9400] =	vst.add.f32.msk $0xffff, v4  }
0x40e: {  	[tilespmem:s18+$0x9410] =	vst.add.f32.msk $0xffff, v5  }
0x40f: {  	[tilespmem:s18+$0x9420] =	vst.add.f32.msk $0xffff, v6  }
0x410: {  	[tilespmem:s18+$0x9430] =	vst.add.f32.msk $0xffff, v7  }
0x411: {  	[tilespmem:s18+$0x9450] =	vst.add.f32.msk $0xffff, v8  }
0x412: {  	[tilespmem:s18+$0x9460] =	vst.add.f32.msk $0xffff, v9  }
0x413: {  	[tilespmem:s18+$0x9470] =	vst.add.f32.msk $0xffff, v10  }
0x414: {  	[tilespmem:s18+$0x9800] =	vst.add.f32.msk $0xffff, v11  }
0x415: {  	[tilespmem:s18+$0x9810] =	vst.add.f32.msk $0xffff, v12  }
0x416: {  	[tilespmem:s18+$0x9820] =	vst.add.f32.msk $0xffff, v13  }
0x417: {  	[tilespmem:s18+$0x9830] =	vst.add.f32.msk $0xffff, v14  }
0x418: {  	[tilespmem:s18+$0x9840] =	vst.add.f32.msk $0xffff, v15  }
0x419: {  	[tilespmem:s18+$0x9850] =	vst.add.f32.msk $0xffff, v16  }
0x41a: {  	[tilespmem:s18+$0x9860] =	vst.add.f32.msk $0xffff, v17  }
0x41b: {  	[tilespmem:s18+$0x9870] =	vst.add.f32.msk $0xffff, v18  }
0x41c: {  	[tilespmem:s18+$0x9C00] =	vst.add.f32.msk $0xffff, v19  }
0x41d: {  	[tilespmem:s18+$0x9C10] =	vst.add.f32.msk $0xffff, v20  }
0x41e: {  	[tilespmem:s18+$0x9C20] =	vst.add.f32.msk $0xffff, v21  }
0x41f: {  	[tilespmem:s18+$0x9C30] =	vst.add.f32.msk $0xffff, v22  }
0x420: {  	[tilespmem:s18+$0x9C40] =	vst.add.f32.msk $0xffff, v23  }
0x421: {  	[tilespmem:s18+$0x9C50] =	vst.add.f32.msk $0xffff, v24  }
0x422: {  	[tilespmem:s18+$0x9C60] =	vst.add.f32.msk $0xffff, v25  }
0x423: {  	[tilespmem:s18+$0x9C70] =	vst.add.f32.msk $0xffff, v26  }
0x424: {  	[tilespmem:s18+$0xA000] =	vst.add.f32.msk $0xffff, v27  }
0x425: {  	[tilespmem:s18+$0xA010] =	vst.add.f32.msk $0xffff, v28  }
0x426: {  	[tilespmem:s18+$0xA020] =	vst.add.f32.msk $0xffff, v29  }
0x427: {  	[tilespmem:s18+$0xA030] =	vst.add.f32.msk $0xffff, v30  }
0x428: {  	[tilespmem:s18+$0xA040] =	vst.add.f32.msk $0xffff, v31  }
0x429: {  	[tilespmem:s18+$0xA050] =	vst.add.f32.msk $0xffff, v32  }
0x42a: {  	[tilespmem:s18+$0xA060] =	vst.add.f32.msk $0xffff, v33  }
0x42b: {  	[tilespmem:s18+$0xA070] =	vst.add.f32.msk $0xffff, v34  }
0x42c: {  	[tilespmem:s18+$0xA400] =	vst.add.f32.msk $0xffff, v35  }
0x42d: {  	[tilespmem:s18+$0xA410] =	vst.add.f32.msk $0xffff, v36  }
0x42e: {  	[tilespmem:s18+$0xA420] =	vst.add.f32.msk $0xffff, v37  }
0x42f: {  	[tilespmem:s18+$0xA430] =	vst.add.f32.msk $0xffff, v38  }
0x430: {  	[tilespmem:s18+$0xA440] =	vst.add.f32.msk $0xffff, v39  }
0x431: {  	[tilespmem:s18+$0xA450] =	vst.add.f32.msk $0xffff, v40  }
0x432: {  	[tilespmem:s18+$0xA460] =	vst.add.f32.msk $0xffff, v41  }
0x433: {  	[tilespmem:s18+$0xA470] =	vst.add.f32.msk $0xffff, v42  }
0x434: {  	[tilespmem:s18+$0xA800] =	vst.add.f32.msk $0xffff, v43  }
0x435: {  	[tilespmem:s18+$0xA810] =	vst.add.f32.msk $0xffff, v44  }
0x436: {  	s15 =	sadd.s32 $0x1, s15;
	[tilespmem:s18+$0xA820] =	vst.add.f32.msk $0xffff, v45  }
0x437: {  	p0 =	sne.s32 s15, $0x10;
	[tilespmem:s18+$0xA830] =	vst.add.f32.msk $0xffff, v46  }
.Ltmp4:
0x438: {  	[tilespmem:s18+$0xA840] =	vst.add.f32.msk $0xffff, v47;
	(pc) =	sbr.rel @p0 .LBB2_2-.Ltmp4, $4  }
0x439: {  	[tilespmem:s18+$0xA850] =	vst.add.f32.msk $0xffff, v48  }
0x43a: {  	[tilespmem:s18+$0xA860] =	vst.add.f32.msk $0xffff, v49  }
0x43b: {  	s28 =	sadd.s32 s4, s16;
	[tilespmem:s18+$0x9440] =	vst.add.f32.msk $0xffff, v3  }
0x43c: {  	[hbm4b:s28+s6] =	stream.linear.scatter [tilespmem:s22], [sflag:$0xC], $0x3000, $0x38;
	[tilespmem:$0x18400] =	vst v63  }
0x43d: {  	s7 =	simm.s32 $0xB  }
0x43e: {  	_ =	swait.ge [sflag:s7], $0x3000  }
0x43f: {  	[sflag:s7] =	ssyncset.done $0x0  }
0x440: {  	s15 =	simm.s32 $0xC;
	[sflag:s7] =	ssyncadd.s32 $0xFFFFD000  }
0x441: {  	_ =	swait.ge [sflag:s15], $0x3000  }
0x442: {  	s16 =	rddreg [dreg:$0x9]  }
0x443: {  	s28 =	rddreg [dreg:$0x8];
	s16 =	sadd.s32 $0x1, s16  }
0x444: {  	p0 =	sne.s32 s16, s28  }
.Ltmp5:
0x445: {  	_ = 	snop;
	(pc) =	sbr.rel @p0 .LBB2_1-.Ltmp5, $3  }
0x446: {  	_ =	sdelay $0x1  }
0x447: {  	[sflag:s15] =	ssyncset.done $0x0  }
0x448: {  	[sflag:s15] =	ssyncadd.s32 $0xFFFFD000  }
0x449: {  	_ =	sfence.sel $0x180000  }
0x44a: {  	[bflag:$0x0] =	sbarrier.arrive $0xFFFF  }
0x44b: {  	_ =	strace $0x90000047  }
0x44c: {  	s0 =	stileid.u32;
	[bflag:$0x2] =	sbarrier.arrive $0xFFFF  }
0x44d: {  	p0 =	sne.s32 s0, $0x0;
	s0 =	rddreg [dreg:$0x4]  }
0x44e: {  	s0 =	sadd.s32 @!p0 $0x100000, s0  }
0x44f: {  	[sflag:s0] =	ssyncadd.tile.s32 @!p0 $0x1;
	_ =	shalt  }
.Lfunc_end2:
_tile_overlayer_lowered:
.L_overlay_start_2:
0x450: {  	(tag) =	ssettag $0x2  }
0x451: {  	s0 =	rddreg [dreg:$0x0];
	s2 =	stileid.u32  }
0x452: {  	s1 =	rddreg [dreg:$0x1];
	p0 =	sne.s32 s2, $0x0  }
0x453: {  	s3 =	rddreg [dreg:$0x2];
	[bflag:$0x3] =	sbarrier.arrive $0xFFFF;
	s2 =	simm.s32 @!p0 $0x1C0D  }
0x454: {  	[timem:s3], [sflag:s2] =	dma.local @!p0 [hbm:s0], s1  }
0x455: {  	s0 =	simm.s32 @!p0 $0xD  }
0x456: {  	_ =	swait.ge @!p0 [sflag:s0], s1  }
0x457: {  	s1 =	ssub.s32 @!p0 $0x0, s1;
	[sflag:s0] =	ssyncset.done @!p0 $0x0  }
0x458: {  	[sflag:s0] =	ssyncadd.s32 @!p0 s1  }
0x459: {  	[bflag:$0x3] =	sbarrier.arrive $0xFFFF  }
0x45a: {  	_ =	shalt  }

</sc_bundles>
